<compile_context>
chip_gen: v7x
topology: tpu7x:2x2x1
jax: 0.10.2.dev20260603
libtpu: 0.0.44.dev20260713+nightly
codegen_flags: <defaults>
</compile_context>

<pallas_src>
import functools

import jax
import jax.numpy as jnp
from jax import lax
from jax.experimental import pallas as pl
from jax.experimental.pallas import tpu as pltpu
from jax.experimental.pallas import tpu_sc as plsc

NC = 2
NS = 16
NW = NC * NS

DIM = 32
K = 16
NUM_REL = 64
BLK = 512


def _mesh():
    return plsc.VectorSubcoreMesh(core_axis_name="c", subcore_axis_name="s")


def _wid():
    return lax.axis_index("s") * NC + lax.axis_index("c")


_SC_PARAMS = pltpu.CompilerParams(
    use_tc_tiling_on_sc=False, needs_layout_passes=False)


def _remap_row(x, pack_log):
    m = (1 << pack_log) - 1
    blk = x & (-(1024 << pack_log))
    return blk | ((x & 1023) << pack_log) | ((x >> 10) & m)


def _remap_idx(src_v, dst_v, n, pack_log):
    def body(t, c):
        x = src_v[pl.ds(t * 16, 16)]
        dst_v[pl.ds(t * 16, 16)] = _remap_row(x, pack_log)
        return c

    lax.fori_loop(0, n // 16, body, 0)


def _remap_row_e(x):
    return _remap_row(x, 3)


def _remap_idx_e(src_v, dst_v, n):
    _remap_idx(src_v, dst_v, n, 3)


def _pack_bf16(a, b):
    ab = lax.bitcast_convert_type(a, jnp.int32)
    bb = lax.bitcast_convert_type(b, jnp.int32)
    ra = ((ab + 0x7FFF + ((ab >> 16) & 1)) >> 16) & 0xFFFF
    rb = ((bb + 0x7FFF + ((bb >> 16) & 1)) >> 16) & 0xFFFF
    return ra | (rb << 16)



_EC = 16384
_AC = 16384


def _tr_e_body(x_ref, o_ref):
    x = x_ref[...]
    w = _pack_bf16(x[0:16, :], x[16:32, :])
    for g in range(_EC // 8192):
        stk = jnp.concatenate(
            [w[:, g * 8192 + q * 1024:g * 8192 + (q + 1) * 1024]
             for q in range(8)], axis=0)
        o_ref[g * 1024:(g + 1) * 1024, :] = stk.T


def _tr_a_body(a_ref, r_ref, oc_ref):
    c = a_ref[...] | (r_ref[...] << 26)
    for g in range(_AC // 8192):
        stk = jnp.concatenate(
            [c[:, g * 8192 + q * 1024:g * 8192 + (q + 1) * 1024]
             for q in range(8)], axis=0)
        oc_ref[g * 1024:(g + 1) * 1024, :] = stk.T


def _relayout_tables(ent, adj_e, adj_r):
    T = ent.shape[0]
    ge = -(-T // _EC)
    epad = pl.pallas_call(
        _tr_e_body,
        grid=(ge,),
        in_specs=[pl.BlockSpec((DIM, _EC), lambda i: (0, i))],
        out_specs=pl.BlockSpec((_EC // 8, 128), lambda i: (i, 0)),
        out_shape=jax.ShapeDtypeStruct((ge * _EC // 8, 128), jnp.int32),
    )(ent.T)
    e_rm = epad.reshape(ge * _EC, DIM // 2)

    ga = -(-T // _AC)
    cpad = pl.pallas_call(
        _tr_a_body,
        grid=(ga,),
        in_specs=[
            pl.BlockSpec((K, _AC), lambda i: (0, i)),
            pl.BlockSpec((K, _AC), lambda i: (0, i)),
        ],
        out_specs=pl.BlockSpec((_AC // 8, 128), lambda i: (i, 0)),
        out_shape=jax.ShapeDtypeStruct((ga * _AC // 8, 128), jnp.int32),
    )(adj_e.T, adj_r.T)
    c_rm = cpad.reshape(ga * _AC, K)
    return e_rm, c_rm



def _sc_stage1(u, v, ent, adj_c):
    B = u.shape[0]
    n = B // NW

    @functools.partial(
        pl.kernel,
        mesh=_mesh(),
        compiler_params=_SC_PARAMS,
        out_type=(
            jax.ShapeDtypeStruct((B, DIM // 2), jnp.int32),
            jax.ShapeDtypeStruct((B, DIM // 2), jnp.int32),
            jax.ShapeDtypeStruct((B, K), jnp.int32),
        ),
        scratch_types=[
            pltpu.VMEM((n,), jnp.int32),
            pltpu.VMEM((n,), jnp.int32),
            pltpu.VMEM((n,), jnp.int32),
            pltpu.VMEM((n,), jnp.int32),
            pltpu.VMEM((n,), jnp.int32),
            pltpu.VMEM((n, DIM // 2), jnp.int32),
            pltpu.VMEM((n, DIM // 2), jnp.int32),
            pltpu.VMEM((n, K), jnp.int32),
            pltpu.SemaphoreType.DMA,
        ],
    )
    def k(u_h, v_h, e_h, ac_h, ue_h, ev_h, c1_h,
          iu, iv, ifu, ifv, igv, ue_v, ev_v, c1_v, sem):
        base = pl.multiple_of(_wid() * n, 8)
        pltpu.sync_copy(u_h.at[pl.ds(base, n)], iu)
        pltpu.sync_copy(v_h.at[pl.ds(base, n)], iv)
        _remap_idx_e(iu, ifu, n)
        _remap_idx_e(iv, ifv, n)
        _remap_idx(iv, igv, n, 3)
        c1 = pltpu.async_copy(e_h.at[ifu], ue_v, sem)
        c2 = pltpu.async_copy(e_h.at[ifv], ev_v, sem)
        c3 = pltpu.async_copy(ac_h.at[igv], c1_v, sem)
        c1.wait()
        c2.wait()
        c3.wait()
        pltpu.sync_copy(ue_v, ue_h.at[pl.ds(base, n)])
        pltpu.sync_copy(ev_v, ev_h.at[pl.ds(base, n)])
        pltpu.sync_copy(c1_v, c1_h.at[pl.ds(base, n)])

    return k(u, v, ent, adj_c)



def _sc_stage2(c1_flat, ent, adj_c):
    N = c1_flat.shape[0]
    n = N // NW
    C = 1024
    chunks = n // C

    @functools.partial(
        pl.kernel,
        mesh=_mesh(),
        compiler_params=_SC_PARAMS,
        out_type=(
            jax.ShapeDtypeStruct((N, DIM // 2), jnp.int32),
            jax.ShapeDtypeStruct((N, K), jnp.int32),
        ),
        scratch_types=[
            pltpu.VMEM((C,), jnp.int32),
            pltpu.VMEM((C,), jnp.int32),
            pltpu.VMEM((C,), jnp.int32),
            pltpu.VMEM((C,), jnp.int32),
            pltpu.VMEM((C, DIM // 2), jnp.int32),
            pltpu.VMEM((C, K), jnp.int32),
            pltpu.SemaphoreType.DMA,
        ],
    )
    def k(idx_h, e_h, ac_h, en1_h, c2_h,
          idx_v, idm_v, idf_v, idg_v, er_v, c2_v, sem):
        tile_base = _wid() * n

        def body(i, carry):
            base = pl.multiple_of(tile_base + i * C, 8)
            pltpu.sync_copy(idx_h.at[pl.ds(base, C)], idx_v)

            def mbody(t, cc):
                idm_v[pl.ds(t * 16, 16)] = (
                    idx_v[pl.ds(t * 16, 16)] & 0x03FFFFFF)
                return cc

            lax.fori_loop(0, C // 16, mbody, 0)
            _remap_idx_e(idm_v, idf_v, C)
            _remap_idx(idm_v, idg_v, C, 3)
            c1 = pltpu.async_copy(e_h.at[idf_v], er_v, sem)
            c2 = pltpu.async_copy(ac_h.at[idg_v], c2_v, sem)
            c1.wait()
            c2.wait()
            pltpu.sync_copy(er_v, en1_h.at[pl.ds(base, C)])
            pltpu.sync_copy(c2_v, c2_h.at[pl.ds(base, C)])
            return carry

        lax.fori_loop(0, chunks, body, 0)

    return k(c1_flat, ent, adj_c)



def _sc_stage3(c2, c1, es_flat, ent):
    NG = c2.shape[0]
    B = NG // K
    n_groups = NG // NW
    BT = B // NW
    G = 64
    chunks = n_groups // G
    pairs = chunks // 2

    @functools.partial(
        pl.kernel,
        mesh=_mesh(),
        compiler_params=_SC_PARAMS,
        out_type=(
            jax.ShapeDtypeStruct((NG, DIM), jnp.float32),
            jax.ShapeDtypeStruct((B, K), jnp.float32),
        ),
        scratch_types=[
            pltpu.VMEM((BT * NUM_REL,), jnp.float32),
            pltpu.VMEM((BT, K), jnp.int32),
            pltpu.VMEM((BT, K), jnp.float32),
            pltpu.VMEM((G, K), jnp.int32),
            pltpu.VMEM((G, K), jnp.int32),
            pltpu.VMEM((G * K,), jnp.int32),
            pltpu.VMEM((G * K,), jnp.int32),
            pltpu.VMEM((G * K, DIM // 2), jnp.int32),
            pltpu.VMEM((G * K, DIM // 2), jnp.int32),
            pltpu.VMEM((G, DIM), jnp.float32),
            pltpu.SemaphoreType.DMA,
            pltpu.SemaphoreType.DMA,
        ],
    )
    def k(c2_h, c1_h, es_h, e_h, agg_h, p1_h,
          es_v, nr1_v, p1_v, ixa, ixb, ifa, ifb,
          rwa, rwb, agg_v, sema, semb):
        wid = _wid()
        tb = pl.multiple_of(wid * BT, 8)
        tile_gbase = wid * n_groups
        pltpu.sync_copy(es_h.at[pl.ds(tb * NUM_REL, BT * NUM_REL)], es_v)
        pltpu.sync_copy(c1_h.at[pl.ds(tb, BT)], nr1_v)

        def p1_body(b, c):
            rel = lax.shift_right_logical(nr1_v[b, :], 26)
            e = plsc.load_gather(es_v, [rel + b * NUM_REL])
            p1_v[b, :] = e / jnp.sum(e)
            return c

        lax.fori_loop(0, BT, p1_body, 0)
        pltpu.sync_copy(p1_v, p1_h.at[pl.ds(tb, BT)])

        def stage(c, ix_v, if_v, rw_v, sem):
            gb = pl.multiple_of(tile_gbase + c * G, 8)
            pltpu.sync_copy(c2_h.at[pl.ds(gb, G)], ix_v)

            def rbody(t, cc):
                if_v[pl.ds(t * K, K)] = _remap_row_e(
                    ix_v[t, :] & 0x03FFFFFF)
                return cc

            lax.fori_loop(0, G, rbody, 0)
            pltpu.async_copy(e_h.at[if_v], rw_v, sem)

        def compute(c, ix_v, rw_v, sem):
            pltpu.make_async_copy(e_h.at[pl.ds(0, G * K)], rw_v, sem).wait()

            def group_body(g, cc):
                b_loc = (c * G + g) // K
                rel = lax.shift_right_logical(ix_v[g, :], 26)
                e = plsc.load_gather(es_v, [rel + b_loc * NUM_REL])
                p = e / jnp.sum(e)
                acc0 = jnp.zeros((K,), jnp.float32)
                acc1 = jnp.zeros((K,), jnp.float32)
                for kk in range(K):
                    pk = p[kk]
                    row = plsc.bitcast(rw_v[g * K + kk, :], jnp.bfloat16)
                    r0, r1 = plsc.unpack(row, format=plsc.PackFormat.INTERLEAVED)
                    acc0 = acc0 + pk * r0
                    acc1 = acc1 + pk * r1
                agg_v[g, 0:K] = acc0
                agg_v[g, K:DIM] = acc1
                return cc

            lax.fori_loop(0, G, group_body, 0)
            pltpu.sync_copy(
                agg_v, agg_h.at[pl.ds(pl.multiple_of(tile_gbase + c * G, 8), G)])

        stage(0, ixa, ifa, rwa, sema)

        def pair_body(i, carry):
            stage(2 * i + 1, ixb, ifb, rwb, semb)
            compute(2 * i, ixa, rwa, sema)

            @pl.when(i < pairs - 1)
            def _():
                stage(2 * i + 2, ixa, ifa, rwa, sema)

            compute(2 * i + 1, ixb, rwb, semb)
            return carry

        lax.fori_loop(0, pairs, pair_body, 0)

    return k(c2, c1, es_flat, ent)



def _unpack_bf16(w):
    lo = lax.bitcast_convert_type(w << 16, jnp.float32)
    hi = lax.bitcast_convert_type(w & jnp.int32(-65536), jnp.float32)
    return lo, hi


def _es_body(ue_r, rt_r, es_r):
    lo, hi = _unpack_bf16(ue_r[...])
    ue = jnp.concatenate([lo, hi], axis=1)
    es_r[...] = jnp.exp(jnp.dot(ue, rt_r[...],
                                precision=lax.Precision.HIGHEST))


def _tc_es(ue, rt):
    B = ue.shape[0]
    return pl.pallas_call(
        _es_body,
        in_specs=[
            pl.BlockSpec((B, DIM // 2), lambda: (0, 0)),
            pl.BlockSpec((DIM, NUM_REL), lambda: (0, 0)),
        ],
        out_specs=pl.BlockSpec((B, NUM_REL), lambda: (0, 0)),
        out_shape=jax.ShapeDtypeStruct((B, NUM_REL), jnp.float32),
    )(ue, rt)



def _tc_body(ue_r, ev_r, en1_r, agg2_r, p1_r, wbd_r, wt_r, b_r, bt_r, out_r):
    hi = lax.Precision.HIGHEST
    ulo, uhi = _unpack_bf16(ue_r[...])
    ue = jnp.concatenate([ulo, uhi], axis=1)
    vlo, vhi = _unpack_bf16(ev_r[...])
    ev = jnp.concatenate([vlo, vhi], axis=1)
    elo, ehi = _unpack_bf16(en1_r[...])
    en1 = jnp.concatenate(
        [t for j in range(K)
         for t in (elo[:, j * K:(j + 1) * K], ehi[:, j * K:(j + 1) * K])],
        axis=1)
    p1 = p1_r[...]
    wt = wt_r[...]
    bb = b_r[...]

    x = en1 + agg2_r[...]
    h1 = jax.nn.sigmoid(
        jnp.dot(x, wbd_r[...], precision=hi) + bt_r[...])

    agg1 = jnp.zeros((BLK, DIM), jnp.float32)
    aggt = jnp.zeros((BLK, DIM), jnp.float32)
    for j in range(K):
        pj = p1[:, j:j + 1]
        agg1 = agg1 + pj * en1[:, j * DIM:(j + 1) * DIM]
        aggt = aggt + pj * h1[:, j * DIM:(j + 1) * DIM]
    h0 = jax.nn.sigmoid(jnp.dot(ev + agg1, wt, precision=hi) + bb)
    item = jnp.tanh(jnp.dot(h0 + aggt, wt, precision=hi) + bb)
    out = jax.nn.sigmoid(jnp.sum(ue * item, axis=-1))
    out_r[...] = out.reshape(1, 1, BLK)


def _tc_dense(ue, ev, en1r, agg2r, p1, wbd, wt, b2, bt):
    B = ue.shape[0]
    Gn = B // BLK
    out = pl.pallas_call(
        _tc_body,
        grid=(Gn,),
        in_specs=[
            pl.BlockSpec((BLK, DIM // 2), lambda i: (i, 0)),
            pl.BlockSpec((BLK, DIM // 2), lambda i: (i, 0)),
            pl.BlockSpec((BLK, K * DIM // 2), lambda i: (i, 0)),
            pl.BlockSpec((BLK, K * DIM), lambda i: (i, 0)),
            pl.BlockSpec((BLK, K), lambda i: (i, 0)),
            pl.BlockSpec((K * DIM, K * DIM), lambda i: (0, 0)),
            pl.BlockSpec((DIM, DIM), lambda i: (0, 0)),
            pl.BlockSpec((1, DIM), lambda i: (0, 0)),
            pl.BlockSpec((1, K * DIM), lambda i: (0, 0)),
        ],
        out_specs=pl.BlockSpec((1, 1, BLK), lambda i: (i, 0, 0)),
        out_shape=jax.ShapeDtypeStruct((Gn, 1, BLK), jnp.float32),
    )(ue, ev, en1r, agg2r, p1, wbd, wt, b2, bt)
    return out.reshape(B)


def kernel(u, v, entity_table, rel_table, adj_ent, adj_rel, W, b):
    B = u.shape[0]
    u = u.astype(jnp.int32)
    v = v.astype(jnp.int32)
    adj_ent = adj_ent.astype(jnp.int32)
    adj_rel = adj_rel.astype(jnp.int32)

    e_rm, c_rm = _relayout_tables(entity_table, adj_ent, adj_rel)
    ue, ev, cadj1 = _sc_stage1(u, v, e_rm, c_rm)
    es = _tc_es(ue, rel_table.T)
    en1, cadj2 = _sc_stage2(cadj1.reshape(B * K), e_rm, c_rm)
    agg2, p1 = _sc_stage3(cadj2, cadj1, es.reshape(B * NUM_REL), e_rm)

    en1r = en1.reshape(B, K * DIM // 2)
    agg2r = agg2.reshape(B, K * DIM)
    wt = W.T
    wbd = jnp.kron(jnp.eye(K, dtype=jnp.float32), wt)
    b2 = b.reshape(1, DIM)
    bt = jnp.tile(b, K).reshape(1, K * DIM)
    return _tc_dense(ue, ev, en1r, agg2r, p1, wbd, wt, b2, bt)

# --- scband reference (transcript-rebuilt; emitter-appended) ---
"""Pipeline reference for scband-kgcn-42039139893748 (READ-ONLY COPY).

The authoritative reference and input builder live on the scoring server;
editing this copy changes nothing except your own understanding.
"""

import jax, jax.numpy as jnp
import numpy as np

NUM_ENT = 1000000
NUM_USER = 100000
NUM_REL = 64
DIM = 32
N_NEIGHBOR = 16
N_ITER = 2
BATCH = 4096


def setup_inputs(seed: int = 0) -> dict:
    key = jax.random.key(seed)
    k1, k2, k3, k4, k5, k6, k7, k8 = jax.random.split(key, 8)
    total = NUM_ENT + NUM_USER
    u = jax.random.randint(k1, (BATCH,), 0, total, dtype=jnp.int64 if jax.config.jax_enable_x64 else jnp.int32)
    v = jax.random.randint(k2, (BATCH,), 0, NUM_ENT, dtype=jnp.int64 if jax.config.jax_enable_x64 else jnp.int32)
    entity_table = jax.random.normal(k3, (total, DIM), dtype=jnp.float32) * 0.05
    rel_table = jax.random.normal(k4, (NUM_REL, DIM), dtype=jnp.float32) * 0.05
    adj_ent = jax.random.randint(k5, (total, N_NEIGHBOR), 0, total)
    adj_rel = jax.random.randint(k6, (total, N_NEIGHBOR), 0, NUM_REL)
    W = jax.random.normal(k7, (DIM, DIM), dtype=jnp.float32) * (1.0 / np.sqrt(DIM))
    b = jnp.zeros((DIM,), dtype=jnp.float32)
    return {"u": u, "v": v, "entity_table": entity_table, "rel_table": rel_table,
            "adj_ent": adj_ent, "adj_rel": adj_rel, "W": W, "b": b}


def _aggregator(self_vectors, neighbor_vectors, neighbor_relations, user_embeddings, W, b, act):
    B = user_embeddings.shape[0]
    dim = user_embeddings.shape[-1]
    ue = user_embeddings.reshape(B, 1, 1, dim)
    scores = (ue * neighbor_relations).sum(axis=-1)
    p = jax.nn.softmax(scores, axis=-1)[..., None]
    neighbors_agg = (p * neighbor_vectors).sum(axis=2)
    out = (self_vectors + neighbors_agg).reshape(-1, dim)
    out = out @ W.T + b
    return act(out.reshape(B, -1, dim))


def reference(u, v, entity_table, rel_table, adj_ent, adj_rel, W, b):
    B = u.shape[0]
    dim = entity_table.shape[1]
    user_emb = entity_table[u]  # [B, dim]
    entities = [v.reshape(B, 1)]
    relations = []
    for h in range(N_ITER):
        ne = adj_ent[entities[h]].reshape(B, -1)
        nr = adj_rel[entities[h]].reshape(B, -1)
        entities.append(ne)
        relations.append(nr)
    ev = [entity_table[e] for e in entities]
    rv = [rel_table[r] for r in relations]
    for i in range(N_ITER):
        act = jnp.tanh if i == N_ITER - 1 else jax.nn.sigmoid
        nxt = []
        for hop in range(N_ITER - i):
            nbr = ev[hop + 1].reshape(B, -1, N_NEIGHBOR, dim)
            rel = rv[hop].reshape(B, -1, N_NEIGHBOR, dim)
            nxt.append(_aggregator(ev[hop], nbr, rel, user_emb, W, b, act))
        ev = nxt
    item_emb = ev[0].reshape(B, dim)
    return jax.nn.sigmoid((user_emb * item_emb).sum(axis=1))

if __name__ == "__main__":
    import jax
    _d = setup_inputs()
    print(jax.jit(kernel)(*tuple(_d.values())))

</pallas_src>

<mosaic_0001>
#map = affine_map<(d0, d1) -> (0)>
#map1 = affine_map<(d0, d1) -> (0, 0)>
module attributes {stable_mosaic.version = 14 : i64} {
  func.func @k(%arg0: i32, %arg1: i32, %arg2: memref<4096xi32, #tpu.memory_space<hbm>>, %arg3: memref<4096xi32, #tpu.memory_space<hbm>>, %arg4: memref<1114112x16xi32, #tpu.memory_space<hbm>>, %arg5: memref<1114112x16xi32, #tpu.memory_space<hbm>>, %arg6: memref<4096x16xi32, #tpu.memory_space<hbm>>, %arg7: memref<4096x16xi32, #tpu.memory_space<hbm>>, %arg8: memref<4096x16xi32, #tpu.memory_space<hbm>>, %arg9: memref<128xi32, #tpu.memory_space<vmem>>, %arg10: memref<128xi32, #tpu.memory_space<vmem>>, %arg11: memref<128xi32, #tpu.memory_space<vmem>>, %arg12: memref<128xi32, #tpu.memory_space<vmem>>, %arg13: memref<128xi32, #tpu.memory_space<vmem>>, %arg14: memref<128x16xi32, #tpu.memory_space<vmem>>, %arg15: memref<128x16xi32, #tpu.memory_space<vmem>>, %arg16: memref<128x16xi32, #tpu.memory_space<vmem>>, %arg17: memref<!tpu.dma_semaphore, #tpu.memory_space<semaphore_mem>>) attributes {dimension_semantics = [#tpu.dimension_semantics<core_parallel>, #tpu.dimension_semantics<subcore_parallel>], iteration_bounds = array<i64: 2, 16>, scalar_prefetch = 0 : i64, scratch_operands = 9 : i64, tpu.core_type = #tpu.core_type<sc_vector_subcore>, window_params = [{transform_indices = #map}, {transform_indices = #map}, {transform_indices = #map1}, {transform_indices = #map1}, {transform_indices = #map1}, {transform_indices = #map1}, {transform_indices = #map1}]} {
    %mul3A = arith.constant 2 : i32
    %mul3A_0 = arith.muli %arg1, %mul3A : i32
    %add3A = arith.addi %mul3A_0, %arg0 : i32
    %mul3A_1 = arith.constant 128 : i32
    %mul3A_2 = arith.muli %add3A, %mul3A_1 : i32
    %multiple_of3A = tpu.assume_multiple %mul3A_2, 8 : i32
    "tpu.region"() ({
      %run_scoped3A = tpu.sem_alloc : memref<!tpu.dma_semaphore, #tpu.memory_space<semaphore_mem>>
      %dma_start3A_36 = tpu.memref_slice %arg2[%multiple_of3A] : memref<4096xi32, #tpu.memory_space<hbm>> -> memref<128xi32, #tpu.memory_space<hbm>>
      %dma_start3A_37 = tpu.memref_slice %arg2[%multiple_of3A] : memref<4096xi32, #tpu.memory_space<hbm>> -> memref<128xi32, #tpu.memory_space<hbm>>
      tpu.enqueue_dma source(%dma_start3A_37 : memref<128xi32, #tpu.memory_space<hbm>>) target(%arg9 : memref<128xi32, #tpu.memory_space<vmem>>) target_semaphore(%run_scoped3A : memref<!tpu.dma_semaphore, #tpu.memory_space<semaphore_mem>>)
      %dma_wait3A_38 = tpu.memref_slice %arg2[%multiple_of3A] : memref<4096xi32, #tpu.memory_space<hbm>> -> memref<128xi32, #tpu.memory_space<hbm>>
      %dma_wait3A_39 = tpu.memref_slice %arg2[%multiple_of3A] : memref<4096xi32, #tpu.memory_space<hbm>> -> memref<128xi32, #tpu.memory_space<hbm>>
      tpu.wait_dma2 semaphore(%run_scoped3A : memref<!tpu.dma_semaphore, #tpu.memory_space<semaphore_mem>>) src(%dma_wait3A_39 : memref<128xi32, #tpu.memory_space<hbm>>) dst(%arg9 : memref<128xi32, #tpu.memory_space<vmem>>)
      tpu.yield
    }) : () -> ()
    "tpu.region"() ({
      %run_scoped3A = tpu.sem_alloc : memref<!tpu.dma_semaphore, #tpu.memory_space<semaphore_mem>>
      %dma_start3A_36 = tpu.memref_slice %arg3[%multiple_of3A] : memref<4096xi32, #tpu.memory_space<hbm>> -> memref<128xi32, #tpu.memory_space<hbm>>
      %dma_start3A_37 = tpu.memref_slice %arg3[%multiple_of3A] : memref<4096xi32, #tpu.memory_space<hbm>> -> memref<128xi32, #tpu.memory_space<hbm>>
      tpu.enqueue_dma source(%dma_start3A_37 : memref<128xi32, #tpu.memory_space<hbm>>) target(%arg10 : memref<128xi32, #tpu.memory_space<vmem>>) target_semaphore(%run_scoped3A : memref<!tpu.dma_semaphore, #tpu.memory_space<semaphore_mem>>)
      %dma_wait3A_38 = tpu.memref_slice %arg3[%multiple_of3A] : memref<4096xi32, #tpu.memory_space<hbm>> -> memref<128xi32, #tpu.memory_space<hbm>>
      %dma_wait3A_39 = tpu.memref_slice %arg3[%multiple_of3A] : memref<4096xi32, #tpu.memory_space<hbm>> -> memref<128xi32, #tpu.memory_space<hbm>>
      tpu.wait_dma2 semaphore(%run_scoped3A : memref<!tpu.dma_semaphore, #tpu.memory_space<semaphore_mem>>) src(%dma_wait3A_39 : memref<128xi32, #tpu.memory_space<hbm>>) dst(%arg10 : memref<128xi32, #tpu.memory_space<vmem>>)
      tpu.yield
    }) : () -> ()
    %scan3A = arith.constant 0 : i32
    %scan3A_3 = arith.constant 0 : i32
    %scan3A_4 = arith.constant 8 : i32
    %scan3A_5 = arith.addi %scan3A_3, %scan3A_4 : i32
    %scan3A_6 = arith.constant 1 : i32
    scf.for %scan3A_36 = %scan3A_3 to %scan3A_5 step %scan3A_6  : i32 {
      %mul3A_37 = arith.constant 16 : i32
      %mul3A_38 = arith.muli %scan3A_36, %mul3A_37 : i32
      %get3A = arith.index_cast %mul3A_38 : i32 to index
      %get3A_39 = tpu.vector_load %arg9[%get3A] {strides = array<i32>} : memref<128xi32, #tpu.memory_space<vmem>>, vector<16xi32>,
      %and3A = arith.constant -8192 : i32
      %and3A_40 = vector.broadcast %and3A : i32 to vector<16xi32>
      %and3A_41 = arith.andi %get3A_39, %and3A_40 : vector<16xi32>
      %and3A_42 = arith.constant 1023 : i32
      %and3A_43 = vector.broadcast %and3A_42 : i32 to vector<16xi32>
      %and3A_44 = arith.andi %get3A_39, %and3A_43 : vector<16xi32>
      %shift_left3A = arith.constant 3 : i32
      %shift_left3A_45 = vector.broadcast %shift_left3A : i32 to vector<16xi32>
      %shift_left3A_46 = arith.shli %and3A_44, %shift_left3A_45 : vector<16xi32>
      %or3A = arith.ori %and3A_41, %shift_left3A_46 : vector<16xi32>
      %shift_right_arithmetic3A = arith.constant 10 : i32
      %shift_right_arithmetic3A_47 = vector.broadcast %shift_right_arithmetic3A : i32 to vector<16xi32>
      %shift_right_arithmetic3A_48 = arith.shrsi %get3A_39, %shift_right_arithmetic3A_47 : vector<16xi32>
      %and3A_49 = arith.constant 7 : i32
      %and3A_50 = vector.broadcast %and3A_49 : i32 to vector<16xi32>
      %and3A_51 = arith.andi %shift_right_arithmetic3A_48, %and3A_50 : vector<16xi32>
      %or3A_52 = arith.ori %or3A, %and3A_51 : vector<16xi32>
      %mul3A_53 = arith.constant 16 : i32
      %mul3A_54 = arith.muli %scan3A_36, %mul3A_53 : i32
      %swap3A = arith.index_cast %mul3A_54 : i32 to index
      %swap3A_55 = tpu.vector_load %arg11[%swap3A] {strides = array<i32>} : memref<128xi32, #tpu.memory_space<vmem>>, vector<16xi32>,
      tpu.vector_store %arg11[%swap3A], %or3A_52 {strides = array<i32>} : memref<128xi32, #tpu.memory_space<vmem>>, vector<16xi32>,
    }
    %scan3A_7 = arith.constant 8 : i32
    %scan3A_8 = arith.constant 0 : i32
    %scan3A_9 = arith.constant 0 : i32
    %scan3A_10 = arith.constant 8 : i32
    %scan3A_11 = arith.addi %scan3A_9, %scan3A_10 : i32
    %scan3A_12 = arith.constant 1 : i32
    scf.for %scan3A_36 = %scan3A_9 to %scan3A_11 step %scan3A_12  : i32 {
      %mul3A_37 = arith.constant 16 : i32
      %mul3A_38 = arith.muli %scan3A_36, %mul3A_37 : i32
      %get3A = arith.index_cast %mul3A_38 : i32 to index
      %get3A_39 = tpu.vector_load %arg10[%get3A] {strides = array<i32>} : memref<128xi32, #tpu.memory_space<vmem>>, vector<16xi32>,
      %and3A = arith.constant -8192 : i32
      %and3A_40 = vector.broadcast %and3A : i32 to vector<16xi32>
      %and3A_41 = arith.andi %get3A_39, %and3A_40 : vector<16xi32>
      %and3A_42 = arith.constant 1023 : i32
      %and3A_43 = vector.broadcast %and3A_42 : i32 to vector<16xi32>
      %and3A_44 = arith.andi %get3A_39, %and3A_43 : vector<16xi32>
      %shift_left3A = arith.constant 3 : i32
      %shift_left3A_45 = vector.broadcast %shift_left3A : i32 to vector<16xi32>
      %shift_left3A_46 = arith.shli %and3A_44, %shift_left3A_45 : vector<16xi32>
      %or3A = arith.ori %and3A_41, %shift_left3A_46 : vector<16xi32>
      %shift_right_arithmetic3A = arith.constant 10 : i32
      %shift_right_arithmetic3A_47 = vector.broadcast %shift_right_arithmetic3A : i32 to vector<16xi32>
      %shift_right_arithmetic3A_48 = arith.shrsi %get3A_39, %shift_right_arithmetic3A_47 : vector<16xi32>
      %and3A_49 = arith.constant 7 : i32
      %and3A_50 = vector.broadcast %and3A_49 : i32 to vector<16xi32>
      %and3A_51 = arith.andi %shift_right_arithmetic3A_48, %and3A_50 : vector<16xi32>
      %or3A_52 = arith.ori %or3A, %and3A_51 : vector<16xi32>
      %mul3A_53 = arith.constant 16 : i32
      %mul3A_54 = arith.muli %scan3A_36, %mul3A_53 : i32
      %swap3A = arith.index_cast %mul3A_54 : i32 to index
      %swap3A_55 = tpu.vector_load %arg12[%swap3A] {strides = array<i32>} : memref<128xi32, #tpu.memory_space<vmem>>, vector<16xi32>,
      tpu.vector_store %arg12[%swap3A], %or3A_52 {strides = array<i32>} : memref<128xi32, #tpu.memory_space<vmem>>, vector<16xi32>,
    }
    %scan3A_13 = arith.constant 8 : i32
    %scan3A_14 = arith.constant 0 : i32
    %scan3A_15 = arith.constant 0 : i32
    %scan3A_16 = arith.constant 8 : i32
    %scan3A_17 = arith.addi %scan3A_15, %scan3A_16 : i32
    %scan3A_18 = arith.constant 1 : i32
    scf.for %scan3A_36 = %scan3A_15 to %scan3A_17 step %scan3A_18  : i32 {
      %mul3A_37 = arith.constant 16 : i32
      %mul3A_38 = arith.muli %scan3A_36, %mul3A_37 : i32
      %get3A = arith.index_cast %mul3A_38 : i32 to index
      %get3A_39 = tpu.vector_load %arg10[%get3A] {strides = array<i32>} : memref<128xi32, #tpu.memory_space<vmem>>, vector<16xi32>,
      %and3A = arith.constant -8192 : i32
      %and3A_40 = vector.broadcast %and3A : i32 to vector<16xi32>
      %and3A_41 = arith.andi %get3A_39, %and3A_40 : vector<16xi32>
      %and3A_42 = arith.constant 1023 : i32
      %and3A_43 = vector.broadcast %and3A_42 : i32 to vector<16xi32>
      %and3A_44 = arith.andi %get3A_39, %and3A_43 : vector<16xi32>
      %shift_left3A = arith.constant 3 : i32
      %shift_left3A_45 = vector.broadcast %shift_left3A : i32 to vector<16xi32>
      %shift_left3A_46 = arith.shli %and3A_44, %shift_left3A_45 : vector<16xi32>
      %or3A = arith.ori %and3A_41, %shift_left3A_46 : vector<16xi32>
      %shift_right_arithmetic3A = arith.constant 10 : i32
      %shift_right_arithmetic3A_47 = vector.broadcast %shift_right_arithmetic3A : i32 to vector<16xi32>
      %shift_right_arithmetic3A_48 = arith.shrsi %get3A_39, %shift_right_arithmetic3A_47 : vector<16xi32>
      %and3A_49 = arith.constant 7 : i32
      %and3A_50 = vector.broadcast %and3A_49 : i32 to vector<16xi32>
      %and3A_51 = arith.andi %shift_right_arithmetic3A_48, %and3A_50 : vector<16xi32>
      %or3A_52 = arith.ori %or3A, %and3A_51 : vector<16xi32>
      %mul3A_53 = arith.constant 16 : i32
      %mul3A_54 = arith.muli %scan3A_36, %mul3A_53 : i32
      %swap3A = arith.index_cast %mul3A_54 : i32 to index
      %swap3A_55 = tpu.vector_load %arg13[%swap3A] {strides = array<i32>} : memref<128xi32, #tpu.memory_space<vmem>>, vector<16xi32>,
      tpu.vector_store %arg13[%swap3A], %or3A_52 {strides = array<i32>} : memref<128xi32, #tpu.memory_space<vmem>>, vector<16xi32>,
    }
    %scan3A_19 = arith.constant 8 : i32
    %dma_start3A = arith.constant 0 : i32
    %dma_start3A_20 = arith.constant 0 : i32
    %dma_start3A_21 = tpu.memref_slice %arg4[%dma_start3A, %dma_start3A_20] : memref<1114112x16xi32, #tpu.memory_space<hbm>> -> memref<1114112x16xi32, #tpu.memory_space<hbm>>
    tpu.enqueue_indirect_dma source(%dma_start3A_21 : memref<1114112x16xi32, #tpu.memory_space<hbm>>) target(%arg14 : memref<128x16xi32, #tpu.memory_space<vmem>>) offsets(%arg11 : memref<128xi32, #tpu.memory_space<vmem>>) semaphore(%arg17 : memref<!tpu.dma_semaphore, #tpu.memory_space<semaphore_mem>>)
    %dma_start3A_22 = arith.constant 0 : i32
    %dma_start3A_23 = arith.constant 0 : i32
    %dma_start3A_24 = tpu.memref_slice %arg4[%dma_start3A_22, %dma_start3A_23] : memref<1114112x16xi32, #tpu.memory_space<hbm>> -> memref<1114112x16xi32, #tpu.memory_space<hbm>>
    tpu.enqueue_indirect_dma source(%dma_start3A_24 : memref<1114112x16xi32, #tpu.memory_space<hbm>>) target(%arg15 : memref<128x16xi32, #tpu.memory_space<vmem>>) offsets(%arg12 : memref<128xi32, #tpu.memory_space<vmem>>) semaphore(%arg17 : memref<!tpu.dma_semaphore, #tpu.memory_space<semaphore_mem>>)
    %dma_start3A_25 = arith.constant 0 : i32
    %dma_start3A_26 = arith.constant 0 : i32
    %dma_start3A_27 = tpu.memref_slice %arg5[%dma_start3A_25, %dma_start3A_26] : memref<1114112x16xi32, #tpu.memory_space<hbm>> -> memref<1114112x16xi32, #tpu.memory_space<hbm>>
    tpu.enqueue_indirect_dma source(%dma_start3A_27 : memref<1114112x16xi32, #tpu.memory_space<hbm>>) target(%arg16 : memref<128x16xi32, #tpu.memory_space<vmem>>) offsets(%arg13 : memref<128xi32, #tpu.memory_space<vmem>>) semaphore(%arg17 : memref<!tpu.dma_semaphore, #tpu.memory_space<semaphore_mem>>)
    %dma_wait3A = arith.constant 0 : i32
    %dma_wait3A_28 = arith.constant 0 : i32
    %dma_wait3A_29 = tpu.memref_slice %arg4[%dma_wait3A, %dma_wait3A_28] : memref<1114112x16xi32, #tpu.memory_space<hbm>> -> memref<1114112x16xi32, #tpu.memory_space<hbm>>
    tpu.wait_indirect_dma semaphore(%arg17 : memref<!tpu.dma_semaphore, #tpu.memory_space<semaphore_mem>>) src(%dma_wait3A_29 : memref<1114112x16xi32, #tpu.memory_space<hbm>>) dst(%arg14 : memref<128x16xi32, #tpu.memory_space<vmem>>)
    %dma_wait3A_30 = arith.constant 0 : i32
    %dma_wait3A_31 = arith.constant 0 : i32
    %dma_wait3A_32 = tpu.memref_slice %arg4[%dma_wait3A_30, %dma_wait3A_31] : memref<1114112x16xi32, #tpu.memory_space<hbm>> -> memref<1114112x16xi32, #tpu.memory_space<hbm>>
    tpu.wait_indirect_dma semaphore(%arg17 : memref<!tpu.dma_semaphore, #tpu.memory_space<semaphore_mem>>) src(%dma_wait3A_32 : memref<1114112x16xi32, #tpu.memory_space<hbm>>) dst(%arg15 : memref<128x16xi32, #tpu.memory_space<vmem>>)
    %dma_wait3A_33 = arith.constant 0 : i32
    %dma_wait3A_34 = arith.constant 0 : i32
    %dma_wait3A_35 = tpu.memref_slice %arg5[%dma_wait3A_33, %dma_wait3A_34] : memref<1114112x16xi32, #tpu.memory_space<hbm>> -> memref<1114112x16xi32, #tpu.memory_space<hbm>>
    tpu.wait_indirect_dma semaphore(%arg17 : memref<!tpu.dma_semaphore, #tpu.memory_space<semaphore_mem>>) src(%dma_wait3A_35 : memref<1114112x16xi32, #tpu.memory_space<hbm>>) dst(%arg16 : memref<128x16xi32, #tpu.memory_space<vmem>>)
    "tpu.region"() ({
      %run_scoped3A = tpu.sem_alloc : memref<!tpu.dma_semaphore, #tpu.memory_space<semaphore_mem>>
      %dma_start3A_36 = arith.constant 0 : i32
      %dma_start3A_37 = tpu.memref_slice %arg6[%multiple_of3A, %dma_start3A_36] : memref<4096x16xi32, #tpu.memory_space<hbm>> -> memref<128x16xi32, #tpu.memory_space<hbm>>
      %dma_start3A_38 = arith.constant 0 : i32
      %dma_start3A_39 = tpu.memref_slice %arg6[%multiple_of3A, %dma_start3A_38] : memref<4096x16xi32, #tpu.memory_space<hbm>> -> memref<128x16xi32, #tpu.memory_space<hbm>>
      tpu.enqueue_dma source(%arg14 : memref<128x16xi32, #tpu.memory_space<vmem>>) target(%dma_start3A_39 : memref<128x16xi32, #tpu.memory_space<hbm>>) target_semaphore(%run_scoped3A : memref<!tpu.dma_semaphore, #tpu.memory_space<semaphore_mem>>)
      %dma_wait3A_40 = arith.constant 0 : i32
      %dma_wait3A_41 = tpu.memref_slice %arg6[%multiple_of3A, %dma_wait3A_40] : memref<4096x16xi32, #tpu.memory_space<hbm>> -> memref<128x16xi32, #tpu.memory_space<hbm>>
      %dma_wait3A_42 = arith.constant 0 : i32
      %dma_wait3A_43 = tpu.memref_slice %arg6[%multiple_of3A, %dma_wait3A_42] : memref<4096x16xi32, #tpu.memory_space<hbm>> -> memref<128x16xi32, #tpu.memory_space<hbm>>
      tpu.wait_dma2 semaphore(%run_scoped3A : memref<!tpu.dma_semaphore, #tpu.memory_space<semaphore_mem>>) src(%arg14 : memref<128x16xi32, #tpu.memory_space<vmem>>) dst(%dma_wait3A_43 : memref<128x16xi32, #tpu.memory_space<hbm>>)
      tpu.yield
    }) : () -> ()
    "tpu.region"() ({
      %run_scoped3A = tpu.sem_alloc : memref<!tpu.dma_semaphore, #tpu.memory_space<semaphore_mem>>
      %dma_start3A_36 = arith.constant 0 : i32
      %dma_start3A_37 = tpu.memref_slice %arg7[%multiple_of3A, %dma_start3A_36] : memref<4096x16xi32, #tpu.memory_space<hbm>> -> memref<128x16xi32, #tpu.memory_space<hbm>>
      %dma_start3A_38 = arith.constant 0 : i32
      %dma_start3A_39 = tpu.memref_slice %arg7[%multiple_of3A, %dma_start3A_38] : memref<4096x16xi32, #tpu.memory_space<hbm>> -> memref<128x16xi32, #tpu.memory_space<hbm>>
      tpu.enqueue_dma source(%arg15 : memref<128x16xi32, #tpu.memory_space<vmem>>) target(%dma_start3A_39 : memref<128x16xi32, #tpu.memory_space<hbm>>) target_semaphore(%run_scoped3A : memref<!tpu.dma_semaphore, #tpu.memory_space<semaphore_mem>>)
      %dma_wait3A_40 = arith.constant 0 : i32
      %dma_wait3A_41 = tpu.memref_slice %arg7[%multiple_of3A, %dma_wait3A_40] : memref<4096x16xi32, #tpu.memory_space<hbm>> -> memref<128x16xi32, #tpu.memory_space<hbm>>
      %dma_wait3A_42 = arith.constant 0 : i32
      %dma_wait3A_43 = tpu.memref_slice %arg7[%multiple_of3A, %dma_wait3A_42] : memref<4096x16xi32, #tpu.memory_space<hbm>> -> memref<128x16xi32, #tpu.memory_space<hbm>>
      tpu.wait_dma2 semaphore(%run_scoped3A : memref<!tpu.dma_semaphore, #tpu.memory_space<semaphore_mem>>) src(%arg15 : memref<128x16xi32, #tpu.memory_space<vmem>>) dst(%dma_wait3A_43 : memref<128x16xi32, #tpu.memory_space<hbm>>)
      tpu.yield
    }) : () -> ()
    "tpu.region"() ({
      %run_scoped3A = tpu.sem_alloc : memref<!tpu.dma_semaphore, #tpu.memory_space<semaphore_mem>>
      %dma_start3A_36 = arith.constant 0 : i32
      %dma_start3A_37 = tpu.memref_slice %arg8[%multiple_of3A, %dma_start3A_36] : memref<4096x16xi32, #tpu.memory_space<hbm>> -> memref<128x16xi32, #tpu.memory_space<hbm>>
      %dma_start3A_38 = arith.constant 0 : i32
      %dma_start3A_39 = tpu.memref_slice %arg8[%multiple_of3A, %dma_start3A_38] : memref<4096x16xi32, #tpu.memory_space<hbm>> -> memref<128x16xi32, #tpu.memory_space<hbm>>
      tpu.enqueue_dma source(%arg16 : memref<128x16xi32, #tpu.memory_space<vmem>>) target(%dma_start3A_39 : memref<128x16xi32, #tpu.memory_space<hbm>>) target_semaphore(%run_scoped3A : memref<!tpu.dma_semaphore, #tpu.memory_space<semaphore_mem>>)
      %dma_wait3A_40 = arith.constant 0 : i32
      %dma_wait3A_41 = tpu.memref_slice %arg8[%multiple_of3A, %dma_wait3A_40] : memref<4096x16xi32, #tpu.memory_space<hbm>> -> memref<128x16xi32, #tpu.memory_space<hbm>>
      %dma_wait3A_42 = arith.constant 0 : i32
      %dma_wait3A_43 = tpu.memref_slice %arg8[%multiple_of3A, %dma_wait3A_42] : memref<4096x16xi32, #tpu.memory_space<hbm>> -> memref<128x16xi32, #tpu.memory_space<hbm>>
      tpu.wait_dma2 semaphore(%run_scoped3A : memref<!tpu.dma_semaphore, #tpu.memory_space<semaphore_mem>>) src(%arg16 : memref<128x16xi32, #tpu.memory_space<vmem>>) dst(%dma_wait3A_43 : memref<128x16xi32, #tpu.memory_space<hbm>>)
      tpu.yield
    }) : () -> ()
    return
  }
}

#map = affine_map<(d0, d1) -> (0)>
#map1 = affine_map<(d0, d1) -> (0, 0)>
module attributes {stable_mosaic.version = 14 : i64} {
  func.func @k(%arg0: i32, %arg1: i32, %arg2: memref<65536xi32, #tpu.memory_space<hbm>>, %arg3: memref<1114112x16xi32, #tpu.memory_space<hbm>>, %arg4: memref<1114112x16xi32, #tpu.memory_space<hbm>>, %arg5: memref<65536x16xi32, #tpu.memory_space<hbm>>, %arg6: memref<65536x16xi32, #tpu.memory_space<hbm>>, %arg7: memref<1024xi32, #tpu.memory_space<vmem>>, %arg8: memref<1024xi32, #tpu.memory_space<vmem>>, %arg9: memref<1024xi32, #tpu.memory_space<vmem>>, %arg10: memref<1024xi32, #tpu.memory_space<vmem>>, %arg11: memref<1024x16xi32, #tpu.memory_space<vmem>>, %arg12: memref<1024x16xi32, #tpu.memory_space<vmem>>, %arg13: memref<!tpu.dma_semaphore, #tpu.memory_space<semaphore_mem>>) attributes {dimension_semantics = [#tpu.dimension_semantics<core_parallel>, #tpu.dimension_semantics<subcore_parallel>], iteration_bounds = array<i64: 2, 16>, scalar_prefetch = 0 : i64, scratch_operands = 7 : i64, tpu.core_type = #tpu.core_type<sc_vector_subcore>, window_params = [{transform_indices = #map}, {transform_indices = #map1}, {transform_indices = #map1}, {transform_indices = #map1}, {transform_indices = #map1}]} {
    %mul3A = arith.constant 2 : i32
    %mul3A_0 = arith.muli %arg1, %mul3A : i32
    %add3A = arith.addi %mul3A_0, %arg0 : i32
    %mul3A_1 = arith.constant 2048 : i32
    %mul3A_2 = arith.muli %add3A, %mul3A_1 : i32
    %scan3A = arith.constant 0 : i32
    %scan3A_3 = arith.constant 0 : i32
    %scan3A_4 = arith.constant 2 : i32
    %scan3A_5 = arith.addi %scan3A_3, %scan3A_4 : i32
    %scan3A_6 = arith.constant 1 : i32
    scf.for %scan3A_8 = %scan3A_3 to %scan3A_5 step %scan3A_6  : i32 {
      %mul3A_9 = arith.constant 1024 : i32
      %mul3A_10 = arith.muli %scan3A_8, %mul3A_9 : i32
      %add3A_11 = arith.addi %mul3A_2, %mul3A_10 : i32
      %multiple_of3A = tpu.assume_multiple %add3A_11, 8 : i32
      "tpu.region"() ({
        %run_scoped3A = tpu.sem_alloc : memref<!tpu.dma_semaphore, #tpu.memory_space<semaphore_mem>>
        %dma_start3A_40 = tpu.memref_slice %arg2[%multiple_of3A] : memref<65536xi32, #tpu.memory_space<hbm>> -> memref<1024xi32, #tpu.memory_space<hbm>>
        %dma_start3A_41 = tpu.memref_slice %arg2[%multiple_of3A] : memref<65536xi32, #tpu.memory_space<hbm>> -> memref<1024xi32, #tpu.memory_space<hbm>>
        tpu.enqueue_dma source(%dma_start3A_41 : memref<1024xi32, #tpu.memory_space<hbm>>) target(%arg7 : memref<1024xi32, #tpu.memory_space<vmem>>) target_semaphore(%run_scoped3A : memref<!tpu.dma_semaphore, #tpu.memory_space<semaphore_mem>>)
        %dma_wait3A_42 = tpu.memref_slice %arg2[%multiple_of3A] : memref<65536xi32, #tpu.memory_space<hbm>> -> memref<1024xi32, #tpu.memory_space<hbm>>
        %dma_wait3A_43 = tpu.memref_slice %arg2[%multiple_of3A] : memref<65536xi32, #tpu.memory_space<hbm>> -> memref<1024xi32, #tpu.memory_space<hbm>>
        tpu.wait_dma2 semaphore(%run_scoped3A : memref<!tpu.dma_semaphore, #tpu.memory_space<semaphore_mem>>) src(%dma_wait3A_43 : memref<1024xi32, #tpu.memory_space<hbm>>) dst(%arg7 : memref<1024xi32, #tpu.memory_space<vmem>>)
        tpu.yield
      }) : () -> ()
      %scan3A_12 = arith.constant 0 : i32
      %scan3A_13 = arith.constant 0 : i32
      %scan3A_14 = arith.constant 64 : i32
      %scan3A_15 = arith.addi %scan3A_13, %scan3A_14 : i32
      %scan3A_16 = arith.constant 1 : i32
      scf.for %scan3A_40 = %scan3A_13 to %scan3A_15 step %scan3A_16  : i32 {
        %mul3A_41 = arith.constant 16 : i32
        %mul3A_42 = arith.muli %scan3A_40, %mul3A_41 : i32
        %get3A = arith.index_cast %mul3A_42 : i32 to index
        %get3A_43 = tpu.vector_load %arg7[%get3A] {strides = array<i32>} : memref<1024xi32, #tpu.memory_space<vmem>>, vector<16xi32>,
        %and3A = arith.constant 67108863 : i32
        %and3A_44 = vector.broadcast %and3A : i32 to vector<16xi32>
        %and3A_45 = arith.andi %get3A_43, %and3A_44 : vector<16xi32>
        %mul3A_46 = arith.constant 16 : i32
        %mul3A_47 = arith.muli %scan3A_40, %mul3A_46 : i32
        %swap3A = arith.index_cast %mul3A_47 : i32 to index
        %swap3A_48 = tpu.vector_load %arg8[%swap3A] {strides = array<i32>} : memref<1024xi32, #tpu.memory_space<vmem>>, vector<16xi32>,
        tpu.vector_store %arg8[%swap3A], %and3A_45 {strides = array<i32>} : memref<1024xi32, #tpu.memory_space<vmem>>, vector<16xi32>,
      }
      %scan3A_17 = arith.constant 64 : i32
      %scan3A_18 = arith.constant 0 : i32
      %scan3A_19 = arith.constant 0 : i32
      %scan3A_20 = arith.constant 64 : i32
      %scan3A_21 = arith.addi %scan3A_19, %scan3A_20 : i32
      %scan3A_22 = arith.constant 1 : i32
      scf.for %scan3A_40 = %scan3A_19 to %scan3A_21 step %scan3A_22  : i32 {
        %mul3A_41 = arith.constant 16 : i32
        %mul3A_42 = arith.muli %scan3A_40, %mul3A_41 : i32
        %get3A = arith.index_cast %mul3A_42 : i32 to index
        %get3A_43 = tpu.vector_load %arg8[%get3A] {strides = array<i32>} : memref<1024xi32, #tpu.memory_space<vmem>>, vector<16xi32>,
        %and3A = arith.constant -8192 : i32
        %and3A_44 = vector.broadcast %and3A : i32 to vector<16xi32>
        %and3A_45 = arith.andi %get3A_43, %and3A_44 : vector<16xi32>
        %and3A_46 = arith.constant 1023 : i32
        %and3A_47 = vector.broadcast %and3A_46 : i32 to vector<16xi32>
        %and3A_48 = arith.andi %get3A_43, %and3A_47 : vector<16xi32>
        %shift_left3A = arith.constant 3 : i32
        %shift_left3A_49 = vector.broadcast %shift_left3A : i32 to vector<16xi32>
        %shift_left3A_50 = arith.shli %and3A_48, %shift_left3A_49 : vector<16xi32>
        %or3A = arith.ori %and3A_45, %shift_left3A_50 : vector<16xi32>
        %shift_right_arithmetic3A = arith.constant 10 : i32
        %shift_right_arithmetic3A_51 = vector.broadcast %shift_right_arithmetic3A : i32 to vector<16xi32>
        %shift_right_arithmetic3A_52 = arith.shrsi %get3A_43, %shift_right_arithmetic3A_51 : vector<16xi32>
        %and3A_53 = arith.constant 7 : i32
        %and3A_54 = vector.broadcast %and3A_53 : i32 to vector<16xi32>
        %and3A_55 = arith.andi %shift_right_arithmetic3A_52, %and3A_54 : vector<16xi32>
        %or3A_56 = arith.ori %or3A, %and3A_55 : vector<16xi32>
        %mul3A_57 = arith.constant 16 : i32
        %mul3A_58 = arith.muli %scan3A_40, %mul3A_57 : i32
        %swap3A = arith.index_cast %mul3A_58 : i32 to index
        %swap3A_59 = tpu.vector_load %arg9[%swap3A] {strides = array<i32>} : memref<1024xi32, #tpu.memory_space<vmem>>, vector<16xi32>,
        tpu.vector_store %arg9[%swap3A], %or3A_56 {strides = array<i32>} : memref<1024xi32, #tpu.memory_space<vmem>>, vector<16xi32>,
      }
      %scan3A_23 = arith.constant 64 : i32
      %scan3A_24 = arith.constant 0 : i32
      %scan3A_25 = arith.constant 0 : i32
      %scan3A_26 = arith.constant 64 : i32
      %scan3A_27 = arith.addi %scan3A_25, %scan3A_26 : i32
      %scan3A_28 = arith.constant 1 : i32
      scf.for %scan3A_40 = %scan3A_25 to %scan3A_27 step %scan3A_28  : i32 {
        %mul3A_41 = arith.constant 16 : i32
        %mul3A_42 = arith.muli %scan3A_40, %mul3A_41 : i32
        %get3A = arith.index_cast %mul3A_42 : i32 to index
        %get3A_43 = tpu.vector_load %arg8[%get3A] {strides = array<i32>} : memref<1024xi32, #tpu.memory_space<vmem>>, vector<16xi32>,
        %and3A = arith.constant -8192 : i32
        %and3A_44 = vector.broadcast %and3A : i32 to vector<16xi32>
        %and3A_45 = arith.andi %get3A_43, %and3A_44 : vector<16xi32>
        %and3A_46 = arith.constant 1023 : i32
        %and3A_47 = vector.broadcast %and3A_46 : i32 to vector<16xi32>
        %and3A_48 = arith.andi %get3A_43, %and3A_47 : vector<16xi32>
        %shift_left3A = arith.constant 3 : i32
        %shift_left3A_49 = vector.broadcast %shift_left3A : i32 to vector<16xi32>
        %shift_left3A_50 = arith.shli %and3A_48, %shift_left3A_49 : vector<16xi32>
        %or3A = arith.ori %and3A_45, %shift_left3A_50 : vector<16xi32>
        %shift_right_arithmetic3A = arith.constant 10 : i32
        %shift_right_arithmetic3A_51 = vector.broadcast %shift_right_arithmetic3A : i32 to vector<16xi32>
        %shift_right_arithmetic3A_52 = arith.shrsi %get3A_43, %shift_right_arithmetic3A_51 : vector<16xi32>
        %and3A_53 = arith.constant 7 : i32
        %and3A_54 = vector.broadcast %and3A_53 : i32 to vector<16xi32>
        %and3A_55 = arith.andi %shift_right_arithmetic3A_52, %and3A_54 : vector<16xi32>
        %or3A_56 = arith.ori %or3A, %and3A_55 : vector<16xi32>
        %mul3A_57 = arith.constant 16 : i32
        %mul3A_58 = arith.muli %scan3A_40, %mul3A_57 : i32
        %swap3A = arith.index_cast %mul3A_58 : i32 to index
        %swap3A_59 = tpu.vector_load %arg10[%swap3A] {strides = array<i32>} : memref<1024xi32, #tpu.memory_space<vmem>>, vector<16xi32>,
        tpu.vector_store %arg10[%swap3A], %or3A_56 {strides = array<i32>} : memref<1024xi32, #tpu.memory_space<vmem>>, vector<16xi32>,
      }
      %scan3A_29 = arith.constant 64 : i32
      %dma_start3A = arith.constant 0 : i32
      %dma_start3A_30 = arith.constant 0 : i32
      %dma_start3A_31 = tpu.memref_slice %arg3[%dma_start3A, %dma_start3A_30] : memref<1114112x16xi32, #tpu.memory_space<hbm>> -> memref<1114112x16xi32, #tpu.memory_space<hbm>>
      tpu.enqueue_indirect_dma source(%dma_start3A_31 : memref<1114112x16xi32, #tpu.memory_space<hbm>>) target(%arg11 : memref<1024x16xi32, #tpu.memory_space<vmem>>) offsets(%arg9 : memref<1024xi32, #tpu.memory_space<vmem>>) semaphore(%arg13 : memref<!tpu.dma_semaphore, #tpu.memory_space<semaphore_mem>>)
      %dma_start3A_32 = arith.constant 0 : i32
      %dma_start3A_33 = arith.constant 0 : i32
      %dma_start3A_34 = tpu.memref_slice %arg4[%dma_start3A_32, %dma_start3A_33] : memref<1114112x16xi32, #tpu.memory_space<hbm>> -> memref<1114112x16xi32, #tpu.memory_space<hbm>>
      tpu.enqueue_indirect_dma source(%dma_start3A_34 : memref<1114112x16xi32, #tpu.memory_space<hbm>>) target(%arg12 : memref<1024x16xi32, #tpu.memory_space<vmem>>) offsets(%arg10 : memref<1024xi32, #tpu.memory_space<vmem>>) semaphore(%arg13 : memref<!tpu.dma_semaphore, #tpu.memory_space<semaphore_mem>>)
      %dma_wait3A = arith.constant 0 : i32
      %dma_wait3A_35 = arith.constant 0 : i32
      %dma_wait3A_36 = tpu.memref_slice %arg3[%dma_wait3A, %dma_wait3A_35] : memref<1114112x16xi32, #tpu.memory_space<hbm>> -> memref<1114112x16xi32, #tpu.memory_space<hbm>>
      tpu.wait_indirect_dma semaphore(%arg13 : memref<!tpu.dma_semaphore, #tpu.memory_space<semaphore_mem>>) src(%dma_wait3A_36 : memref<1114112x16xi32, #tpu.memory_space<hbm>>) dst(%arg11 : memref<1024x16xi32, #tpu.memory_space<vmem>>)
      %dma_wait3A_37 = arith.constant 0 : i32
      %dma_wait3A_38 = arith.constant 0 : i32
      %dma_wait3A_39 = tpu.memref_slice %arg4[%dma_wait3A_37, %dma_wait3A_38] : memref<1114112x16xi32, #tpu.memory_space<hbm>> -> memref<1114112x16xi32, #tpu.memory_space<hbm>>
      tpu.wait_indirect_dma semaphore(%arg13 : memref<!tpu.dma_semaphore, #tpu.memory_space<semaphore_mem>>) src(%dma_wait3A_39 : memref<1114112x16xi32, #tpu.memory_space<hbm>>) dst(%arg12 : memref<1024x16xi32, #tpu.memory_space<vmem>>)
      "tpu.region"() ({
        %run_scoped3A = tpu.sem_alloc : memref<!tpu.dma_semaphore, #tpu.memory_space<semaphore_mem>>
        %dma_start3A_40 = arith.constant 0 : i32
        %dma_start3A_41 = tpu.memref_slice %arg5[%multiple_of3A, %dma_start3A_40] : memref<65536x16xi32, #tpu.memory_space<hbm>> -> memref<1024x16xi32, #tpu.memory_space<hbm>>
        %dma_start3A_42 = arith.constant 0 : i32
        %dma_start3A_43 = tpu.memref_slice %arg5[%multiple_of3A, %dma_start3A_42] : memref<65536x16xi32, #tpu.memory_space<hbm>> -> memref<1024x16xi32, #tpu.memory_space<hbm>>
        tpu.enqueue_dma source(%arg11 : memref<1024x16xi32, #tpu.memory_space<vmem>>) target(%dma_start3A_43 : memref<1024x16xi32, #tpu.memory_space<hbm>>) target_semaphore(%run_scoped3A : memref<!tpu.dma_semaphore, #tpu.memory_space<semaphore_mem>>)
        %dma_wait3A_44 = arith.constant 0 : i32
        %dma_wait3A_45 = tpu.memref_slice %arg5[%multiple_of3A, %dma_wait3A_44] : memref<65536x16xi32, #tpu.memory_space<hbm>> -> memref<1024x16xi32, #tpu.memory_space<hbm>>
        %dma_wait3A_46 = arith.constant 0 : i32
        %dma_wait3A_47 = tpu.memref_slice %arg5[%multiple_of3A, %dma_wait3A_46] : memref<65536x16xi32, #tpu.memory_space<hbm>> -> memref<1024x16xi32, #tpu.memory_space<hbm>>
        tpu.wait_dma2 semaphore(%run_scoped3A : memref<!tpu.dma_semaphore, #tpu.memory_space<semaphore_mem>>) src(%arg11 : memref<1024x16xi32, #tpu.memory_space<vmem>>) dst(%dma_wait3A_47 : memref<1024x16xi32, #tpu.memory_space<hbm>>)
        tpu.yield
      }) : () -> ()
      "tpu.region"() ({
        %run_scoped3A = tpu.sem_alloc : memref<!tpu.dma_semaphore, #tpu.memory_space<semaphore_mem>>
        %dma_start3A_40 = arith.constant 0 : i32
        %dma_start3A_41 = tpu.memref_slice %arg6[%multiple_of3A, %dma_start3A_40] : memref<65536x16xi32, #tpu.memory_space<hbm>> -> memref<1024x16xi32, #tpu.memory_space<hbm>>
        %dma_start3A_42 = arith.constant 0 : i32
        %dma_start3A_43 = tpu.memref_slice %arg6[%multiple_of3A, %dma_start3A_42] : memref<65536x16xi32, #tpu.memory_space<hbm>> -> memref<1024x16xi32, #tpu.memory_space<hbm>>
        tpu.enqueue_dma source(%arg12 : memref<1024x16xi32, #tpu.memory_space<vmem>>) target(%dma_start3A_43 : memref<1024x16xi32, #tpu.memory_space<hbm>>) target_semaphore(%run_scoped3A : memref<!tpu.dma_semaphore, #tpu.memory_space<semaphore_mem>>)
        %dma_wait3A_44 = arith.constant 0 : i32
        %dma_wait3A_45 = tpu.memref_slice %arg6[%multiple_of3A, %dma_wait3A_44] : memref<65536x16xi32, #tpu.memory_space<hbm>> -> memref<1024x16xi32, #tpu.memory_space<hbm>>
        %dma_wait3A_46 = arith.constant 0 : i32
        %dma_wait3A_47 = tpu.memref_slice %arg6[%multiple_of3A, %dma_wait3A_46] : memref<65536x16xi32, #tpu.memory_space<hbm>> -> memref<1024x16xi32, #tpu.memory_space<hbm>>
        tpu.wait_dma2 semaphore(%run_scoped3A : memref<!tpu.dma_semaphore, #tpu.memory_space<semaphore_mem>>) src(%arg12 : memref<1024x16xi32, #tpu.memory_space<vmem>>) dst(%dma_wait3A_47 : memref<1024x16xi32, #tpu.memory_space<hbm>>)
        tpu.yield
      }) : () -> ()
    }
    %scan3A_7 = arith.constant 2 : i32
    return
  }
}

#map = affine_map<(d0, d1) -> (0, 0)>
#map1 = affine_map<(d0, d1) -> (0)>
module attributes {stable_mosaic.version = 14 : i64} {
  func.func @k(%arg0: i32, %arg1: i32, %arg2: memref<65536x16xi32, #tpu.memory_space<hbm>>, %arg3: memref<4096x16xi32, #tpu.memory_space<hbm>>, %arg4: memref<262144xf32, #tpu.memory_space<hbm>>, %arg5: memref<1114112x16xi32, #tpu.memory_space<hbm>>, %arg6: memref<65536x32xf32, #tpu.memory_space<hbm>>, %arg7: memref<4096x16xf32, #tpu.memory_space<hbm>>, %arg8: memref<8192xf32, #tpu.memory_space<vmem>>, %arg9: memref<128x16xi32, #tpu.memory_space<vmem>>, %arg10: memref<128x16xf32, #tpu.memory_space<vmem>>, %arg11: memref<64x16xi32, #tpu.memory_space<vmem>>, %arg12: memref<64x16xi32, #tpu.memory_space<vmem>>, %arg13: memref<1024xi32, #tpu.memory_space<vmem>>, %arg14: memref<1024xi32, #tpu.memory_space<vmem>>, %arg15: memref<1024x16xi32, #tpu.memory_space<vmem>>, %arg16: memref<1024x16xi32, #tpu.memory_space<vmem>>, %arg17: memref<64x32xf32, #tpu.memory_space<vmem>>, %arg18: memref<!tpu.dma_semaphore, #tpu.memory_space<semaphore_mem>>, %arg19: memref<!tpu.dma_semaphore, #tpu.memory_space<semaphore_mem>>) attributes {dimension_semantics = [#tpu.dimension_semantics<core_parallel>, #tpu.dimension_semantics<subcore_parallel>], iteration_bounds = array<i64: 2, 16>, scalar_prefetch = 0 : i64, scratch_operands = 12 : i64, tpu.core_type = #tpu.core_type<sc_vector_subcore>, window_params = [{transform_indices = #map}, {transform_indices = #map}, {transform_indices = #map1}, {transform_indices = #map}, {transform_indices = #map}, {transform_indices = #map}]} {
    %mul3A = arith.constant 2 : i32
    %mul3A_0 = arith.muli %arg1, %mul3A : i32
    %add3A = arith.addi %mul3A_0, %arg0 : i32
    %mul3A_1 = arith.constant 128 : i32
    %mul3A_2 = arith.muli %add3A, %mul3A_1 : i32
    %multiple_of3A = tpu.assume_multiple %mul3A_2, 8 : i32
    %mul3A_3 = arith.constant 2048 : i32
    %mul3A_4 = arith.muli %add3A, %mul3A_3 : i32
    %mul3A_5 = arith.constant 64 : i32
    %mul3A_6 = arith.muli %multiple_of3A, %mul3A_5 : i32
    "tpu.region"() ({
      %run_scoped3A = tpu.sem_alloc : memref<!tpu.dma_semaphore, #tpu.memory_space<semaphore_mem>>
      %dma_start3A_29 = tpu.memref_slice %arg4[%mul3A_6] : memref<262144xf32, #tpu.memory_space<hbm>> -> memref<8192xf32, #tpu.memory_space<hbm>>
      %dma_start3A_30 = tpu.memref_slice %arg4[%mul3A_6] : memref<262144xf32, #tpu.memory_space<hbm>> -> memref<8192xf32, #tpu.memory_space<hbm>>
      tpu.enqueue_dma source(%dma_start3A_30 : memref<8192xf32, #tpu.memory_space<hbm>>) target(%arg8 : memref<8192xf32, #tpu.memory_space<vmem>>) target_semaphore(%run_scoped3A : memref<!tpu.dma_semaphore, #tpu.memory_space<semaphore_mem>>)
      %dma_wait3A = tpu.memref_slice %arg4[%mul3A_6] : memref<262144xf32, #tpu.memory_space<hbm>> -> memref<8192xf32, #tpu.memory_space<hbm>>
      %dma_wait3A_31 = tpu.memref_slice %arg4[%mul3A_6] : memref<262144xf32, #tpu.memory_space<hbm>> -> memref<8192xf32, #tpu.memory_space<hbm>>
      tpu.wait_dma2 semaphore(%run_scoped3A : memref<!tpu.dma_semaphore, #tpu.memory_space<semaphore_mem>>) src(%dma_wait3A_31 : memref<8192xf32, #tpu.memory_space<hbm>>) dst(%arg8 : memref<8192xf32, #tpu.memory_space<vmem>>)
      tpu.yield
    }) : () -> ()
    "tpu.region"() ({
      %run_scoped3A = tpu.sem_alloc : memref<!tpu.dma_semaphore, #tpu.memory_space<semaphore_mem>>
      %dma_start3A_29 = arith.constant 0 : i32
      %dma_start3A_30 = tpu.memref_slice %arg3[%multiple_of3A, %dma_start3A_29] : memref<4096x16xi32, #tpu.memory_space<hbm>> -> memref<128x16xi32, #tpu.memory_space<hbm>>
      %dma_start3A_31 = arith.constant 0 : i32
      %dma_start3A_32 = tpu.memref_slice %arg3[%multiple_of3A, %dma_start3A_31] : memref<4096x16xi32, #tpu.memory_space<hbm>> -> memref<128x16xi32, #tpu.memory_space<hbm>>
      tpu.enqueue_dma source(%dma_start3A_32 : memref<128x16xi32, #tpu.memory_space<hbm>>) target(%arg9 : memref<128x16xi32, #tpu.memory_space<vmem>>) target_semaphore(%run_scoped3A : memref<!tpu.dma_semaphore, #tpu.memory_space<semaphore_mem>>)
      %dma_wait3A = arith.constant 0 : i32
      %dma_wait3A_33 = tpu.memref_slice %arg3[%multiple_of3A, %dma_wait3A] : memref<4096x16xi32, #tpu.memory_space<hbm>> -> memref<128x16xi32, #tpu.memory_space<hbm>>
      %dma_wait3A_34 = arith.constant 0 : i32
      %dma_wait3A_35 = tpu.memref_slice %arg3[%multiple_of3A, %dma_wait3A_34] : memref<4096x16xi32, #tpu.memory_space<hbm>> -> memref<128x16xi32, #tpu.memory_space<hbm>>
      tpu.wait_dma2 semaphore(%run_scoped3A : memref<!tpu.dma_semaphore, #tpu.memory_space<semaphore_mem>>) src(%dma_wait3A_35 : memref<128x16xi32, #tpu.memory_space<hbm>>) dst(%arg9 : memref<128x16xi32, #tpu.memory_space<vmem>>)
      tpu.yield
    }) : () -> ()
    %scan3A = arith.constant 0 : i32
    %scan3A_7 = arith.constant 0 : i32
    %scan3A_8 = arith.constant 128 : i32
    %scan3A_9 = arith.addi %scan3A_7, %scan3A_8 : i32
    %scan3A_10 = arith.constant 1 : i32
    scf.for %scan3A_29 = %scan3A_7 to %scan3A_9 step %scan3A_10  : i32 {
      %get3A = arith.index_cast %scan3A_29 : i32 to index
      %get3A_30 = arith.constant 0 : index
      %get3A_31 = tpu.vector_load %arg9[%get3A, %get3A_30] {strides = array<i32>} : memref<128x16xi32, #tpu.memory_space<vmem>>, vector<16xi32>,
      %shift_right_logical3A = arith.constant 26 : i32
      %shift_right_logical3A_32 = vector.broadcast %shift_right_logical3A : i32 to vector<16xi32>
      %shift_right_logical3A_33 = arith.shrui %get3A_31, %shift_right_logical3A_32 : vector<16xi32>
      %mul3A_34 = arith.constant 64 : i32
      %mul3A_35 = arith.muli %scan3A_29, %mul3A_34 : i32
      %add3A_36 = vector.broadcast %mul3A_35 : i32 to vector<16xi32>
      %add3A_37 = arith.addi %shift_right_logical3A_33, %add3A_36 : vector<16xi32>
      %gather3A = tpu.vector_load_idx %arg8[%add3A_37] : memref<8192xf32, #tpu.memory_space<vmem>>[vector<16xi32>], vector<16xf32>,
      %reduce_sum3A = arith.constant true
      %reduce_sum3A_38 = vector.broadcast %reduce_sum3A : i1 to vector<16xi1>
      %reduce_sum3A_39 = tpu.scan <sum>, %gather3A masked %reduce_sum3A_38 : vector<16xf32>, vector<16xi1> -> vector<16xf32>
      %reduce_sum3A_40 = vector.extract %reduce_sum3A_39[15] : f32 from vector<16xf32>
      %div3A = vector.broadcast %reduce_sum3A_40 : f32 to vector<16xf32>
      %div3A_41 = arith.divf %gather3A, %div3A : vector<16xf32>
      %swap3A = arith.index_cast %scan3A_29 : i32 to index
      %swap3A_42 = arith.constant 0 : index
      %swap3A_43 = tpu.vector_load %arg10[%swap3A, %swap3A_42] {strides = array<i32>} : memref<128x16xf32, #tpu.memory_space<vmem>>, vector<16xf32>,
      tpu.vector_store %arg10[%swap3A, %swap3A_42], %div3A_41 {strides = array<i32>} : memref<128x16xf32, #tpu.memory_space<vmem>>, vector<16xf32>,
    }
    %scan3A_11 = arith.constant 128 : i32
    "tpu.region"() ({
      %run_scoped3A = tpu.sem_alloc : memref<!tpu.dma_semaphore, #tpu.memory_space<semaphore_mem>>
      %dma_start3A_29 = arith.constant 0 : i32
      %dma_start3A_30 = tpu.memref_slice %arg7[%multiple_of3A, %dma_start3A_29] : memref<4096x16xf32, #tpu.memory_space<hbm>> -> memref<128x16xf32, #tpu.memory_space<hbm>>
      %dma_start3A_31 = arith.constant 0 : i32
      %dma_start3A_32 = tpu.memref_slice %arg7[%multiple_of3A, %dma_start3A_31] : memref<4096x16xf32, #tpu.memory_space<hbm>> -> memref<128x16xf32, #tpu.memory_space<hbm>>
      tpu.enqueue_dma source(%arg10 : memref<128x16xf32, #tpu.memory_space<vmem>>) target(%dma_start3A_32 : memref<128x16xf32, #tpu.memory_space<hbm>>) target_semaphore(%run_scoped3A : memref<!tpu.dma_semaphore, #tpu.memory_space<semaphore_mem>>)
      %dma_wait3A = arith.constant 0 : i32
      %dma_wait3A_33 = tpu.memref_slice %arg7[%multiple_of3A, %dma_wait3A] : memref<4096x16xf32, #tpu.memory_space<hbm>> -> memref<128x16xf32, #tpu.memory_space<hbm>>
      %dma_wait3A_34 = arith.constant 0 : i32
      %dma_wait3A_35 = tpu.memref_slice %arg7[%multiple_of3A, %dma_wait3A_34] : memref<4096x16xf32, #tpu.memory_space<hbm>> -> memref<128x16xf32, #tpu.memory_space<hbm>>
      tpu.wait_dma2 semaphore(%run_scoped3A : memref<!tpu.dma_semaphore, #tpu.memory_space<semaphore_mem>>) src(%arg10 : memref<128x16xf32, #tpu.memory_space<vmem>>) dst(%dma_wait3A_35 : memref<128x16xf32, #tpu.memory_space<hbm>>)
      tpu.yield
    }) : () -> ()
    %add3A_12 = arith.constant 0 : i32
    %add3A_13 = arith.addi %mul3A_4, %add3A_12 : i32
    %multiple_of3A_14 = tpu.assume_multiple %add3A_13, 8 : i32
    "tpu.region"() ({
      %run_scoped3A = tpu.sem_alloc : memref<!tpu.dma_semaphore, #tpu.memory_space<semaphore_mem>>
      %dma_start3A_29 = arith.constant 0 : i32
      %dma_start3A_30 = tpu.memref_slice %arg2[%multiple_of3A_14, %dma_start3A_29] : memref<65536x16xi32, #tpu.memory_space<hbm>> -> memref<64x16xi32, #tpu.memory_space<hbm>>
      %dma_start3A_31 = arith.constant 0 : i32
      %dma_start3A_32 = tpu.memref_slice %arg2[%multiple_of3A_14, %dma_start3A_31] : memref<65536x16xi32, #tpu.memory_space<hbm>> -> memref<64x16xi32, #tpu.memory_space<hbm>>
      tpu.enqueue_dma source(%dma_start3A_32 : memref<64x16xi32, #tpu.memory_space<hbm>>) target(%arg11 : memref<64x16xi32, #tpu.memory_space<vmem>>) target_semaphore(%run_scoped3A : memref<!tpu.dma_semaphore, #tpu.memory_space<semaphore_mem>>)
      %dma_wait3A = arith.constant 0 : i32
      %dma_wait3A_33 = tpu.memref_slice %arg2[%multiple_of3A_14, %dma_wait3A] : memref<65536x16xi32, #tpu.memory_space<hbm>> -> memref<64x16xi32, #tpu.memory_space<hbm>>
      %dma_wait3A_34 = arith.constant 0 : i32
      %dma_wait3A_35 = tpu.memref_slice %arg2[%multiple_of3A_14, %dma_wait3A_34] : memref<65536x16xi32, #tpu.memory_space<hbm>> -> memref<64x16xi32, #tpu.memory_space<hbm>>
      tpu.wait_dma2 semaphore(%run_scoped3A : memref<!tpu.dma_semaphore, #tpu.memory_space<semaphore_mem>>) src(%dma_wait3A_35 : memref<64x16xi32, #tpu.memory_space<hbm>>) dst(%arg11 : memref<64x16xi32, #tpu.memory_space<vmem>>)
      tpu.yield
    }) : () -> ()
    %scan3A_15 = arith.constant 0 : i32
    %scan3A_16 = arith.constant 0 : i32
    %scan3A_17 = arith.constant 64 : i32
    %scan3A_18 = arith.addi %scan3A_16, %scan3A_17 : i32
    %scan3A_19 = arith.constant 1 : i32
    scf.for %scan3A_29 = %scan3A_16 to %scan3A_18 step %scan3A_19  : i32 {
      %get3A = arith.index_cast %scan3A_29 : i32 to index
      %get3A_30 = arith.constant 0 : index
      %get3A_31 = tpu.vector_load %arg11[%get3A, %get3A_30] {strides = array<i32>} : memref<64x16xi32, #tpu.memory_space<vmem>>, vector<16xi32>,
      %and3A = arith.constant 67108863 : i32
      %and3A_32 = vector.broadcast %and3A : i32 to vector<16xi32>
      %and3A_33 = arith.andi %get3A_31, %and3A_32 : vector<16xi32>
      %and3A_34 = arith.constant -8192 : i32
      %and3A_35 = vector.broadcast %and3A_34 : i32 to vector<16xi32>
      %and3A_36 = arith.andi %and3A_33, %and3A_35 : vector<16xi32>
      %and3A_37 = arith.constant 1023 : i32
      %and3A_38 = vector.broadcast %and3A_37 : i32 to vector<16xi32>
      %and3A_39 = arith.andi %and3A_33, %and3A_38 : vector<16xi32>
      %shift_left3A = arith.constant 3 : i32
      %shift_left3A_40 = vector.broadcast %shift_left3A : i32 to vector<16xi32>
      %shift_left3A_41 = arith.shli %and3A_39, %shift_left3A_40 : vector<16xi32>
      %or3A = arith.ori %and3A_36, %shift_left3A_41 : vector<16xi32>
      %shift_right_arithmetic3A = arith.constant 10 : i32
      %shift_right_arithmetic3A_42 = vector.broadcast %shift_right_arithmetic3A : i32 to vector<16xi32>
      %shift_right_arithmetic3A_43 = arith.shrsi %and3A_33, %shift_right_arithmetic3A_42 : vector<16xi32>
      %and3A_44 = arith.constant 7 : i32
      %and3A_45 = vector.broadcast %and3A_44 : i32 to vector<16xi32>
      %and3A_46 = arith.andi %shift_right_arithmetic3A_43, %and3A_45 : vector<16xi32>
      %or3A_47 = arith.ori %or3A, %and3A_46 : vector<16xi32>
      %mul3A_48 = arith.constant 16 : i32
      %mul3A_49 = arith.muli %scan3A_29, %mul3A_48 : i32
      %swap3A = arith.index_cast %mul3A_49 : i32 to index
      %swap3A_50 = tpu.vector_load %arg13[%swap3A] {strides = array<i32>} : memref<1024xi32, #tpu.memory_space<vmem>>, vector<16xi32>,
      tpu.vector_store %arg13[%swap3A], %or3A_47 {strides = array<i32>} : memref<1024xi32, #tpu.memory_space<vmem>>, vector<16xi32>,
    }
    %scan3A_20 = arith.constant 64 : i32
    %dma_start3A = arith.constant 0 : i32
    %dma_start3A_21 = arith.constant 0 : i32
    %dma_start3A_22 = tpu.memref_slice %arg5[%dma_start3A, %dma_start3A_21] : memref<1114112x16xi32, #tpu.memory_space<hbm>> -> memref<1114112x16xi32, #tpu.memory_space<hbm>>
    tpu.enqueue_indirect_dma source(%dma_start3A_22 : memref<1114112x16xi32, #tpu.memory_space<hbm>>) target(%arg15 : memref<1024x16xi32, #tpu.memory_space<vmem>>) offsets(%arg13 : memref<1024xi32, #tpu.memory_space<vmem>>) semaphore(%arg18 : memref<!tpu.dma_semaphore, #tpu.memory_space<semaphore_mem>>)
    %scan3A_23 = arith.constant 0 : i32
    %scan3A_24 = arith.constant 0 : i32
    %scan3A_25 = arith.constant 16 : i32
    %scan3A_26 = arith.addi %scan3A_24, %scan3A_25 : i32
    %scan3A_27 = arith.constant 1 : i32
    scf.for %scan3A_29 = %scan3A_24 to %scan3A_26 step %scan3A_27  : i32 {
      %mul3A_30 = arith.constant 2 : i32
      %mul3A_31 = arith.muli %mul3A_30, %scan3A_29 : i32
      %add3A_32 = arith.constant 1 : i32
      %add3A_33 = arith.addi %mul3A_31, %add3A_32 : i32
      %mul3A_34 = arith.constant 64 : i32
      %mul3A_35 = arith.muli %add3A_33, %mul3A_34 : i32
      %add3A_36 = arith.addi %mul3A_4, %mul3A_35 : i32
      %multiple_of3A_37 = tpu.assume_multiple %add3A_36, 8 : i32
      "tpu.region"() ({
        %run_scoped3A = tpu.sem_alloc : memref<!tpu.dma_semaphore, #tpu.memory_space<semaphore_mem>>
        %dma_start3A_86 = arith.constant 0 : i32
        %dma_start3A_87 = tpu.memref_slice %arg2[%multiple_of3A_37, %dma_start3A_86] : memref<65536x16xi32, #tpu.memory_space<hbm>> -> memref<64x16xi32, #tpu.memory_space<hbm>>
        %dma_start3A_88 = arith.constant 0 : i32
        %dma_start3A_89 = tpu.memref_slice %arg2[%multiple_of3A_37, %dma_start3A_88] : memref<65536x16xi32, #tpu.memory_space<hbm>> -> memref<64x16xi32, #tpu.memory_space<hbm>>
        tpu.enqueue_dma source(%dma_start3A_89 : memref<64x16xi32, #tpu.memory_space<hbm>>) target(%arg12 : memref<64x16xi32, #tpu.memory_space<vmem>>) target_semaphore(%run_scoped3A : memref<!tpu.dma_semaphore, #tpu.memory_space<semaphore_mem>>)
        %dma_wait3A_90 = arith.constant 0 : i32
        %dma_wait3A_91 = tpu.memref_slice %arg2[%multiple_of3A_37, %dma_wait3A_90] : memref<65536x16xi32, #tpu.memory_space<hbm>> -> memref<64x16xi32, #tpu.memory_space<hbm>>
        %dma_wait3A_92 = arith.constant 0 : i32
        %dma_wait3A_93 = tpu.memref_slice %arg2[%multiple_of3A_37, %dma_wait3A_92] : memref<65536x16xi32, #tpu.memory_space<hbm>> -> memref<64x16xi32, #tpu.memory_space<hbm>>
        tpu.wait_dma2 semaphore(%run_scoped3A : memref<!tpu.dma_semaphore, #tpu.memory_space<semaphore_mem>>) src(%dma_wait3A_93 : memref<64x16xi32, #tpu.memory_space<hbm>>) dst(%arg12 : memref<64x16xi32, #tpu.memory_space<vmem>>)
        tpu.yield
      }) : () -> ()
      %scan3A_38 = arith.constant 0 : i32
      %scan3A_39 = arith.constant 0 : i32
      %scan3A_40 = arith.constant 64 : i32
      %scan3A_41 = arith.addi %scan3A_39, %scan3A_40 : i32
      %scan3A_42 = arith.constant 1 : i32
      scf.for %scan3A_86 = %scan3A_39 to %scan3A_41 step %scan3A_42  : i32 {
        %get3A = arith.index_cast %scan3A_86 : i32 to index
        %get3A_87 = arith.constant 0 : index
        %get3A_88 = tpu.vector_load %arg12[%get3A, %get3A_87] {strides = array<i32>} : memref<64x16xi32, #tpu.memory_space<vmem>>, vector<16xi32>,
        %and3A = arith.constant 67108863 : i32
        %and3A_89 = vector.broadcast %and3A : i32 to vector<16xi32>
        %and3A_90 = arith.andi %get3A_88, %and3A_89 : vector<16xi32>
        %and3A_91 = arith.constant -8192 : i32
        %and3A_92 = vector.broadcast %and3A_91 : i32 to vector<16xi32>
        %and3A_93 = arith.andi %and3A_90, %and3A_92 : vector<16xi32>
        %and3A_94 = arith.constant 1023 : i32
        %and3A_95 = vector.broadcast %and3A_94 : i32 to vector<16xi32>
        %and3A_96 = arith.andi %and3A_90, %and3A_95 : vector<16xi32>
        %shift_left3A = arith.constant 3 : i32
        %shift_left3A_97 = vector.broadcast %shift_left3A : i32 to vector<16xi32>
        %shift_left3A_98 = arith.shli %and3A_96, %shift_left3A_97 : vector<16xi32>
        %or3A = arith.ori %and3A_93, %shift_left3A_98 : vector<16xi32>
        %shift_right_arithmetic3A = arith.constant 10 : i32
        %shift_right_arithmetic3A_99 = vector.broadcast %shift_right_arithmetic3A : i32 to vector<16xi32>
        %shift_right_arithmetic3A_100 = arith.shrsi %and3A_90, %shift_right_arithmetic3A_99 : vector<16xi32>
        %and3A_101 = arith.constant 7 : i32
        %and3A_102 = vector.broadcast %and3A_101 : i32 to vector<16xi32>
        %and3A_103 = arith.andi %shift_right_arithmetic3A_100, %and3A_102 : vector<16xi32>
        %or3A_104 = arith.ori %or3A, %and3A_103 : vector<16xi32>
        %mul3A_105 = arith.constant 16 : i32
        %mul3A_106 = arith.muli %scan3A_86, %mul3A_105 : i32
        %swap3A = arith.index_cast %mul3A_106 : i32 to index
        %swap3A_107 = tpu.vector_load %arg14[%swap3A] {strides = array<i32>} : memref<1024xi32, #tpu.memory_space<vmem>>, vector<16xi32>,
        tpu.vector_store %arg14[%swap3A], %or3A_104 {strides = array<i32>} : memref<1024xi32, #tpu.memory_space<vmem>>, vector<16xi32>,
      }
      %scan3A_43 = arith.constant 64 : i32
      %dma_start3A_44 = arith.constant 0 : i32
      %dma_start3A_45 = arith.constant 0 : i32
      %dma_start3A_46 = tpu.memref_slice %arg5[%dma_start3A_44, %dma_start3A_45] : memref<1114112x16xi32, #tpu.memory_space<hbm>> -> memref<1114112x16xi32, #tpu.memory_space<hbm>>
      tpu.enqueue_indirect_dma source(%dma_start3A_46 : memref<1114112x16xi32, #tpu.memory_space<hbm>>) target(%arg16 : memref<1024x16xi32, #tpu.memory_space<vmem>>) offsets(%arg14 : memref<1024xi32, #tpu.memory_space<vmem>>) semaphore(%arg19 : memref<!tpu.dma_semaphore, #tpu.memory_space<semaphore_mem>>)
      %mul3A_47 = arith.constant 2 : i32
      %mul3A_48 = arith.muli %mul3A_47, %scan3A_29 : i32
      %dma_wait3A = arith.constant 0 : i32
      %dma_wait3A_49 = arith.constant 0 : i32
      %dma_wait3A_50 = tpu.memref_slice %arg5[%dma_wait3A, %dma_wait3A_49] : memref<1114112x16xi32, #tpu.memory_space<hbm>> -> memref<1024x16xi32, #tpu.memory_space<hbm>>
      %dma_wait3A_51 = arith.constant 0 : i32
      %dma_wait3A_52 = arith.constant 0 : i32
      %dma_wait3A_53 = tpu.memref_slice %arg5[%dma_wait3A_51, %dma_wait3A_52] : memref<1114112x16xi32, #tpu.memory_space<hbm>> -> memref<1024x16xi32, #tpu.memory_space<hbm>>
      tpu.wait_dma2 semaphore(%arg18 : memref<!tpu.dma_semaphore, #tpu.memory_space<semaphore_mem>>) src(%dma_wait3A_53 : memref<1024x16xi32, #tpu.memory_space<hbm>>) dst(%arg15 : memref<1024x16xi32, #tpu.memory_space<vmem>>)
      %scan3A_54 = arith.constant 0 : i32
      %scan3A_55 = arith.constant 0 : i32
      %scan3A_56 = arith.constant 64 : i32
      %scan3A_57 = arith.addi %scan3A_55, %scan3A_56 : i32
      %scan3A_58 = arith.constant 1 : i32
      scf.for %scan3A_86 = %scan3A_55 to %scan3A_57 step %scan3A_58  : i32 {
        %mul3A_87 = arith.constant 64 : i32
        %mul3A_88 = arith.muli %mul3A_48, %mul3A_87 : i32
        %add3A_89 = arith.addi %mul3A_88, %scan3A_86 : i32
        %jit3A = arith.constant 16 : i32
        %div3A = arith.divsi %add3A_89, %jit3A : i32
        %sign3A = arith.constant 0 : i32
        %sign3A_90 = arith.cmpi sgt, %add3A_89, %sign3A : i32
        %sign3A_91 = arith.extui %sign3A_90 : i1 to i32
        %sign3A_92 = arith.constant 0 : i32
        %sign3A_93 = arith.cmpi slt, %add3A_89, %sign3A_92 : i32
        %sign3A_94 = arith.extui %sign3A_93 : i1 to i32
        %sign3A_95 = arith.subi %sign3A_91, %sign3A_94 : i32
        %sign3A_96 = arith.constant 0 : i32
        %sign3A_97 = arith.cmpi sgt, %jit3A, %sign3A_96 : i32
        %sign3A_98 = arith.extui %sign3A_97 : i1 to i32
        %sign3A_99 = arith.constant 0 : i32
        %sign3A_100 = arith.cmpi slt, %jit3A, %sign3A_99 : i32
        %sign3A_101 = arith.extui %sign3A_100 : i1 to i32
        %sign3A_102 = arith.subi %sign3A_98, %sign3A_101 : i32
        %ne3A = arith.cmpi ne, %sign3A_95, %sign3A_102 : i32
        %rem3A = arith.remsi %add3A_89, %jit3A : i32
        %ne3A_103 = arith.constant 0 : i32
        %ne3A_104 = arith.cmpi ne, %rem3A, %ne3A_103 : i32
        %and3A = arith.andi %ne3A, %ne3A_104 : i1
        %sub3A = arith.constant 1 : i32
        %sub3A_105 = arith.subi %div3A, %sub3A : i32
        %select_n3A = arith.select %and3A, %sub3A_105, %div3A : i32
        %get3A = arith.index_cast %scan3A_86 : i32 to index
        %get3A_106 = arith.constant 0 : index
        %get3A_107 = tpu.vector_load %arg11[%get3A, %get3A_106] {strides = array<i32>} : memref<64x16xi32, #tpu.memory_space<vmem>>, vector<16xi32>,
        %shift_right_logical3A = arith.constant 26 : i32
        %shift_right_logical3A_108 = vector.broadcast %shift_right_logical3A : i32 to vector<16xi32>
        %shift_right_logical3A_109 = arith.shrui %get3A_107, %shift_right_logical3A_108 : vector<16xi32>
        %mul3A_110 = arith.constant 64 : i32
        %mul3A_111 = arith.muli %select_n3A, %mul3A_110 : i32
        %add3A_112 = vector.broadcast %mul3A_111 : i32 to vector<16xi32>
        %add3A_113 = arith.addi %shift_right_logical3A_109, %add3A_112 : vector<16xi32>
        %gather3A = tpu.vector_load_idx %arg8[%add3A_113] : memref<8192xf32, #tpu.memory_space<vmem>>[vector<16xi32>], vector<16xf32>,
        %reduce_sum3A = arith.constant true
        %reduce_sum3A_114 = vector.broadcast %reduce_sum3A : i1 to vector<16xi1>
        %reduce_sum3A_115 = tpu.scan <sum>, %gather3A masked %reduce_sum3A_114 : vector<16xf32>, vector<16xi1> -> vector<16xf32>
        %reduce_sum3A_116 = vector.extract %reduce_sum3A_115[15] : f32 from vector<16xf32>
        %div3A_117 = vector.broadcast %reduce_sum3A_116 : f32 to vector<16xf32>
        %div3A_118 = arith.divf %gather3A, %div3A_117 : vector<16xf32>
        %broadcast_in_dim3A = arith.constant 0.000000e+00 : f32
        %broadcast_in_dim3A_119 = vector.broadcast %broadcast_in_dim3A : f32 to vector<16xf32>
        %broadcast_in_dim3A_120 = arith.constant 0.000000e+00 : f32
        %broadcast_in_dim3A_121 = vector.broadcast %broadcast_in_dim3A_120 : f32 to vector<16xf32>
        %slice3A = vector.extract_strided_slice %div3A_118 {offsets = [0], sizes = [1], strides = [1]} : vector<16xf32> to vector<1xf32>
        %squeeze3A = vector.extract %slice3A[0] : f32 from vector<1xf32>
        %mul3A_122 = arith.constant 16 : i32
        %mul3A_123 = arith.muli %scan3A_86, %mul3A_122 : i32
        %add3A_124 = arith.constant 0 : i32
        %add3A_125 = arith.addi %mul3A_123, %add3A_124 : i32
        %get3A_126 = arith.index_cast %add3A_125 : i32 to index
        %get3A_127 = arith.constant 0 : index
        %get3A_128 = tpu.vector_load %arg15[%get3A_126, %get3A_127] {strides = array<i32>} : memref<1024x16xi32, #tpu.memory_space<vmem>>, vector<16xi32>,
        %bitcast3A = vector.bitcast %get3A_128 : vector<16xi32> to vector<32xbf16>
        %unpack3A = tpu.unpack_subelements %bitcast3A, 0 {pack_format = #tpu.pack_format<interleaved>} : vector<32xbf16> -> vector<16xf32>
        %unpack3A_129 = tpu.unpack_subelements %bitcast3A, 1 {pack_format = #tpu.pack_format<interleaved>} : vector<32xbf16> -> vector<16xf32>
        %mul3A_130 = vector.broadcast %squeeze3A : f32 to vector<16xf32>
        %mul3A_131 = arith.mulf %mul3A_130, %unpack3A : vector<16xf32>
        %add3A_132 = arith.addf %broadcast_in_dim3A_119, %mul3A_131 : vector<16xf32>
        %mul3A_133 = vector.broadcast %squeeze3A : f32 to vector<16xf32>
        %mul3A_134 = arith.mulf %mul3A_133, %unpack3A_129 : vector<16xf32>
        %add3A_135 = arith.addf %broadcast_in_dim3A_121, %mul3A_134 : vector<16xf32>
        %slice3A_136 = vector.extract_strided_slice %div3A_118 {offsets = [1], sizes = [1], strides = [1]} : vector<16xf32> to vector<1xf32>
        %squeeze3A_137 = vector.extract %slice3A_136[0] : f32 from vector<1xf32>
        %mul3A_138 = arith.constant 16 : i32
        %mul3A_139 = arith.muli %scan3A_86, %mul3A_138 : i32
        %add3A_140 = arith.constant 1 : i32
        %add3A_141 = arith.addi %mul3A_139, %add3A_140 : i32
        %get3A_142 = arith.index_cast %add3A_141 : i32 to index
        %get3A_143 = arith.constant 0 : index
        %get3A_144 = tpu.vector_load %arg15[%get3A_142, %get3A_143] {strides = array<i32>} : memref<1024x16xi32, #tpu.memory_space<vmem>>, vector<16xi32>,
        %bitcast3A_145 = vector.bitcast %get3A_144 : vector<16xi32> to vector<32xbf16>
        %unpack3A_146 = tpu.unpack_subelements %bitcast3A_145, 0 {pack_format = #tpu.pack_format<interleaved>} : vector<32xbf16> -> vector<16xf32>
        %unpack3A_147 = tpu.unpack_subelements %bitcast3A_145, 1 {pack_format = #tpu.pack_format<interleaved>} : vector<32xbf16> -> vector<16xf32>
        %mul3A_148 = vector.broadcast %squeeze3A_137 : f32 to vector<16xf32>
        %mul3A_149 = arith.mulf %mul3A_148, %unpack3A_146 : vector<16xf32>
        %add3A_150 = arith.addf %add3A_132, %mul3A_149 : vector<16xf32>
        %mul3A_151 = vector.broadcast %squeeze3A_137 : f32 to vector<16xf32>
        %mul3A_152 = arith.mulf %mul3A_151, %unpack3A_147 : vector<16xf32>
        %add3A_153 = arith.addf %add3A_135, %mul3A_152 : vector<16xf32>
        %slice3A_154 = vector.extract_strided_slice %div3A_118 {offsets = [2], sizes = [1], strides = [1]} : vector<16xf32> to vector<1xf32>
        %squeeze3A_155 = vector.extract %slice3A_154[0] : f32 from vector<1xf32>
        %mul3A_156 = arith.constant 16 : i32
        %mul3A_157 = arith.muli %scan3A_86, %mul3A_156 : i32
        %add3A_158 = arith.constant 2 : i32
        %add3A_159 = arith.addi %mul3A_157, %add3A_158 : i32
        %get3A_160 = arith.index_cast %add3A_159 : i32 to index
        %get3A_161 = arith.constant 0 : index
        %get3A_162 = tpu.vector_load %arg15[%get3A_160, %get3A_161] {strides = array<i32>} : memref<1024x16xi32, #tpu.memory_space<vmem>>, vector<16xi32>,
        %bitcast3A_163 = vector.bitcast %get3A_162 : vector<16xi32> to vector<32xbf16>
        %unpack3A_164 = tpu.unpack_subelements %bitcast3A_163, 0 {pack_format = #tpu.pack_format<interleaved>} : vector<32xbf16> -> vector<16xf32>
        %unpack3A_165 = tpu.unpack_subelements %bitcast3A_163, 1 {pack_format = #tpu.pack_format<interleaved>} : vector<32xbf16> -> vector<16xf32>
        %mul3A_166 = vector.broadcast %squeeze3A_155 : f32 to vector<16xf32>
        %mul3A_167 = arith.mulf %mul3A_166, %unpack3A_164 : vector<16xf32>
        %add3A_168 = arith.addf %add3A_150, %mul3A_167 : vector<16xf32>
        %mul3A_169 = vector.broadcast %squeeze3A_155 : f32 to vector<16xf32>
        %mul3A_170 = arith.mulf %mul3A_169, %unpack3A_165 : vector<16xf32>
        %add3A_171 = arith.addf %add3A_153, %mul3A_170 : vector<16xf32>
        %slice3A_172 = vector.extract_strided_slice %div3A_118 {offsets = [3], sizes = [1], strides = [1]} : vector<16xf32> to vector<1xf32>
        %squeeze3A_173 = vector.extract %slice3A_172[0] : f32 from vector<1xf32>
        %mul3A_174 = arith.constant 16 : i32
        %mul3A_175 = arith.muli %scan3A_86, %mul3A_174 : i32
        %add3A_176 = arith.constant 3 : i32
        %add3A_177 = arith.addi %mul3A_175, %add3A_176 : i32
        %get3A_178 = arith.index_cast %add3A_177 : i32 to index
        %get3A_179 = arith.constant 0 : index
        %get3A_180 = tpu.vector_load %arg15[%get3A_178, %get3A_179] {strides = array<i32>} : memref<1024x16xi32, #tpu.memory_space<vmem>>, vector<16xi32>,
        %bitcast3A_181 = vector.bitcast %get3A_180 : vector<16xi32> to vector<32xbf16>
        %unpack3A_182 = tpu.unpack_subelements %bitcast3A_181, 0 {pack_format = #tpu.pack_format<interleaved>} : vector<32xbf16> -> vector<16xf32>
        %unpack3A_183 = tpu.unpack_subelements %bitcast3A_181, 1 {pack_format = #tpu.pack_format<interleaved>} : vector<32xbf16> -> vector<16xf32>
        %mul3A_184 = vector.broadcast %squeeze3A_173 : f32 to vector<16xf32>
        %mul3A_185 = arith.mulf %mul3A_184, %unpack3A_182 : vector<16xf32>
        %add3A_186 = arith.addf %add3A_168, %mul3A_185 : vector<16xf32>
        %mul3A_187 = vector.broadcast %squeeze3A_173 : f32 to vector<16xf32>
        %mul3A_188 = arith.mulf %mul3A_187, %unpack3A_183 : vector<16xf32>
        %add3A_189 = arith.addf %add3A_171, %mul3A_188 : vector<16xf32>
        %slice3A_190 = vector.extract_strided_slice %div3A_118 {offsets = [4], sizes = [1], strides = [1]} : vector<16xf32> to vector<1xf32>
        %squeeze3A_191 = vector.extract %slice3A_190[0] : f32 from vector<1xf32>
        %mul3A_192 = arith.constant 16 : i32
        %mul3A_193 = arith.muli %scan3A_86, %mul3A_192 : i32
        %add3A_194 = arith.constant 4 : i32
        %add3A_195 = arith.addi %mul3A_193, %add3A_194 : i32
        %get3A_196 = arith.index_cast %add3A_195 : i32 to index
        %get3A_197 = arith.constant 0 : index
        %get3A_198 = tpu.vector_load %arg15[%get3A_196, %get3A_197] {strides = array<i32>} : memref<1024x16xi32, #tpu.memory_space<vmem>>, vector<16xi32>,
        %bitcast3A_199 = vector.bitcast %get3A_198 : vector<16xi32> to vector<32xbf16>
        %unpack3A_200 = tpu.unpack_subelements %bitcast3A_199, 0 {pack_format = #tpu.pack_format<interleaved>} : vector<32xbf16> -> vector<16xf32>
        %unpack3A_201 = tpu.unpack_subelements %bitcast3A_199, 1 {pack_format = #tpu.pack_format<interleaved>} : vector<32xbf16> -> vector<16xf32>
        %mul3A_202 = vector.broadcast %squeeze3A_191 : f32 to vector<16xf32>
        %mul3A_203 = arith.mulf %mul3A_202, %unpack3A_200 : vector<16xf32>
        %add3A_204 = arith.addf %add3A_186, %mul3A_203 : vector<16xf32>
        %mul3A_205 = vector.broadcast %squeeze3A_191 : f32 to vector<16xf32>
        %mul3A_206 = arith.mulf %mul3A_205, %unpack3A_201 : vector<16xf32>
        %add3A_207 = arith.addf %add3A_189, %mul3A_206 : vector<16xf32>
        %slice3A_208 = vector.extract_strided_slice %div3A_118 {offsets = [5], sizes = [1], strides = [1]} : vector<16xf32> to vector<1xf32>
        %squeeze3A_209 = vector.extract %slice3A_208[0] : f32 from vector<1xf32>
        %mul3A_210 = arith.constant 16 : i32
        %mul3A_211 = arith.muli %scan3A_86, %mul3A_210 : i32
        %add3A_212 = arith.constant 5 : i32
        %add3A_213 = arith.addi %mul3A_211, %add3A_212 : i32
        %get3A_214 = arith.index_cast %add3A_213 : i32 to index
        %get3A_215 = arith.constant 0 : index
        %get3A_216 = tpu.vector_load %arg15[%get3A_214, %get3A_215] {strides = array<i32>} : memref<1024x16xi32, #tpu.memory_space<vmem>>, vector<16xi32>,
        %bitcast3A_217 = vector.bitcast %get3A_216 : vector<16xi32> to vector<32xbf16>
        %unpack3A_218 = tpu.unpack_subelements %bitcast3A_217, 0 {pack_format = #tpu.pack_format<interleaved>} : vector<32xbf16> -> vector<16xf32>
        %unpack3A_219 = tpu.unpack_subelements %bitcast3A_217, 1 {pack_format = #tpu.pack_format<interleaved>} : vector<32xbf16> -> vector<16xf32>
        %mul3A_220 = vector.broadcast %squeeze3A_209 : f32 to vector<16xf32>
        %mul3A_221 = arith.mulf %mul3A_220, %unpack3A_218 : vector<16xf32>
        %add3A_222 = arith.addf %add3A_204, %mul3A_221 : vector<16xf32>
        %mul3A_223 = vector.broadcast %squeeze3A_209 : f32 to vector<16xf32>
        %mul3A_224 = arith.mulf %mul3A_223, %unpack3A_219 : vector<16xf32>
        %add3A_225 = arith.addf %add3A_207, %mul3A_224 : vector<16xf32>
        %slice3A_226 = vector.extract_strided_slice %div3A_118 {offsets = [6], sizes = [1], strides = [1]} : vector<16xf32> to vector<1xf32>
        %squeeze3A_227 = vector.extract %slice3A_226[0] : f32 from vector<1xf32>
        %mul3A_228 = arith.constant 16 : i32
        %mul3A_229 = arith.muli %scan3A_86, %mul3A_228 : i32
        %add3A_230 = arith.constant 6 : i32
        %add3A_231 = arith.addi %mul3A_229, %add3A_230 : i32
        %get3A_232 = arith.index_cast %add3A_231 : i32 to index
        %get3A_233 = arith.constant 0 : index
        %get3A_234 = tpu.vector_load %arg15[%get3A_232, %get3A_233] {strides = array<i32>} : memref<1024x16xi32, #tpu.memory_space<vmem>>, vector<16xi32>,
        %bitcast3A_235 = vector.bitcast %get3A_234 : vector<16xi32> to vector<32xbf16>
        %unpack3A_236 = tpu.unpack_subelements %bitcast3A_235, 0 {pack_format = #tpu.pack_format<interleaved>} : vector<32xbf16> -> vector<16xf32>
        %unpack3A_237 = tpu.unpack_subelements %bitcast3A_235, 1 {pack_format = #tpu.pack_format<interleaved>} : vector<32xbf16> -> vector<16xf32>
        %mul3A_238 = vector.broadcast %squeeze3A_227 : f32 to vector<16xf32>
        %mul3A_239 = arith.mulf %mul3A_238, %unpack3A_236 : vector<16xf32>
        %add3A_240 = arith.addf %add3A_222, %mul3A_239 : vector<16xf32>
        %mul3A_241 = vector.broadcast %squeeze3A_227 : f32 to vector<16xf32>
        %mul3A_242 = arith.mulf %mul3A_241, %unpack3A_237 : vector<16xf32>
        %add3A_243 = arith.addf %add3A_225, %mul3A_242 : vector<16xf32>
        %slice3A_244 = vector.extract_strided_slice %div3A_118 {offsets = [7], sizes = [1], strides = [1]} : vector<16xf32> to vector<1xf32>
        %squeeze3A_245 = vector.extract %slice3A_244[0] : f32 from vector<1xf32>
        %mul3A_246 = arith.constant 16 : i32
        %mul3A_247 = arith.muli %scan3A_86, %mul3A_246 : i32
        %add3A_248 = arith.constant 7 : i32
        %add3A_249 = arith.addi %mul3A_247, %add3A_248 : i32
        %get3A_250 = arith.index_cast %add3A_249 : i32 to index
        %get3A_251 = arith.constant 0 : index
        %get3A_252 = tpu.vector_load %arg15[%get3A_250, %get3A_251] {strides = array<i32>} : memref<1024x16xi32, #tpu.memory_space<vmem>>, vector<16xi32>,
        %bitcast3A_253 = vector.bitcast %get3A_252 : vector<16xi32> to vector<32xbf16>
        %unpack3A_254 = tpu.unpack_subelements %bitcast3A_253, 0 {pack_format = #tpu.pack_format<interleaved>} : vector<32xbf16> -> vector<16xf32>
        %unpack3A_255 = tpu.unpack_subelements %bitcast3A_253, 1 {pack_format = #tpu.pack_format<interleaved>} : vector<32xbf16> -> vector<16xf32>
        %mul3A_256 = vector.broadcast %squeeze3A_245 : f32 to vector<16xf32>
        %mul3A_257 = arith.mulf %mul3A_256, %unpack3A_254 : vector<16xf32>
        %add3A_258 = arith.addf %add3A_240, %mul3A_257 : vector<16xf32>
        %mul3A_259 = vector.broadcast %squeeze3A_245 : f32 to vector<16xf32>
        %mul3A_260 = arith.mulf %mul3A_259, %unpack3A_255 : vector<16xf32>
        %add3A_261 = arith.addf %add3A_243, %mul3A_260 : vector<16xf32>
        %slice3A_262 = vector.extract_strided_slice %div3A_118 {offsets = [8], sizes = [1], strides = [1]} : vector<16xf32> to vector<1xf32>
        %squeeze3A_263 = vector.extract %slice3A_262[0] : f32 from vector<1xf32>
        %mul3A_264 = arith.constant 16 : i32
        %mul3A_265 = arith.muli %scan3A_86, %mul3A_264 : i32
        %add3A_266 = arith.constant 8 : i32
        %add3A_267 = arith.addi %mul3A_265, %add3A_266 : i32
        %get3A_268 = arith.index_cast %add3A_267 : i32 to index
        %get3A_269 = arith.constant 0 : index
        %get3A_270 = tpu.vector_load %arg15[%get3A_268, %get3A_269] {strides = array<i32>} : memref<1024x16xi32, #tpu.memory_space<vmem>>, vector<16xi32>,
        %bitcast3A_271 = vector.bitcast %get3A_270 : vector<16xi32> to vector<32xbf16>
        %unpack3A_272 = tpu.unpack_subelements %bitcast3A_271, 0 {pack_format = #tpu.pack_format<interleaved>} : vector<32xbf16> -> vector<16xf32>
        %unpack3A_273 = tpu.unpack_subelements %bitcast3A_271, 1 {pack_format = #tpu.pack_format<interleaved>} : vector<32xbf16> -> vector<16xf32>
        %mul3A_274 = vector.broadcast %squeeze3A_263 : f32 to vector<16xf32>
        %mul3A_275 = arith.mulf %mul3A_274, %unpack3A_272 : vector<16xf32>
        %add3A_276 = arith.addf %add3A_258, %mul3A_275 : vector<16xf32>
        %mul3A_277 = vector.broadcast %squeeze3A_263 : f32 to vector<16xf32>
        %mul3A_278 = arith.mulf %mul3A_277, %unpack3A_273 : vector<16xf32>
        %add3A_279 = arith.addf %add3A_261, %mul3A_278 : vector<16xf32>
        %slice3A_280 = vector.extract_strided_slice %div3A_118 {offsets = [9], sizes = [1], strides = [1]} : vector<16xf32> to vector<1xf32>
        %squeeze3A_281 = vector.extract %slice3A_280[0] : f32 from vector<1xf32>
        %mul3A_282 = arith.constant 16 : i32
        %mul3A_283 = arith.muli %scan3A_86, %mul3A_282 : i32
        %add3A_284 = arith.constant 9 : i32
        %add3A_285 = arith.addi %mul3A_283, %add3A_284 : i32
        %get3A_286 = arith.index_cast %add3A_285 : i32 to index
        %get3A_287 = arith.constant 0 : index
        %get3A_288 = tpu.vector_load %arg15[%get3A_286, %get3A_287] {strides = array<i32>} : memref<1024x16xi32, #tpu.memory_space<vmem>>, vector<16xi32>,
        %bitcast3A_289 = vector.bitcast %get3A_288 : vector<16xi32> to vector<32xbf16>
        %unpack3A_290 = tpu.unpack_subelements %bitcast3A_289, 0 {pack_format = #tpu.pack_format<interleaved>} : vector<32xbf16> -> vector<16xf32>
        %unpack3A_291 = tpu.unpack_subelements %bitcast3A_289, 1 {pack_format = #tpu.pack_format<interleaved>} : vector<32xbf16> -> vector<16xf32>
        %mul3A_292 = vector.broadcast %squeeze3A_281 : f32 to vector<16xf32>
        %mul3A_293 = arith.mulf %mul3A_292, %unpack3A_290 : vector<16xf32>
        %add3A_294 = arith.addf %add3A_276, %mul3A_293 : vector<16xf32>
        %mul3A_295 = vector.broadcast %squeeze3A_281 : f32 to vector<16xf32>
        %mul3A_296 = arith.mulf %mul3A_295, %unpack3A_291 : vector<16xf32>
        %add3A_297 = arith.addf %add3A_279, %mul3A_296 : vector<16xf32>
        %slice3A_298 = vector.extract_strided_slice %div3A_118 {offsets = [10], sizes = [1], strides = [1]} : vector<16xf32> to vector<1xf32>
        %squeeze3A_299 = vector.extract %slice3A_298[0] : f32 from vector<1xf32>
        %mul3A_300 = arith.constant 16 : i32
        %mul3A_301 = arith.muli %scan3A_86, %mul3A_300 : i32
        %add3A_302 = arith.constant 10 : i32
        %add3A_303 = arith.addi %mul3A_301, %add3A_302 : i32
        %get3A_304 = arith.index_cast %add3A_303 : i32 to index
        %get3A_305 = arith.constant 0 : index
        %get3A_306 = tpu.vector_load %arg15[%get3A_304, %get3A_305] {strides = array<i32>} : memref<1024x16xi32, #tpu.memory_space<vmem>>, vector<16xi32>,
        %bitcast3A_307 = vector.bitcast %get3A_306 : vector<16xi32> to vector<32xbf16>
        %unpack3A_308 = tpu.unpack_subelements %bitcast3A_307, 0 {pack_format = #tpu.pack_format<interleaved>} : vector<32xbf16> -> vector<16xf32>
        %unpack3A_309 = tpu.unpack_subelements %bitcast3A_307, 1 {pack_format = #tpu.pack_format<interleaved>} : vector<32xbf16> -> vector<16xf32>
        %mul3A_310 = vector.broadcast %squeeze3A_299 : f32 to vector<16xf32>
        %mul3A_311 = arith.mulf %mul3A_310, %unpack3A_308 : vector<16xf32>
        %add3A_312 = arith.addf %add3A_294, %mul3A_311 : vector<16xf32>
        %mul3A_313 = vector.broadcast %squeeze3A_299 : f32 to vector<16xf32>
        %mul3A_314 = arith.mulf %mul3A_313, %unpack3A_309 : vector<16xf32>
        %add3A_315 = arith.addf %add3A_297, %mul3A_314 : vector<16xf32>
        %slice3A_316 = vector.extract_strided_slice %div3A_118 {offsets = [11], sizes = [1], strides = [1]} : vector<16xf32> to vector<1xf32>
        %squeeze3A_317 = vector.extract %slice3A_316[0] : f32 from vector<1xf32>
        %mul3A_318 = arith.constant 16 : i32
        %mul3A_319 = arith.muli %scan3A_86, %mul3A_318 : i32
        %add3A_320 = arith.constant 11 : i32
        %add3A_321 = arith.addi %mul3A_319, %add3A_320 : i32
        %get3A_322 = arith.index_cast %add3A_321 : i32 to index
        %get3A_323 = arith.constant 0 : index
        %get3A_324 = tpu.vector_load %arg15[%get3A_322, %get3A_323] {strides = array<i32>} : memref<1024x16xi32, #tpu.memory_space<vmem>>, vector<16xi32>,
        %bitcast3A_325 = vector.bitcast %get3A_324 : vector<16xi32> to vector<32xbf16>
        %unpack3A_326 = tpu.unpack_subelements %bitcast3A_325, 0 {pack_format = #tpu.pack_format<interleaved>} : vector<32xbf16> -> vector<16xf32>
        %unpack3A_327 = tpu.unpack_subelements %bitcast3A_325, 1 {pack_format = #tpu.pack_format<interleaved>} : vector<32xbf16> -> vector<16xf32>
        %mul3A_328 = vector.broadcast %squeeze3A_317 : f32 to vector<16xf32>
        %mul3A_329 = arith.mulf %mul3A_328, %unpack3A_326 : vector<16xf32>
        %add3A_330 = arith.addf %add3A_312, %mul3A_329 : vector<16xf32>
        %mul3A_331 = vector.broadcast %squeeze3A_317 : f32 to vector<16xf32>
        %mul3A_332 = arith.mulf %mul3A_331, %unpack3A_327 : vector<16xf32>
        %add3A_333 = arith.addf %add3A_315, %mul3A_332 : vector<16xf32>
        %slice3A_334 = vector.extract_strided_slice %div3A_118 {offsets = [12], sizes = [1], strides = [1]} : vector<16xf32> to vector<1xf32>
        %squeeze3A_335 = vector.extract %slice3A_334[0] : f32 from vector<1xf32>
        %mul3A_336 = arith.constant 16 : i32
        %mul3A_337 = arith.muli %scan3A_86, %mul3A_336 : i32
        %add3A_338 = arith.constant 12 : i32
        %add3A_339 = arith.addi %mul3A_337, %add3A_338 : i32
        %get3A_340 = arith.index_cast %add3A_339 : i32 to index
        %get3A_341 = arith.constant 0 : index
        %get3A_342 = tpu.vector_load %arg15[%get3A_340, %get3A_341] {strides = array<i32>} : memref<1024x16xi32, #tpu.memory_space<vmem>>, vector<16xi32>,
        %bitcast3A_343 = vector.bitcast %get3A_342 : vector<16xi32> to vector<32xbf16>
        %unpack3A_344 = tpu.unpack_subelements %bitcast3A_343, 0 {pack_format = #tpu.pack_format<interleaved>} : vector<32xbf16> -> vector<16xf32>
        %unpack3A_345 = tpu.unpack_subelements %bitcast3A_343, 1 {pack_format = #tpu.pack_format<interleaved>} : vector<32xbf16> -> vector<16xf32>
        %mul3A_346 = vector.broadcast %squeeze3A_335 : f32 to vector<16xf32>
        %mul3A_347 = arith.mulf %mul3A_346, %unpack3A_344 : vector<16xf32>
        %add3A_348 = arith.addf %add3A_330, %mul3A_347 : vector<16xf32>
        %mul3A_349 = vector.broadcast %squeeze3A_335 : f32 to vector<16xf32>
        %mul3A_350 = arith.mulf %mul3A_349, %unpack3A_345 : vector<16xf32>
        %add3A_351 = arith.addf %add3A_333, %mul3A_350 : vector<16xf32>
        %slice3A_352 = vector.extract_strided_slice %div3A_118 {offsets = [13], sizes = [1], strides = [1]} : vector<16xf32> to vector<1xf32>
        %squeeze3A_353 = vector.extract %slice3A_352[0] : f32 from vector<1xf32>
        %mul3A_354 = arith.constant 16 : i32
        %mul3A_355 = arith.muli %scan3A_86, %mul3A_354 : i32
        %add3A_356 = arith.constant 13 : i32
        %add3A_357 = arith.addi %mul3A_355, %add3A_356 : i32
        %get3A_358 = arith.index_cast %add3A_357 : i32 to index
        %get3A_359 = arith.constant 0 : index
        %get3A_360 = tpu.vector_load %arg15[%get3A_358, %get3A_359] {strides = array<i32>} : memref<1024x16xi32, #tpu.memory_space<vmem>>, vector<16xi32>,
        %bitcast3A_361 = vector.bitcast %get3A_360 : vector<16xi32> to vector<32xbf16>
        %unpack3A_362 = tpu.unpack_subelements %bitcast3A_361, 0 {pack_format = #tpu.pack_format<interleaved>} : vector<32xbf16> -> vector<16xf32>
        %unpack3A_363 = tpu.unpack_subelements %bitcast3A_361, 1 {pack_format = #tpu.pack_format<interleaved>} : vector<32xbf16> -> vector<16xf32>
        %mul3A_364 = vector.broadcast %squeeze3A_353 : f32 to vector<16xf32>
        %mul3A_365 = arith.mulf %mul3A_364, %unpack3A_362 : vector<16xf32>
        %add3A_366 = arith.addf %add3A_348, %mul3A_365 : vector<16xf32>
        %mul3A_367 = vector.broadcast %squeeze3A_353 : f32 to vector<16xf32>
        %mul3A_368 = arith.mulf %mul3A_367, %unpack3A_363 : vector<16xf32>
        %add3A_369 = arith.addf %add3A_351, %mul3A_368 : vector<16xf32>
        %slice3A_370 = vector.extract_strided_slice %div3A_118 {offsets = [14], sizes = [1], strides = [1]} : vector<16xf32> to vector<1xf32>
        %squeeze3A_371 = vector.extract %slice3A_370[0] : f32 from vector<1xf32>
        %mul3A_372 = arith.constant 16 : i32
        %mul3A_373 = arith.muli %scan3A_86, %mul3A_372 : i32
        %add3A_374 = arith.constant 14 : i32
        %add3A_375 = arith.addi %mul3A_373, %add3A_374 : i32
        %get3A_376 = arith.index_cast %add3A_375 : i32 to index
        %get3A_377 = arith.constant 0 : index
        %get3A_378 = tpu.vector_load %arg15[%get3A_376, %get3A_377] {strides = array<i32>} : memref<1024x16xi32, #tpu.memory_space<vmem>>, vector<16xi32>,
        %bitcast3A_379 = vector.bitcast %get3A_378 : vector<16xi32> to vector<32xbf16>
        %unpack3A_380 = tpu.unpack_subelements %bitcast3A_379, 0 {pack_format = #tpu.pack_format<interleaved>} : vector<32xbf16> -> vector<16xf32>
        %unpack3A_381 = tpu.unpack_subelements %bitcast3A_379, 1 {pack_format = #tpu.pack_format<interleaved>} : vector<32xbf16> -> vector<16xf32>
        %mul3A_382 = vector.broadcast %squeeze3A_371 : f32 to vector<16xf32>
        %mul3A_383 = arith.mulf %mul3A_382, %unpack3A_380 : vector<16xf32>
        %add3A_384 = arith.addf %add3A_366, %mul3A_383 : vector<16xf32>
        %mul3A_385 = vector.broadcast %squeeze3A_371 : f32 to vector<16xf32>
        %mul3A_386 = arith.mulf %mul3A_385, %unpack3A_381 : vector<16xf32>
        %add3A_387 = arith.addf %add3A_369, %mul3A_386 : vector<16xf32>
        %slice3A_388 = vector.extract_strided_slice %div3A_118 {offsets = [15], sizes = [1], strides = [1]} : vector<16xf32> to vector<1xf32>
        %squeeze3A_389 = vector.extract %slice3A_388[0] : f32 from vector<1xf32>
        %mul3A_390 = arith.constant 16 : i32
        %mul3A_391 = arith.muli %scan3A_86, %mul3A_390 : i32
        %add3A_392 = arith.constant 15 : i32
        %add3A_393 = arith.addi %mul3A_391, %add3A_392 : i32
        %get3A_394 = arith.index_cast %add3A_393 : i32 to index
        %get3A_395 = arith.constant 0 : index
        %get3A_396 = tpu.vector_load %arg15[%get3A_394, %get3A_395] {strides = array<i32>} : memref<1024x16xi32, #tpu.memory_space<vmem>>, vector<16xi32>,
        %bitcast3A_397 = vector.bitcast %get3A_396 : vector<16xi32> to vector<32xbf16>
        %unpack3A_398 = tpu.unpack_subelements %bitcast3A_397, 0 {pack_format = #tpu.pack_format<interleaved>} : vector<32xbf16> -> vector<16xf32>
        %unpack3A_399 = tpu.unpack_subelements %bitcast3A_397, 1 {pack_format = #tpu.pack_format<interleaved>} : vector<32xbf16> -> vector<16xf32>
        %mul3A_400 = vector.broadcast %squeeze3A_389 : f32 to vector<16xf32>
        %mul3A_401 = arith.mulf %mul3A_400, %unpack3A_398 : vector<16xf32>
        %add3A_402 = arith.addf %add3A_384, %mul3A_401 : vector<16xf32>
        %mul3A_403 = vector.broadcast %squeeze3A_389 : f32 to vector<16xf32>
        %mul3A_404 = arith.mulf %mul3A_403, %unpack3A_399 : vector<16xf32>
        %add3A_405 = arith.addf %add3A_387, %mul3A_404 : vector<16xf32>
        %swap3A = arith.index_cast %scan3A_86 : i32 to index
        %swap3A_406 = arith.constant 0 : index
        %swap3A_407 = tpu.vector_load %arg17[%swap3A, %swap3A_406] {strides = array<i32>} : memref<64x32xf32, #tpu.memory_space<vmem>>, vector<16xf32>,
        tpu.vector_store %arg17[%swap3A, %swap3A_406], %add3A_402 {strides = array<i32>} : memref<64x32xf32, #tpu.memory_space<vmem>>, vector<16xf32>,
        %swap3A_408 = arith.index_cast %scan3A_86 : i32 to index
        %swap3A_409 = arith.constant 16 : index
        %swap3A_410 = tpu.vector_load %arg17[%swap3A_408, %swap3A_409] {strides = array<i32>} : memref<64x32xf32, #tpu.memory_space<vmem>>, vector<16xf32>,
        tpu.vector_store %arg17[%swap3A_408, %swap3A_409], %add3A_405 {strides = array<i32>} : memref<64x32xf32, #tpu.memory_space<vmem>>, vector<16xf32>,
      }
      %scan3A_59 = arith.constant 64 : i32
      %mul3A_60 = arith.constant 64 : i32
      %mul3A_61 = arith.muli %mul3A_48, %mul3A_60 : i32
      %add3A_62 = arith.addi %mul3A_4, %mul3A_61 : i32
      %multiple_of3A_63 = tpu.assume_multiple %add3A_62, 8 : i32
      "tpu.region"() ({
        %run_scoped3A = tpu.sem_alloc : memref<!tpu.dma_semaphore, #tpu.memory_space<semaphore_mem>>
        %dma_start3A_86 = arith.constant 0 : i32
        %dma_start3A_87 = tpu.memref_slice %arg6[%multiple_of3A_63, %dma_start3A_86] : memref<65536x32xf32, #tpu.memory_space<hbm>> -> memref<64x32xf32, #tpu.memory_space<hbm>>
        %dma_start3A_88 = arith.constant 0 : i32
        %dma_start3A_89 = tpu.memref_slice %arg6[%multiple_of3A_63, %dma_start3A_88] : memref<65536x32xf32, #tpu.memory_space<hbm>> -> memref<64x32xf32, #tpu.memory_space<hbm>>
        tpu.enqueue_dma source(%arg17 : memref<64x32xf32, #tpu.memory_space<vmem>>) target(%dma_start3A_89 : memref<64x32xf32, #tpu.memory_space<hbm>>) target_semaphore(%run_scoped3A : memref<!tpu.dma_semaphore, #tpu.memory_space<semaphore_mem>>)
        %dma_wait3A_90 = arith.constant 0 : i32
        %dma_wait3A_91 = tpu.memref_slice %arg6[%multiple_of3A_63, %dma_wait3A_90] : memref<65536x32xf32, #tpu.memory_space<hbm>> -> memref<64x32xf32, #tpu.memory_space<hbm>>
        %dma_wait3A_92 = arith.constant 0 : i32
        %dma_wait3A_93 = tpu.memref_slice %arg6[%multiple_of3A_63, %dma_wait3A_92] : memref<65536x32xf32, #tpu.memory_space<hbm>> -> memref<64x32xf32, #tpu.memory_space<hbm>>
        tpu.wait_dma2 semaphore(%run_scoped3A : memref<!tpu.dma_semaphore, #tpu.memory_space<semaphore_mem>>) src(%arg17 : memref<64x32xf32, #tpu.memory_space<vmem>>) dst(%dma_wait3A_93 : memref<64x32xf32, #tpu.memory_space<hbm>>)
        tpu.yield
      }) : () -> ()
      %lt3A = arith.constant 15 : i32
      %lt3A_64 = arith.cmpi slt, %scan3A_29, %lt3A : i32
      %convert_element_type3A = arith.extui %lt3A_64 : i1 to i32
      %cond3A = arith.constant 0 : i32
      %cond3A_65 = arith.cmpi ne, %convert_element_type3A, %cond3A : i32
      scf.if %cond3A_65 {
        %mul3A_86 = arith.constant 2 : i32
        %mul3A_87 = arith.muli %mul3A_86, %scan3A_29 : i32
        %add3A_88 = arith.constant 2 : i32
        %add3A_89 = arith.addi %mul3A_87, %add3A_88 : i32
        %mul3A_90 = arith.constant 64 : i32
        %mul3A_91 = arith.muli %add3A_89, %mul3A_90 : i32
        %add3A_92 = arith.addi %mul3A_4, %mul3A_91 : i32
        %multiple_of3A_93 = tpu.assume_multiple %add3A_92, 8 : i32
        "tpu.region"() ({
          %run_scoped3A = tpu.sem_alloc : memref<!tpu.dma_semaphore, #tpu.memory_space<semaphore_mem>>
          %dma_start3A_103 = arith.constant 0 : i32
          %dma_start3A_104 = tpu.memref_slice %arg2[%multiple_of3A_93, %dma_start3A_103] : memref<65536x16xi32, #tpu.memory_space<hbm>> -> memref<64x16xi32, #tpu.memory_space<hbm>>
          %dma_start3A_105 = arith.constant 0 : i32
          %dma_start3A_106 = tpu.memref_slice %arg2[%multiple_of3A_93, %dma_start3A_105] : memref<65536x16xi32, #tpu.memory_space<hbm>> -> memref<64x16xi32, #tpu.memory_space<hbm>>
          tpu.enqueue_dma source(%dma_start3A_106 : memref<64x16xi32, #tpu.memory_space<hbm>>) target(%arg11 : memref<64x16xi32, #tpu.memory_space<vmem>>) target_semaphore(%run_scoped3A : memref<!tpu.dma_semaphore, #tpu.memory_space<semaphore_mem>>)
          %dma_wait3A_107 = arith.constant 0 : i32
          %dma_wait3A_108 = tpu.memref_slice %arg2[%multiple_of3A_93, %dma_wait3A_107] : memref<65536x16xi32, #tpu.memory_space<hbm>> -> memref<64x16xi32, #tpu.memory_space<hbm>>
          %dma_wait3A_109 = arith.constant 0 : i32
          %dma_wait3A_110 = tpu.memref_slice %arg2[%multiple_of3A_93, %dma_wait3A_109] : memref<65536x16xi32, #tpu.memory_space<hbm>> -> memref<64x16xi32, #tpu.memory_space<hbm>>
          tpu.wait_dma2 semaphore(%run_scoped3A : memref<!tpu.dma_semaphore, #tpu.memory_space<semaphore_mem>>) src(%dma_wait3A_110 : memref<64x16xi32, #tpu.memory_space<hbm>>) dst(%arg11 : memref<64x16xi32, #tpu.memory_space<vmem>>)
          tpu.yield
        }) : () -> ()
        %scan3A_94 = arith.constant 0 : i32
        %scan3A_95 = arith.constant 0 : i32
        %scan3A_96 = arith.constant 64 : i32
        %scan3A_97 = arith.addi %scan3A_95, %scan3A_96 : i32
        %scan3A_98 = arith.constant 1 : i32
        scf.for %scan3A_103 = %scan3A_95 to %scan3A_97 step %scan3A_98  : i32 {
          %get3A = arith.index_cast %scan3A_103 : i32 to index
          %get3A_104 = arith.constant 0 : index
          %get3A_105 = tpu.vector_load %arg11[%get3A, %get3A_104] {strides = array<i32>} : memref<64x16xi32, #tpu.memory_space<vmem>>, vector<16xi32>,
          %and3A = arith.constant 67108863 : i32
          %and3A_106 = vector.broadcast %and3A : i32 to vector<16xi32>
          %and3A_107 = arith.andi %get3A_105, %and3A_106 : vector<16xi32>
          %and3A_108 = arith.constant -8192 : i32
          %and3A_109 = vector.broadcast %and3A_108 : i32 to vector<16xi32>
          %and3A_110 = arith.andi %and3A_107, %and3A_109 : vector<16xi32>
          %and3A_111 = arith.constant 1023 : i32
          %and3A_112 = vector.broadcast %and3A_111 : i32 to vector<16xi32>
          %and3A_113 = arith.andi %and3A_107, %and3A_112 : vector<16xi32>
          %shift_left3A = arith.constant 3 : i32
          %shift_left3A_114 = vector.broadcast %shift_left3A : i32 to vector<16xi32>
          %shift_left3A_115 = arith.shli %and3A_113, %shift_left3A_114 : vector<16xi32>
          %or3A = arith.ori %and3A_110, %shift_left3A_115 : vector<16xi32>
          %shift_right_arithmetic3A = arith.constant 10 : i32
          %shift_right_arithmetic3A_116 = vector.broadcast %shift_right_arithmetic3A : i32 to vector<16xi32>
          %shift_right_arithmetic3A_117 = arith.shrsi %and3A_107, %shift_right_arithmetic3A_116 : vector<16xi32>
          %and3A_118 = arith.constant 7 : i32
          %and3A_119 = vector.broadcast %and3A_118 : i32 to vector<16xi32>
          %and3A_120 = arith.andi %shift_right_arithmetic3A_117, %and3A_119 : vector<16xi32>
          %or3A_121 = arith.ori %or3A, %and3A_120 : vector<16xi32>
          %mul3A_122 = arith.constant 16 : i32
          %mul3A_123 = arith.muli %scan3A_103, %mul3A_122 : i32
          %swap3A = arith.index_cast %mul3A_123 : i32 to index
          %swap3A_124 = tpu.vector_load %arg13[%swap3A] {strides = array<i32>} : memref<1024xi32, #tpu.memory_space<vmem>>, vector<16xi32>,
          tpu.vector_store %arg13[%swap3A], %or3A_121 {strides = array<i32>} : memref<1024xi32, #tpu.memory_space<vmem>>, vector<16xi32>,
        }
        %scan3A_99 = arith.constant 64 : i32
        %dma_start3A_100 = arith.constant 0 : i32
        %dma_start3A_101 = arith.constant 0 : i32
        %dma_start3A_102 = tpu.memref_slice %arg5[%dma_start3A_100, %dma_start3A_101] : memref<1114112x16xi32, #tpu.memory_space<hbm>> -> memref<1114112x16xi32, #tpu.memory_space<hbm>>
        tpu.enqueue_indirect_dma source(%dma_start3A_102 : memref<1114112x16xi32, #tpu.memory_space<hbm>>) target(%arg15 : memref<1024x16xi32, #tpu.memory_space<vmem>>) offsets(%arg13 : memref<1024xi32, #tpu.memory_space<vmem>>) semaphore(%arg18 : memref<!tpu.dma_semaphore, #tpu.memory_space<semaphore_mem>>)
      } else {
      }
      %mul3A_66 = arith.constant 2 : i32
      %mul3A_67 = arith.muli %mul3A_66, %scan3A_29 : i32
      %add3A_68 = arith.constant 1 : i32
      %add3A_69 = arith.addi %mul3A_67, %add3A_68 : i32
      %dma_wait3A_70 = arith.constant 0 : i32
      %dma_wait3A_71 = arith.constant 0 : i32
      %dma_wait3A_72 = tpu.memref_slice %arg5[%dma_wait3A_70, %dma_wait3A_71] : memref<1114112x16xi32, #tpu.memory_space<hbm>> -> memref<1024x16xi32, #tpu.memory_space<hbm>>
      %dma_wait3A_73 = arith.constant 0 : i32
      %dma_wait3A_74 = arith.constant 0 : i32
      %dma_wait3A_75 = tpu.memref_slice %arg5[%dma_wait3A_73, %dma_wait3A_74] : memref<1114112x16xi32, #tpu.memory_space<hbm>> -> memref<1024x16xi32, #tpu.memory_space<hbm>>
      tpu.wait_dma2 semaphore(%arg19 : memref<!tpu.dma_semaphore, #tpu.memory_space<semaphore_mem>>) src(%dma_wait3A_75 : memref<1024x16xi32, #tpu.memory_space<hbm>>) dst(%arg16 : memref<1024x16xi32, #tpu.memory_space<vmem>>)
      %scan3A_76 = arith.constant 0 : i32
      %scan3A_77 = arith.constant 0 : i32
      %scan3A_78 = arith.constant 64 : i32
      %scan3A_79 = arith.addi %scan3A_77, %scan3A_78 : i32
      %scan3A_80 = arith.constant 1 : i32
      scf.for %scan3A_86 = %scan3A_77 to %scan3A_79 step %scan3A_80  : i32 {
        %mul3A_87 = arith.constant 64 : i32
        %mul3A_88 = arith.muli %add3A_69, %mul3A_87 : i32
        %add3A_89 = arith.addi %mul3A_88, %scan3A_86 : i32
        %jit3A = arith.constant 16 : i32
        %div3A = arith.divsi %add3A_89, %jit3A : i32
        %sign3A = arith.constant 0 : i32
        %sign3A_90 = arith.cmpi sgt, %add3A_89, %sign3A : i32
        %sign3A_91 = arith.extui %sign3A_90 : i1 to i32
        %sign3A_92 = arith.constant 0 : i32
        %sign3A_93 = arith.cmpi slt, %add3A_89, %sign3A_92 : i32
        %sign3A_94 = arith.extui %sign3A_93 : i1 to i32
        %sign3A_95 = arith.subi %sign3A_91, %sign3A_94 : i32
        %sign3A_96 = arith.constant 0 : i32
        %sign3A_97 = arith.cmpi sgt, %jit3A, %sign3A_96 : i32
        %sign3A_98 = arith.extui %sign3A_97 : i1 to i32
        %sign3A_99 = arith.constant 0 : i32
        %sign3A_100 = arith.cmpi slt, %jit3A, %sign3A_99 : i32
        %sign3A_101 = arith.extui %sign3A_100 : i1 to i32
        %sign3A_102 = arith.subi %sign3A_98, %sign3A_101 : i32
        %ne3A = arith.cmpi ne, %sign3A_95, %sign3A_102 : i32
        %rem3A = arith.remsi %add3A_89, %jit3A : i32
        %ne3A_103 = arith.constant 0 : i32
        %ne3A_104 = arith.cmpi ne, %rem3A, %ne3A_103 : i32
        %and3A = arith.andi %ne3A, %ne3A_104 : i1
        %sub3A = arith.constant 1 : i32
        %sub3A_105 = arith.subi %div3A, %sub3A : i32
        %select_n3A = arith.select %and3A, %sub3A_105, %div3A : i32
        %get3A = arith.index_cast %scan3A_86 : i32 to index
        %get3A_106 = arith.constant 0 : index
        %get3A_107 = tpu.vector_load %arg12[%get3A, %get3A_106] {strides = array<i32>} : memref<64x16xi32, #tpu.memory_space<vmem>>, vector<16xi32>,
        %shift_right_logical3A = arith.constant 26 : i32
        %shift_right_logical3A_108 = vector.broadcast %shift_right_logical3A : i32 to vector<16xi32>
        %shift_right_logical3A_109 = arith.shrui %get3A_107, %shift_right_logical3A_108 : vector<16xi32>
        %mul3A_110 = arith.constant 64 : i32
        %mul3A_111 = arith.muli %select_n3A, %mul3A_110 : i32
        %add3A_112 = vector.broadcast %mul3A_111 : i32 to vector<16xi32>
        %add3A_113 = arith.addi %shift_right_logical3A_109, %add3A_112 : vector<16xi32>
        %gather3A = tpu.vector_load_idx %arg8[%add3A_113] : memref<8192xf32, #tpu.memory_space<vmem>>[vector<16xi32>], vector<16xf32>,
        %reduce_sum3A = arith.constant true
        %reduce_sum3A_114 = vector.broadcast %reduce_sum3A : i1 to vector<16xi1>
        %reduce_sum3A_115 = tpu.scan <sum>, %gather3A masked %reduce_sum3A_114 : vector<16xf32>, vector<16xi1> -> vector<16xf32>
        %reduce_sum3A_116 = vector.extract %reduce_sum3A_115[15] : f32 from vector<16xf32>
        %div3A_117 = vector.broadcast %reduce_sum3A_116 : f32 to vector<16xf32>
        %div3A_118 = arith.divf %gather3A, %div3A_117 : vector<16xf32>
        %broadcast_in_dim3A = arith.constant 0.000000e+00 : f32
        %broadcast_in_dim3A_119 = vector.broadcast %broadcast_in_dim3A : f32 to vector<16xf32>
        %broadcast_in_dim3A_120 = arith.constant 0.000000e+00 : f32
        %broadcast_in_dim3A_121 = vector.broadcast %broadcast_in_dim3A_120 : f32 to vector<16xf32>
        %slice3A = vector.extract_strided_slice %div3A_118 {offsets = [0], sizes = [1], strides = [1]} : vector<16xf32> to vector<1xf32>
        %squeeze3A = vector.extract %slice3A[0] : f32 from vector<1xf32>
        %mul3A_122 = arith.constant 16 : i32
        %mul3A_123 = arith.muli %scan3A_86, %mul3A_122 : i32
        %add3A_124 = arith.constant 0 : i32
        %add3A_125 = arith.addi %mul3A_123, %add3A_124 : i32
        %get3A_126 = arith.index_cast %add3A_125 : i32 to index
        %get3A_127 = arith.constant 0 : index
        %get3A_128 = tpu.vector_load %arg16[%get3A_126, %get3A_127] {strides = array<i32>} : memref<1024x16xi32, #tpu.memory_space<vmem>>, vector<16xi32>,
        %bitcast3A = vector.bitcast %get3A_128 : vector<16xi32> to vector<32xbf16>
        %unpack3A = tpu.unpack_subelements %bitcast3A, 0 {pack_format = #tpu.pack_format<interleaved>} : vector<32xbf16> -> vector<16xf32>
        %unpack3A_129 = tpu.unpack_subelements %bitcast3A, 1 {pack_format = #tpu.pack_format<interleaved>} : vector<32xbf16> -> vector<16xf32>
        %mul3A_130 = vector.broadcast %squeeze3A : f32 to vector<16xf32>
        %mul3A_131 = arith.mulf %mul3A_130, %unpack3A : vector<16xf32>
        %add3A_132 = arith.addf %broadcast_in_dim3A_119, %mul3A_131 : vector<16xf32>
        %mul3A_133 = vector.broadcast %squeeze3A : f32 to vector<16xf32>
        %mul3A_134 = arith.mulf %mul3A_133, %unpack3A_129 : vector<16xf32>
        %add3A_135 = arith.addf %broadcast_in_dim3A_121, %mul3A_134 : vector<16xf32>
        %slice3A_136 = vector.extract_strided_slice %div3A_118 {offsets = [1], sizes = [1], strides = [1]} : vector<16xf32> to vector<1xf32>
        %squeeze3A_137 = vector.extract %slice3A_136[0] : f32 from vector<1xf32>
        %mul3A_138 = arith.constant 16 : i32
        %mul3A_139 = arith.muli %scan3A_86, %mul3A_138 : i32
        %add3A_140 = arith.constant 1 : i32
        %add3A_141 = arith.addi %mul3A_139, %add3A_140 : i32
        %get3A_142 = arith.index_cast %add3A_141 : i32 to index
        %get3A_143 = arith.constant 0 : index
        %get3A_144 = tpu.vector_load %arg16[%get3A_142, %get3A_143] {strides = array<i32>} : memref<1024x16xi32, #tpu.memory_space<vmem>>, vector<16xi32>,
        %bitcast3A_145 = vector.bitcast %get3A_144 : vector<16xi32> to vector<32xbf16>
        %unpack3A_146 = tpu.unpack_subelements %bitcast3A_145, 0 {pack_format = #tpu.pack_format<interleaved>} : vector<32xbf16> -> vector<16xf32>
        %unpack3A_147 = tpu.unpack_subelements %bitcast3A_145, 1 {pack_format = #tpu.pack_format<interleaved>} : vector<32xbf16> -> vector<16xf32>
        %mul3A_148 = vector.broadcast %squeeze3A_137 : f32 to vector<16xf32>
        %mul3A_149 = arith.mulf %mul3A_148, %unpack3A_146 : vector<16xf32>
        %add3A_150 = arith.addf %add3A_132, %mul3A_149 : vector<16xf32>
        %mul3A_151 = vector.broadcast %squeeze3A_137 : f32 to vector<16xf32>
        %mul3A_152 = arith.mulf %mul3A_151, %unpack3A_147 : vector<16xf32>
        %add3A_153 = arith.addf %add3A_135, %mul3A_152 : vector<16xf32>
        %slice3A_154 = vector.extract_strided_slice %div3A_118 {offsets = [2], sizes = [1], strides = [1]} : vector<16xf32> to vector<1xf32>
        %squeeze3A_155 = vector.extract %slice3A_154[0] : f32 from vector<1xf32>
        %mul3A_156 = arith.constant 16 : i32
        %mul3A_157 = arith.muli %scan3A_86, %mul3A_156 : i32
        %add3A_158 = arith.constant 2 : i32
        %add3A_159 = arith.addi %mul3A_157, %add3A_158 : i32
        %get3A_160 = arith.index_cast %add3A_159 : i32 to index
        %get3A_161 = arith.constant 0 : index
        %get3A_162 = tpu.vector_load %arg16[%get3A_160, %get3A_161] {strides = array<i32>} : memref<1024x16xi32, #tpu.memory_space<vmem>>, vector<16xi32>,
        %bitcast3A_163 = vector.bitcast %get3A_162 : vector<16xi32> to vector<32xbf16>
        %unpack3A_164 = tpu.unpack_subelements %bitcast3A_163, 0 {pack_format = #tpu.pack_format<interleaved>} : vector<32xbf16> -> vector<16xf32>
        %unpack3A_165 = tpu.unpack_subelements %bitcast3A_163, 1 {pack_format = #tpu.pack_format<interleaved>} : vector<32xbf16> -> vector<16xf32>
        %mul3A_166 = vector.broadcast %squeeze3A_155 : f32 to vector<16xf32>
        %mul3A_167 = arith.mulf %mul3A_166, %unpack3A_164 : vector<16xf32>
        %add3A_168 = arith.addf %add3A_150, %mul3A_167 : vector<16xf32>
        %mul3A_169 = vector.broadcast %squeeze3A_155 : f32 to vector<16xf32>
        %mul3A_170 = arith.mulf %mul3A_169, %unpack3A_165 : vector<16xf32>
        %add3A_171 = arith.addf %add3A_153, %mul3A_170 : vector<16xf32>
        %slice3A_172 = vector.extract_strided_slice %div3A_118 {offsets = [3], sizes = [1], strides = [1]} : vector<16xf32> to vector<1xf32>
        %squeeze3A_173 = vector.extract %slice3A_172[0] : f32 from vector<1xf32>
        %mul3A_174 = arith.constant 16 : i32
        %mul3A_175 = arith.muli %scan3A_86, %mul3A_174 : i32
        %add3A_176 = arith.constant 3 : i32
        %add3A_177 = arith.addi %mul3A_175, %add3A_176 : i32
        %get3A_178 = arith.index_cast %add3A_177 : i32 to index
        %get3A_179 = arith.constant 0 : index
        %get3A_180 = tpu.vector_load %arg16[%get3A_178, %get3A_179] {strides = array<i32>} : memref<1024x16xi32, #tpu.memory_space<vmem>>, vector<16xi32>,
        %bitcast3A_181 = vector.bitcast %get3A_180 : vector<16xi32> to vector<32xbf16>
        %unpack3A_182 = tpu.unpack_subelements %bitcast3A_181, 0 {pack_format = #tpu.pack_format<interleaved>} : vector<32xbf16> -> vector<16xf32>
        %unpack3A_183 = tpu.unpack_subelements %bitcast3A_181, 1 {pack_format = #tpu.pack_format<interleaved>} : vector<32xbf16> -> vector<16xf32>
        %mul3A_184 = vector.broadcast %squeeze3A_173 : f32 to vector<16xf32>
        %mul3A_185 = arith.mulf %mul3A_184, %unpack3A_182 : vector<16xf32>
        %add3A_186 = arith.addf %add3A_168, %mul3A_185 : vector<16xf32>
        %mul3A_187 = vector.broadcast %squeeze3A_173 : f32 to vector<16xf32>
        %mul3A_188 = arith.mulf %mul3A_187, %unpack3A_183 : vector<16xf32>
        %add3A_189 = arith.addf %add3A_171, %mul3A_188 : vector<16xf32>
        %slice3A_190 = vector.extract_strided_slice %div3A_118 {offsets = [4], sizes = [1], strides = [1]} : vector<16xf32> to vector<1xf32>
        %squeeze3A_191 = vector.extract %slice3A_190[0] : f32 from vector<1xf32>
        %mul3A_192 = arith.constant 16 : i32
        %mul3A_193 = arith.muli %scan3A_86, %mul3A_192 : i32
        %add3A_194 = arith.constant 4 : i32
        %add3A_195 = arith.addi %mul3A_193, %add3A_194 : i32
        %get3A_196 = arith.index_cast %add3A_195 : i32 to index
        %get3A_197 = arith.constant 0 : index
        %get3A_198 = tpu.vector_load %arg16[%get3A_196, %get3A_197] {strides = array<i32>} : memref<1024x16xi32, #tpu.memory_space<vmem>>, vector<16xi32>,
        %bitcast3A_199 = vector.bitcast %get3A_198 : vector<16xi32> to vector<32xbf16>
        %unpack3A_200 = tpu.unpack_subelements %bitcast3A_199, 0 {pack_format = #tpu.pack_format<interleaved>} : vector<32xbf16> -> vector<16xf32>
        %unpack3A_201 = tpu.unpack_subelements %bitcast3A_199, 1 {pack_format = #tpu.pack_format<interleaved>} : vector<32xbf16> -> vector<16xf32>
        %mul3A_202 = vector.broadcast %squeeze3A_191 : f32 to vector<16xf32>
        %mul3A_203 = arith.mulf %mul3A_202, %unpack3A_200 : vector<16xf32>
        %add3A_204 = arith.addf %add3A_186, %mul3A_203 : vector<16xf32>
        %mul3A_205 = vector.broadcast %squeeze3A_191 : f32 to vector<16xf32>
        %mul3A_206 = arith.mulf %mul3A_205, %unpack3A_201 : vector<16xf32>
        %add3A_207 = arith.addf %add3A_189, %mul3A_206 : vector<16xf32>
        %slice3A_208 = vector.extract_strided_slice %div3A_118 {offsets = [5], sizes = [1], strides = [1]} : vector<16xf32> to vector<1xf32>
        %squeeze3A_209 = vector.extract %slice3A_208[0] : f32 from vector<1xf32>
        %mul3A_210 = arith.constant 16 : i32
        %mul3A_211 = arith.muli %scan3A_86, %mul3A_210 : i32
        %add3A_212 = arith.constant 5 : i32
        %add3A_213 = arith.addi %mul3A_211, %add3A_212 : i32
        %get3A_214 = arith.index_cast %add3A_213 : i32 to index
        %get3A_215 = arith.constant 0 : index
        %get3A_216 = tpu.vector_load %arg16[%get3A_214, %get3A_215] {strides = array<i32>} : memref<1024x16xi32, #tpu.memory_space<vmem>>, vector<16xi32>,
        %bitcast3A_217 = vector.bitcast %get3A_216 : vector<16xi32> to vector<32xbf16>
        %unpack3A_218 = tpu.unpack_subelements %bitcast3A_217, 0 {pack_format = #tpu.pack_format<interleaved>} : vector<32xbf16> -> vector<16xf32>
        %unpack3A_219 = tpu.unpack_subelements %bitcast3A_217, 1 {pack_format = #tpu.pack_format<interleaved>} : vector<32xbf16> -> vector<16xf32>
        %mul3A_220 = vector.broadcast %squeeze3A_209 : f32 to vector<16xf32>
        %mul3A_221 = arith.mulf %mul3A_220, %unpack3A_218 : vector<16xf32>
        %add3A_222 = arith.addf %add3A_204, %mul3A_221 : vector<16xf32>
        %mul3A_223 = vector.broadcast %squeeze3A_209 : f32 to vector<16xf32>
        %mul3A_224 = arith.mulf %mul3A_223, %unpack3A_219 : vector<16xf32>
        %add3A_225 = arith.addf %add3A_207, %mul3A_224 : vector<16xf32>
        %slice3A_226 = vector.extract_strided_slice %div3A_118 {offsets = [6], sizes = [1], strides = [1]} : vector<16xf32> to vector<1xf32>
        %squeeze3A_227 = vector.extract %slice3A_226[0] : f32 from vector<1xf32>
        %mul3A_228 = arith.constant 16 : i32
        %mul3A_229 = arith.muli %scan3A_86, %mul3A_228 : i32
        %add3A_230 = arith.constant 6 : i32
        %add3A_231 = arith.addi %mul3A_229, %add3A_230 : i32
        %get3A_232 = arith.index_cast %add3A_231 : i32 to index
        %get3A_233 = arith.constant 0 : index
        %get3A_234 = tpu.vector_load %arg16[%get3A_232, %get3A_233] {strides = array<i32>} : memref<1024x16xi32, #tpu.memory_space<vmem>>, vector<16xi32>,
        %bitcast3A_235 = vector.bitcast %get3A_234 : vector<16xi32> to vector<32xbf16>
        %unpack3A_236 = tpu.unpack_subelements %bitcast3A_235, 0 {pack_format = #tpu.pack_format<interleaved>} : vector<32xbf16> -> vector<16xf32>
        %unpack3A_237 = tpu.unpack_subelements %bitcast3A_235, 1 {pack_format = #tpu.pack_format<interleaved>} : vector<32xbf16> -> vector<16xf32>
        %mul3A_238 = vector.broadcast %squeeze3A_227 : f32 to vector<16xf32>
        %mul3A_239 = arith.mulf %mul3A_238, %unpack3A_236 : vector<16xf32>
        %add3A_240 = arith.addf %add3A_222, %mul3A_239 : vector<16xf32>
        %mul3A_241 = vector.broadcast %squeeze3A_227 : f32 to vector<16xf32>
        %mul3A_242 = arith.mulf %mul3A_241, %unpack3A_237 : vector<16xf32>
        %add3A_243 = arith.addf %add3A_225, %mul3A_242 : vector<16xf32>
        %slice3A_244 = vector.extract_strided_slice %div3A_118 {offsets = [7], sizes = [1], strides = [1]} : vector<16xf32> to vector<1xf32>
        %squeeze3A_245 = vector.extract %slice3A_244[0] : f32 from vector<1xf32>
        %mul3A_246 = arith.constant 16 : i32
        %mul3A_247 = arith.muli %scan3A_86, %mul3A_246 : i32
        %add3A_248 = arith.constant 7 : i32
        %add3A_249 = arith.addi %mul3A_247, %add3A_248 : i32
        %get3A_250 = arith.index_cast %add3A_249 : i32 to index
        %get3A_251 = arith.constant 0 : index
        %get3A_252 = tpu.vector_load %arg16[%get3A_250, %get3A_251] {strides = array<i32>} : memref<1024x16xi32, #tpu.memory_space<vmem>>, vector<16xi32>,
        %bitcast3A_253 = vector.bitcast %get3A_252 : vector<16xi32> to vector<32xbf16>
        %unpack3A_254 = tpu.unpack_subelements %bitcast3A_253, 0 {pack_format = #tpu.pack_format<interleaved>} : vector<32xbf16> -> vector<16xf32>
        %unpack3A_255 = tpu.unpack_subelements %bitcast3A_253, 1 {pack_format = #tpu.pack_format<interleaved>} : vector<32xbf16> -> vector<16xf32>
        %mul3A_256 = vector.broadcast %squeeze3A_245 : f32 to vector<16xf32>
        %mul3A_257 = arith.mulf %mul3A_256, %unpack3A_254 : vector<16xf32>
        %add3A_258 = arith.addf %add3A_240, %mul3A_257 : vector<16xf32>
        %mul3A_259 = vector.broadcast %squeeze3A_245 : f32 to vector<16xf32>
        %mul3A_260 = arith.mulf %mul3A_259, %unpack3A_255 : vector<16xf32>
        %add3A_261 = arith.addf %add3A_243, %mul3A_260 : vector<16xf32>
        %slice3A_262 = vector.extract_strided_slice %div3A_118 {offsets = [8], sizes = [1], strides = [1]} : vector<16xf32> to vector<1xf32>
        %squeeze3A_263 = vector.extract %slice3A_262[0] : f32 from vector<1xf32>
        %mul3A_264 = arith.constant 16 : i32
        %mul3A_265 = arith.muli %scan3A_86, %mul3A_264 : i32
        %add3A_266 = arith.constant 8 : i32
        %add3A_267 = arith.addi %mul3A_265, %add3A_266 : i32
        %get3A_268 = arith.index_cast %add3A_267 : i32 to index
        %get3A_269 = arith.constant 0 : index
        %get3A_270 = tpu.vector_load %arg16[%get3A_268, %get3A_269] {strides = array<i32>} : memref<1024x16xi32, #tpu.memory_space<vmem>>, vector<16xi32>,
        %bitcast3A_271 = vector.bitcast %get3A_270 : vector<16xi32> to vector<32xbf16>
        %unpack3A_272 = tpu.unpack_subelements %bitcast3A_271, 0 {pack_format = #tpu.pack_format<interleaved>} : vector<32xbf16> -> vector<16xf32>
        %unpack3A_273 = tpu.unpack_subelements %bitcast3A_271, 1 {pack_format = #tpu.pack_format<interleaved>} : vector<32xbf16> -> vector<16xf32>
        %mul3A_274 = vector.broadcast %squeeze3A_263 : f32 to vector<16xf32>
        %mul3A_275 = arith.mulf %mul3A_274, %unpack3A_272 : vector<16xf32>
        %add3A_276 = arith.addf %add3A_258, %mul3A_275 : vector<16xf32>
        %mul3A_277 = vector.broadcast %squeeze3A_263 : f32 to vector<16xf32>
        %mul3A_278 = arith.mulf %mul3A_277, %unpack3A_273 : vector<16xf32>
        %add3A_279 = arith.addf %add3A_261, %mul3A_278 : vector<16xf32>
        %slice3A_280 = vector.extract_strided_slice %div3A_118 {offsets = [9], sizes = [1], strides = [1]} : vector<16xf32> to vector<1xf32>
        %squeeze3A_281 = vector.extract %slice3A_280[0] : f32 from vector<1xf32>
        %mul3A_282 = arith.constant 16 : i32
        %mul3A_283 = arith.muli %scan3A_86, %mul3A_282 : i32
        %add3A_284 = arith.constant 9 : i32
        %add3A_285 = arith.addi %mul3A_283, %add3A_284 : i32
        %get3A_286 = arith.index_cast %add3A_285 : i32 to index
        %get3A_287 = arith.constant 0 : index
        %get3A_288 = tpu.vector_load %arg16[%get3A_286, %get3A_287] {strides = array<i32>} : memref<1024x16xi32, #tpu.memory_space<vmem>>, vector<16xi32>,
        %bitcast3A_289 = vector.bitcast %get3A_288 : vector<16xi32> to vector<32xbf16>
        %unpack3A_290 = tpu.unpack_subelements %bitcast3A_289, 0 {pack_format = #tpu.pack_format<interleaved>} : vector<32xbf16> -> vector<16xf32>
        %unpack3A_291 = tpu.unpack_subelements %bitcast3A_289, 1 {pack_format = #tpu.pack_format<interleaved>} : vector<32xbf16> -> vector<16xf32>
        %mul3A_292 = vector.broadcast %squeeze3A_281 : f32 to vector<16xf32>
        %mul3A_293 = arith.mulf %mul3A_292, %unpack3A_290 : vector<16xf32>
        %add3A_294 = arith.addf %add3A_276, %mul3A_293 : vector<16xf32>
        %mul3A_295 = vector.broadcast %squeeze3A_281 : f32 to vector<16xf32>
        %mul3A_296 = arith.mulf %mul3A_295, %unpack3A_291 : vector<16xf32>
        %add3A_297 = arith.addf %add3A_279, %mul3A_296 : vector<16xf32>
        %slice3A_298 = vector.extract_strided_slice %div3A_118 {offsets = [10], sizes = [1], strides = [1]} : vector<16xf32> to vector<1xf32>
        %squeeze3A_299 = vector.extract %slice3A_298[0] : f32 from vector<1xf32>
        %mul3A_300 = arith.constant 16 : i32
        %mul3A_301 = arith.muli %scan3A_86, %mul3A_300 : i32
        %add3A_302 = arith.constant 10 : i32
        %add3A_303 = arith.addi %mul3A_301, %add3A_302 : i32
        %get3A_304 = arith.index_cast %add3A_303 : i32 to index
        %get3A_305 = arith.constant 0 : index
        %get3A_306 = tpu.vector_load %arg16[%get3A_304, %get3A_305] {strides = array<i32>} : memref<1024x16xi32, #tpu.memory_space<vmem>>, vector<16xi32>,
        %bitcast3A_307 = vector.bitcast %get3A_306 : vector<16xi32> to vector<32xbf16>
        %unpack3A_308 = tpu.unpack_subelements %bitcast3A_307, 0 {pack_format = #tpu.pack_format<interleaved>} : vector<32xbf16> -> vector<16xf32>
        %unpack3A_309 = tpu.unpack_subelements %bitcast3A_307, 1 {pack_format = #tpu.pack_format<interleaved>} : vector<32xbf16> -> vector<16xf32>
        %mul3A_310 = vector.broadcast %squeeze3A_299 : f32 to vector<16xf32>
        %mul3A_311 = arith.mulf %mul3A_310, %unpack3A_308 : vector<16xf32>
        %add3A_312 = arith.addf %add3A_294, %mul3A_311 : vector<16xf32>
        %mul3A_313 = vector.broadcast %squeeze3A_299 : f32 to vector<16xf32>
        %mul3A_314 = arith.mulf %mul3A_313, %unpack3A_309 : vector<16xf32>
        %add3A_315 = arith.addf %add3A_297, %mul3A_314 : vector<16xf32>
        %slice3A_316 = vector.extract_strided_slice %div3A_118 {offsets = [11], sizes = [1], strides = [1]} : vector<16xf32> to vector<1xf32>
        %squeeze3A_317 = vector.extract %slice3A_316[0] : f32 from vector<1xf32>
        %mul3A_318 = arith.constant 16 : i32
        %mul3A_319 = arith.muli %scan3A_86, %mul3A_318 : i32
        %add3A_320 = arith.constant 11 : i32
        %add3A_321 = arith.addi %mul3A_319, %add3A_320 : i32
        %get3A_322 = arith.index_cast %add3A_321 : i32 to index
        %get3A_323 = arith.constant 0 : index
        %get3A_324 = tpu.vector_load %arg16[%get3A_322, %get3A_323] {strides = array<i32>} : memref<1024x16xi32, #tpu.memory_space<vmem>>, vector<16xi32>,
        %bitcast3A_325 = vector.bitcast %get3A_324 : vector<16xi32> to vector<32xbf16>
        %unpack3A_326 = tpu.unpack_subelements %bitcast3A_325, 0 {pack_format = #tpu.pack_format<interleaved>} : vector<32xbf16> -> vector<16xf32>
        %unpack3A_327 = tpu.unpack_subelements %bitcast3A_325, 1 {pack_format = #tpu.pack_format<interleaved>} : vector<32xbf16> -> vector<16xf32>
        %mul3A_328 = vector.broadcast %squeeze3A_317 : f32 to vector<16xf32>
        %mul3A_329 = arith.mulf %mul3A_328, %unpack3A_326 : vector<16xf32>
        %add3A_330 = arith.addf %add3A_312, %mul3A_329 : vector<16xf32>
        %mul3A_331 = vector.broadcast %squeeze3A_317 : f32 to vector<16xf32>
        %mul3A_332 = arith.mulf %mul3A_331, %unpack3A_327 : vector<16xf32>
        %add3A_333 = arith.addf %add3A_315, %mul3A_332 : vector<16xf32>
        %slice3A_334 = vector.extract_strided_slice %div3A_118 {offsets = [12], sizes = [1], strides = [1]} : vector<16xf32> to vector<1xf32>
        %squeeze3A_335 = vector.extract %slice3A_334[0] : f32 from vector<1xf32>
        %mul3A_336 = arith.constant 16 : i32
        %mul3A_337 = arith.muli %scan3A_86, %mul3A_336 : i32
        %add3A_338 = arith.constant 12 : i32
        %add3A_339 = arith.addi %mul3A_337, %add3A_338 : i32
        %get3A_340 = arith.index_cast %add3A_339 : i32 to index
        %get3A_341 = arith.constant 0 : index
        %get3A_342 = tpu.vector_load %arg16[%get3A_340, %get3A_341] {strides = array<i32>} : memref<1024x16xi32, #tpu.memory_space<vmem>>, vector<16xi32>,
        %bitcast3A_343 = vector.bitcast %get3A_342 : vector<16xi32> to vector<32xbf16>
        %unpack3A_344 = tpu.unpack_subelements %bitcast3A_343, 0 {pack_format = #tpu.pack_format<interleaved>} : vector<32xbf16> -> vector<16xf32>
        %unpack3A_345 = tpu.unpack_subelements %bitcast3A_343, 1 {pack_format = #tpu.pack_format<interleaved>} : vector<32xbf16> -> vector<16xf32>
        %mul3A_346 = vector.broadcast %squeeze3A_335 : f32 to vector<16xf32>
        %mul3A_347 = arith.mulf %mul3A_346, %unpack3A_344 : vector<16xf32>
        %add3A_348 = arith.addf %add3A_330, %mul3A_347 : vector<16xf32>
        %mul3A_349 = vector.broadcast %squeeze3A_335 : f32 to vector<16xf32>
        %mul3A_350 = arith.mulf %mul3A_349, %unpack3A_345 : vector<16xf32>
        %add3A_351 = arith.addf %add3A_333, %mul3A_350 : vector<16xf32>
        %slice3A_352 = vector.extract_strided_slice %div3A_118 {offsets = [13], sizes = [1], strides = [1]} : vector<16xf32> to vector<1xf32>
        %squeeze3A_353 = vector.extract %slice3A_352[0] : f32 from vector<1xf32>
        %mul3A_354 = arith.constant 16 : i32
        %mul3A_355 = arith.muli %scan3A_86, %mul3A_354 : i32
        %add3A_356 = arith.constant 13 : i32
        %add3A_357 = arith.addi %mul3A_355, %add3A_356 : i32
        %get3A_358 = arith.index_cast %add3A_357 : i32 to index
        %get3A_359 = arith.constant 0 : index
        %get3A_360 = tpu.vector_load %arg16[%get3A_358, %get3A_359] {strides = array<i32>} : memref<1024x16xi32, #tpu.memory_space<vmem>>, vector<16xi32>,
        %bitcast3A_361 = vector.bitcast %get3A_360 : vector<16xi32> to vector<32xbf16>
        %unpack3A_362 = tpu.unpack_subelements %bitcast3A_361, 0 {pack_format = #tpu.pack_format<interleaved>} : vector<32xbf16> -> vector<16xf32>
        %unpack3A_363 = tpu.unpack_subelements %bitcast3A_361, 1 {pack_format = #tpu.pack_format<interleaved>} : vector<32xbf16> -> vector<16xf32>
        %mul3A_364 = vector.broadcast %squeeze3A_353 : f32 to vector<16xf32>
        %mul3A_365 = arith.mulf %mul3A_364, %unpack3A_362 : vector<16xf32>
        %add3A_366 = arith.addf %add3A_348, %mul3A_365 : vector<16xf32>
        %mul3A_367 = vector.broadcast %squeeze3A_353 : f32 to vector<16xf32>
        %mul3A_368 = arith.mulf %mul3A_367, %unpack3A_363 : vector<16xf32>
        %add3A_369 = arith.addf %add3A_351, %mul3A_368 : vector<16xf32>
        %slice3A_370 = vector.extract_strided_slice %div3A_118 {offsets = [14], sizes = [1], strides = [1]} : vector<16xf32> to vector<1xf32>
        %squeeze3A_371 = vector.extract %slice3A_370[0] : f32 from vector<1xf32>
        %mul3A_372 = arith.constant 16 : i32
        %mul3A_373 = arith.muli %scan3A_86, %mul3A_372 : i32
        %add3A_374 = arith.constant 14 : i32
        %add3A_375 = arith.addi %mul3A_373, %add3A_374 : i32
        %get3A_376 = arith.index_cast %add3A_375 : i32 to index
        %get3A_377 = arith.constant 0 : index
        %get3A_378 = tpu.vector_load %arg16[%get3A_376, %get3A_377] {strides = array<i32>} : memref<1024x16xi32, #tpu.memory_space<vmem>>, vector<16xi32>,
        %bitcast3A_379 = vector.bitcast %get3A_378 : vector<16xi32> to vector<32xbf16>
        %unpack3A_380 = tpu.unpack_subelements %bitcast3A_379, 0 {pack_format = #tpu.pack_format<interleaved>} : vector<32xbf16> -> vector<16xf32>
        %unpack3A_381 = tpu.unpack_subelements %bitcast3A_379, 1 {pack_format = #tpu.pack_format<interleaved>} : vector<32xbf16> -> vector<16xf32>
        %mul3A_382 = vector.broadcast %squeeze3A_371 : f32 to vector<16xf32>
        %mul3A_383 = arith.mulf %mul3A_382, %unpack3A_380 : vector<16xf32>
        %add3A_384 = arith.addf %add3A_366, %mul3A_383 : vector<16xf32>
        %mul3A_385 = vector.broadcast %squeeze3A_371 : f32 to vector<16xf32>
        %mul3A_386 = arith.mulf %mul3A_385, %unpack3A_381 : vector<16xf32>
        %add3A_387 = arith.addf %add3A_369, %mul3A_386 : vector<16xf32>
        %slice3A_388 = vector.extract_strided_slice %div3A_118 {offsets = [15], sizes = [1], strides = [1]} : vector<16xf32> to vector<1xf32>
        %squeeze3A_389 = vector.extract %slice3A_388[0] : f32 from vector<1xf32>
        %mul3A_390 = arith.constant 16 : i32
        %mul3A_391 = arith.muli %scan3A_86, %mul3A_390 : i32
        %add3A_392 = arith.constant 15 : i32
        %add3A_393 = arith.addi %mul3A_391, %add3A_392 : i32
        %get3A_394 = arith.index_cast %add3A_393 : i32 to index
        %get3A_395 = arith.constant 0 : index
        %get3A_396 = tpu.vector_load %arg16[%get3A_394, %get3A_395] {strides = array<i32>} : memref<1024x16xi32, #tpu.memory_space<vmem>>, vector<16xi32>,
        %bitcast3A_397 = vector.bitcast %get3A_396 : vector<16xi32> to vector<32xbf16>
        %unpack3A_398 = tpu.unpack_subelements %bitcast3A_397, 0 {pack_format = #tpu.pack_format<interleaved>} : vector<32xbf16> -> vector<16xf32>
        %unpack3A_399 = tpu.unpack_subelements %bitcast3A_397, 1 {pack_format = #tpu.pack_format<interleaved>} : vector<32xbf16> -> vector<16xf32>
        %mul3A_400 = vector.broadcast %squeeze3A_389 : f32 to vector<16xf32>
        %mul3A_401 = arith.mulf %mul3A_400, %unpack3A_398 : vector<16xf32>
        %add3A_402 = arith.addf %add3A_384, %mul3A_401 : vector<16xf32>
        %mul3A_403 = vector.broadcast %squeeze3A_389 : f32 to vector<16xf32>
        %mul3A_404 = arith.mulf %mul3A_403, %unpack3A_399 : vector<16xf32>
        %add3A_405 = arith.addf %add3A_387, %mul3A_404 : vector<16xf32>
        %swap3A = arith.index_cast %scan3A_86 : i32 to index
        %swap3A_406 = arith.constant 0 : index
        %swap3A_407 = tpu.vector_load %arg17[%swap3A, %swap3A_406] {strides = array<i32>} : memref<64x32xf32, #tpu.memory_space<vmem>>, vector<16xf32>,
        tpu.vector_store %arg17[%swap3A, %swap3A_406], %add3A_402 {strides = array<i32>} : memref<64x32xf32, #tpu.memory_space<vmem>>, vector<16xf32>,
        %swap3A_408 = arith.index_cast %scan3A_86 : i32 to index
        %swap3A_409 = arith.constant 16 : index
        %swap3A_410 = tpu.vector_load %arg17[%swap3A_408, %swap3A_409] {strides = array<i32>} : memref<64x32xf32, #tpu.memory_space<vmem>>, vector<16xf32>,
        tpu.vector_store %arg17[%swap3A_408, %swap3A_409], %add3A_405 {strides = array<i32>} : memref<64x32xf32, #tpu.memory_space<vmem>>, vector<16xf32>,
      }
      %scan3A_81 = arith.constant 64 : i32
      %mul3A_82 = arith.constant 64 : i32
      %mul3A_83 = arith.muli %add3A_69, %mul3A_82 : i32
      %add3A_84 = arith.addi %mul3A_4, %mul3A_83 : i32
      %multiple_of3A_85 = tpu.assume_multiple %add3A_84, 8 : i32
      "tpu.region"() ({
        %run_scoped3A = tpu.sem_alloc : memref<!tpu.dma_semaphore, #tpu.memory_space<semaphore_mem>>
        %dma_start3A_86 = arith.constant 0 : i32
        %dma_start3A_87 = tpu.memref_slice %arg6[%multiple_of3A_85, %dma_start3A_86] : memref<65536x32xf32, #tpu.memory_space<hbm>> -> memref<64x32xf32, #tpu.memory_space<hbm>>
        %dma_start3A_88 = arith.constant 0 : i32
        %dma_start3A_89 = tpu.memref_slice %arg6[%multiple_of3A_85, %dma_start3A_88] : memref<65536x32xf32, #tpu.memory_space<hbm>> -> memref<64x32xf32, #tpu.memory_space<hbm>>
        tpu.enqueue_dma source(%arg17 : memref<64x32xf32, #tpu.memory_space<vmem>>) target(%dma_start3A_89 : memref<64x32xf32, #tpu.memory_space<hbm>>) target_semaphore(%run_scoped3A : memref<!tpu.dma_semaphore, #tpu.memory_space<semaphore_mem>>)
        %dma_wait3A_90 = arith.constant 0 : i32
        %dma_wait3A_91 = tpu.memref_slice %arg6[%multiple_of3A_85, %dma_wait3A_90] : memref<65536x32xf32, #tpu.memory_space<hbm>> -> memref<64x32xf32, #tpu.memory_space<hbm>>
        %dma_wait3A_92 = arith.constant 0 : i32
        %dma_wait3A_93 = tpu.memref_slice %arg6[%multiple_of3A_85, %dma_wait3A_92] : memref<65536x32xf32, #tpu.memory_space<hbm>> -> memref<64x32xf32, #tpu.memory_space<hbm>>
        tpu.wait_dma2 semaphore(%run_scoped3A : memref<!tpu.dma_semaphore, #tpu.memory_space<semaphore_mem>>) src(%arg17 : memref<64x32xf32, #tpu.memory_space<vmem>>) dst(%dma_wait3A_93 : memref<64x32xf32, #tpu.memory_space<hbm>>)
        tpu.yield
      }) : () -> ()
    }
    %scan3A_28 = arith.constant 16 : i32
    return
  }
}

module attributes {stable_mosaic.version = 14 : i64} {
  func.func @_es_body(%arg0: memref<4096x16xi32, #tpu.memory_space<vmem>>, %arg1: memref<32x64xf32, #tpu.memory_space<vmem>>, %arg2: memref<4096x64xf32, #tpu.memory_space<vmem>>) attributes {dimension_semantics = [], scalar_prefetch = 0 : i64, scratch_operands = 0 : i64, tpu.core_type = #tpu.core_type<tc>} {
    %get3A = arith.constant 0 : index
    %get3A_0 = arith.constant 0 : index
    %get3A_1 = vector.load %arg0[%get3A, %get3A_0] : memref<4096x16xi32, #tpu.memory_space<vmem>>, vector<4096x16xi32>
    %shift_left3A = arith.constant 16 : i32
    %shift_left3A_2 = vector.broadcast %shift_left3A : i32 to vector<4096x16xi32>
    %shift_left3A_3 = arith.shli %get3A_1, %shift_left3A_2 : vector<4096x16xi32>
    %bitcast_convert_type3A = tpu.bitcast %shift_left3A_3 : vector<4096x16xi32> -> vector<4096x16xf32>
    %and3A = arith.constant -65536 : i32
    %and3A_4 = vector.broadcast %and3A : i32 to vector<4096x16xi32>
    %and3A_5 = arith.andi %get3A_1, %and3A_4 : vector<4096x16xi32>
    %bitcast_convert_type3A_6 = tpu.bitcast %and3A_5 : vector<4096x16xi32> -> vector<4096x16xf32>
    %concatenate3A = tpu.concatenate %bitcast_convert_type3A, %bitcast_convert_type3A_6 in 1 : vector<4096x16xf32>, vector<4096x16xf32> -> vector<4096x32xf32>
    %get3A_7 = arith.constant 0 : index
    %get3A_8 = arith.constant 0 : index
    %get3A_9 = vector.load %arg1[%get3A_7, %get3A_8] : memref<32x64xf32, #tpu.memory_space<vmem>>, vector<32x64xf32>
    %dot_general3A = arith.constant dense<0.000000e+00> : vector<4096x64xf32>
    %dot_general3A_10 = tpu.matmul %concatenate3A, %get3A_9, %dot_general3A {dimension_numbers = #tpu.dot_dimension_numbers<[1], [0], [0], [1], [0, 0, 1, 1], [], []>, precision = #tpu.contract_precision<fp32>, transpose_lhs_hint = false} : vector<4096x32xf32>, vector<32x64xf32>, vector<4096x64xf32> -> vector<4096x64xf32>
    %exp3A = math.exp %dot_general3A_10 : vector<4096x64xf32>
    %swap3A = arith.constant 0 : index
    %swap3A_11 = arith.constant 0 : index
    %swap3A_12 = vector.load %arg2[%swap3A, %swap3A_11] : memref<4096x64xf32, #tpu.memory_space<vmem>>, vector<4096x64xf32>
    tpu.vector_store %arg2[%swap3A, %swap3A_11], %exp3A {strides = array<i32>} : memref<4096x64xf32, #tpu.memory_space<vmem>>, vector<4096x64xf32>,
    return
  }
}

module attributes {stable_mosaic.version = 14 : i64} {
  func.func @_tr_e_body(%arg0: i32, %arg1: memref<32x16384xf32, #tpu.memory_space<vmem>>, %arg2: memref<2048x128xi32, #tpu.memory_space<vmem>>) attributes {dimension_semantics = [#tpu.dimension_semantics<arbitrary>], iteration_bounds = array<i64: 68>, scalar_prefetch = 0 : i64, scratch_operands = 0 : i64, tpu.core_type = #tpu.core_type<tc>, window_params = [{transform_indices = @transform_0, window_bounds = array<i64: 32, 16384>}, {transform_indices = @transform_1, window_bounds = array<i64: 2048, 128>}]} {
    %get3A = arith.constant 0 : index
    %get3A_0 = arith.constant 0 : index
    %get3A_1 = vector.load %arg1[%get3A, %get3A_0] : memref<32x16384xf32, #tpu.memory_space<vmem>>, vector<32x16384xf32>
    %slice3A = vector.extract_strided_slice %get3A_1 {offsets = [0, 0], sizes = [16, 16384], strides = [1, 1]} : vector<32x16384xf32> to vector<16x16384xf32>
    %slice3A_2 = vector.extract_strided_slice %get3A_1 {offsets = [16, 0], sizes = [16, 16384], strides = [1, 1]} : vector<32x16384xf32> to vector<16x16384xf32>
    %bitcast_convert_type3A = tpu.bitcast %slice3A : vector<16x16384xf32> -> vector<16x16384xi32>
    %bitcast_convert_type3A_3 = tpu.bitcast %slice3A_2 : vector<16x16384xf32> -> vector<16x16384xi32>
    %add3A = arith.constant 32767 : i32
    %add3A_4 = vector.broadcast %add3A : i32 to vector<16x16384xi32>
    %add3A_5 = arith.addi %bitcast_convert_type3A, %add3A_4 : vector<16x16384xi32>
    %shift_right_arithmetic3A = arith.constant 16 : i32
    %shift_right_arithmetic3A_6 = vector.broadcast %shift_right_arithmetic3A : i32 to vector<16x16384xi32>
    %shift_right_arithmetic3A_7 = arith.shrsi %bitcast_convert_type3A, %shift_right_arithmetic3A_6 : vector<16x16384xi32>
    %and3A = arith.constant 1 : i32
    %and3A_8 = vector.broadcast %and3A : i32 to vector<16x16384xi32>
    %and3A_9 = arith.andi %shift_right_arithmetic3A_7, %and3A_8 : vector<16x16384xi32>
    %add3A_10 = arith.addi %add3A_5, %and3A_9 : vector<16x16384xi32>
    %shift_right_arithmetic3A_11 = arith.constant 16 : i32
    %shift_right_arithmetic3A_12 = vector.broadcast %shift_right_arithmetic3A_11 : i32 to vector<16x16384xi32>
    %shift_right_arithmetic3A_13 = arith.shrsi %add3A_10, %shift_right_arithmetic3A_12 : vector<16x16384xi32>
    %and3A_14 = arith.constant 65535 : i32
    %and3A_15 = vector.broadcast %and3A_14 : i32 to vector<16x16384xi32>
    %and3A_16 = arith.andi %shift_right_arithmetic3A_13, %and3A_15 : vector<16x16384xi32>
    %add3A_17 = arith.constant 32767 : i32
    %add3A_18 = vector.broadcast %add3A_17 : i32 to vector<16x16384xi32>
    %add3A_19 = arith.addi %bitcast_convert_type3A_3, %add3A_18 : vector<16x16384xi32>
    %shift_right_arithmetic3A_20 = arith.constant 16 : i32
    %shift_right_arithmetic3A_21 = vector.broadcast %shift_right_arithmetic3A_20 : i32 to vector<16x16384xi32>
    %shift_right_arithmetic3A_22 = arith.shrsi %bitcast_convert_type3A_3, %shift_right_arithmetic3A_21 : vector<16x16384xi32>
    %and3A_23 = arith.constant 1 : i32
    %and3A_24 = vector.broadcast %and3A_23 : i32 to vector<16x16384xi32>
    %and3A_25 = arith.andi %shift_right_arithmetic3A_22, %and3A_24 : vector<16x16384xi32>
    %add3A_26 = arith.addi %add3A_19, %and3A_25 : vector<16x16384xi32>
    %shift_right_arithmetic3A_27 = arith.constant 16 : i32
    %shift_right_arithmetic3A_28 = vector.broadcast %shift_right_arithmetic3A_27 : i32 to vector<16x16384xi32>
    %shift_right_arithmetic3A_29 = arith.shrsi %add3A_26, %shift_right_arithmetic3A_28 : vector<16x16384xi32>
    %and3A_30 = arith.constant 65535 : i32
    %and3A_31 = vector.broadcast %and3A_30 : i32 to vector<16x16384xi32>
    %and3A_32 = arith.andi %shift_right_arithmetic3A_29, %and3A_31 : vector<16x16384xi32>
    %shift_left3A = arith.constant 16 : i32
    %shift_left3A_33 = vector.broadcast %shift_left3A : i32 to vector<16x16384xi32>
    %shift_left3A_34 = arith.shli %and3A_32, %shift_left3A_33 : vector<16x16384xi32>
    %or3A = arith.ori %and3A_16, %shift_left3A_34 : vector<16x16384xi32>
    %slice3A_35 = vector.extract_strided_slice %or3A {offsets = [0, 0], sizes = [16, 1024], strides = [1, 1]} : vector<16x16384xi32> to vector<16x1024xi32>
    %slice3A_36 = vector.extract_strided_slice %or3A {offsets = [0, 1024], sizes = [16, 1024], strides = [1, 1]} : vector<16x16384xi32> to vector<16x1024xi32>
    %slice3A_37 = vector.extract_strided_slice %or3A {offsets = [0, 2048], sizes = [16, 1024], strides = [1, 1]} : vector<16x16384xi32> to vector<16x1024xi32>
    %slice3A_38 = vector.extract_strided_slice %or3A {offsets = [0, 3072], sizes = [16, 1024], strides = [1, 1]} : vector<16x16384xi32> to vector<16x1024xi32>
    %slice3A_39 = vector.extract_strided_slice %or3A {offsets = [0, 4096], sizes = [16, 1024], strides = [1, 1]} : vector<16x16384xi32> to vector<16x1024xi32>
    %slice3A_40 = vector.extract_strided_slice %or3A {offsets = [0, 5120], sizes = [16, 1024], strides = [1, 1]} : vector<16x16384xi32> to vector<16x1024xi32>
    %slice3A_41 = vector.extract_strided_slice %or3A {offsets = [0, 6144], sizes = [16, 1024], strides = [1, 1]} : vector<16x16384xi32> to vector<16x1024xi32>
    %slice3A_42 = vector.extract_strided_slice %or3A {offsets = [0, 7168], sizes = [16, 1024], strides = [1, 1]} : vector<16x16384xi32> to vector<16x1024xi32>
    %concatenate3A = tpu.concatenate %slice3A_35, %slice3A_36, %slice3A_37, %slice3A_38, %slice3A_39, %slice3A_40, %slice3A_41, %slice3A_42 in 0 : vector<16x1024xi32>, vector<16x1024xi32>, vector<16x1024xi32>, vector<16x1024xi32>, vector<16x1024xi32>, vector<16x1024xi32>, vector<16x1024xi32>, vector<16x1024xi32> -> vector<128x1024xi32>
    %transpose3A = tpu.transpose %concatenate3A, [1, 0] : vector<128x1024xi32> -> vector<1024x128xi32>
    %swap3A = arith.constant 0 : index
    %swap3A_43 = arith.constant 0 : index
    %swap3A_44 = vector.load %arg2[%swap3A, %swap3A_43] : memref<2048x128xi32, #tpu.memory_space<vmem>>, vector<1024x128xi32>
    tpu.vector_store %arg2[%swap3A, %swap3A_43], %transpose3A {strides = array<i32>} : memref<2048x128xi32, #tpu.memory_space<vmem>>, vector<1024x128xi32>,
    %slice3A_45 = vector.extract_strided_slice %or3A {offsets = [0, 8192], sizes = [16, 1024], strides = [1, 1]} : vector<16x16384xi32> to vector<16x1024xi32>
    %slice3A_46 = vector.extract_strided_slice %or3A {offsets = [0, 9216], sizes = [16, 1024], strides = [1, 1]} : vector<16x16384xi32> to vector<16x1024xi32>
    %slice3A_47 = vector.extract_strided_slice %or3A {offsets = [0, 10240], sizes = [16, 1024], strides = [1, 1]} : vector<16x16384xi32> to vector<16x1024xi32>
    %slice3A_48 = vector.extract_strided_slice %or3A {offsets = [0, 11264], sizes = [16, 1024], strides = [1, 1]} : vector<16x16384xi32> to vector<16x1024xi32>
    %slice3A_49 = vector.extract_strided_slice %or3A {offsets = [0, 12288], sizes = [16, 1024], strides = [1, 1]} : vector<16x16384xi32> to vector<16x1024xi32>
    %slice3A_50 = vector.extract_strided_slice %or3A {offsets = [0, 13312], sizes = [16, 1024], strides = [1, 1]} : vector<16x16384xi32> to vector<16x1024xi32>
    %slice3A_51 = vector.extract_strided_slice %or3A {offsets = [0, 14336], sizes = [16, 1024], strides = [1, 1]} : vector<16x16384xi32> to vector<16x1024xi32>
    %slice3A_52 = vector.extract_strided_slice %or3A {offsets = [0, 15360], sizes = [16, 1024], strides = [1, 1]} : vector<16x16384xi32> to vector<16x1024xi32>
    %concatenate3A_53 = tpu.concatenate %slice3A_45, %slice3A_46, %slice3A_47, %slice3A_48, %slice3A_49, %slice3A_50, %slice3A_51, %slice3A_52 in 0 : vector<16x1024xi32>, vector<16x1024xi32>, vector<16x1024xi32>, vector<16x1024xi32>, vector<16x1024xi32>, vector<16x1024xi32>, vector<16x1024xi32>, vector<16x1024xi32> -> vector<128x1024xi32>
    %transpose3A_54 = tpu.transpose %concatenate3A_53, [1, 0] : vector<128x1024xi32> -> vector<1024x128xi32>
    %swap3A_55 = arith.constant 1024 : index
    %swap3A_56 = arith.constant 0 : index
    %swap3A_57 = vector.load %arg2[%swap3A_55, %swap3A_56] : memref<2048x128xi32, #tpu.memory_space<vmem>>, vector<1024x128xi32>
    tpu.vector_store %arg2[%swap3A_55, %swap3A_56], %transpose3A_54 {strides = array<i32>} : memref<2048x128xi32, #tpu.memory_space<vmem>>, vector<1024x128xi32>,
    return
  }
  func.func @transform_0(%arg0: i32) -> (i32, i32) {
    %c0_i32 = arith.constant 0 : i32
    %c0_i32_0 = arith.constant 0 : i32
    return %c0_i32, %arg0 : i32, i32
  }
  func.func @transform_1(%arg0: i32) -> (i32, i32) {
    %c0_i32 = arith.constant 0 : i32
    %c0_i32_0 = arith.constant 0 : i32
    return %arg0, %c0_i32 : i32, i32
  }
}

module attributes {stable_mosaic.version = 14 : i64} {
  func.func @_tr_a_body(%arg0: i32, %arg1: memref<16x16384xi32, #tpu.memory_space<vmem>>, %arg2: memref<16x16384xi32, #tpu.memory_space<vmem>>, %arg3: memref<2048x128xi32, #tpu.memory_space<vmem>>) attributes {dimension_semantics = [#tpu.dimension_semantics<arbitrary>], iteration_bounds = array<i64: 68>, scalar_prefetch = 0 : i64, scratch_operands = 0 : i64, tpu.core_type = #tpu.core_type<tc>, window_params = [{transform_indices = @transform_0, window_bounds = array<i64: 16, 16384>}, {transform_indices = @transform_1, window_bounds = array<i64: 16, 16384>}, {transform_indices = @transform_2, window_bounds = array<i64: 2048, 128>}]} {
    %get3A = arith.constant 0 : index
    %get3A_0 = arith.constant 0 : index
    %get3A_1 = vector.load %arg1[%get3A, %get3A_0] : memref<16x16384xi32, #tpu.memory_space<vmem>>, vector<16x16384xi32>
    %get3A_2 = arith.constant 0 : index
    %get3A_3 = arith.constant 0 : index
    %get3A_4 = vector.load %arg2[%get3A_2, %get3A_3] : memref<16x16384xi32, #tpu.memory_space<vmem>>, vector<16x16384xi32>
    %shift_left3A = arith.constant 26 : i32
    %shift_left3A_5 = vector.broadcast %shift_left3A : i32 to vector<16x16384xi32>
    %shift_left3A_6 = arith.shli %get3A_4, %shift_left3A_5 : vector<16x16384xi32>
    %or3A = arith.ori %get3A_1, %shift_left3A_6 : vector<16x16384xi32>
    %slice3A = vector.extract_strided_slice %or3A {offsets = [0, 0], sizes = [16, 1024], strides = [1, 1]} : vector<16x16384xi32> to vector<16x1024xi32>
    %slice3A_7 = vector.extract_strided_slice %or3A {offsets = [0, 1024], sizes = [16, 1024], strides = [1, 1]} : vector<16x16384xi32> to vector<16x1024xi32>
    %slice3A_8 = vector.extract_strided_slice %or3A {offsets = [0, 2048], sizes = [16, 1024], strides = [1, 1]} : vector<16x16384xi32> to vector<16x1024xi32>
    %slice3A_9 = vector.extract_strided_slice %or3A {offsets = [0, 3072], sizes = [16, 1024], strides = [1, 1]} : vector<16x16384xi32> to vector<16x1024xi32>
    %slice3A_10 = vector.extract_strided_slice %or3A {offsets = [0, 4096], sizes = [16, 1024], strides = [1, 1]} : vector<16x16384xi32> to vector<16x1024xi32>
    %slice3A_11 = vector.extract_strided_slice %or3A {offsets = [0, 5120], sizes = [16, 1024], strides = [1, 1]} : vector<16x16384xi32> to vector<16x1024xi32>
    %slice3A_12 = vector.extract_strided_slice %or3A {offsets = [0, 6144], sizes = [16, 1024], strides = [1, 1]} : vector<16x16384xi32> to vector<16x1024xi32>
    %slice3A_13 = vector.extract_strided_slice %or3A {offsets = [0, 7168], sizes = [16, 1024], strides = [1, 1]} : vector<16x16384xi32> to vector<16x1024xi32>
    %concatenate3A = tpu.concatenate %slice3A, %slice3A_7, %slice3A_8, %slice3A_9, %slice3A_10, %slice3A_11, %slice3A_12, %slice3A_13 in 0 : vector<16x1024xi32>, vector<16x1024xi32>, vector<16x1024xi32>, vector<16x1024xi32>, vector<16x1024xi32>, vector<16x1024xi32>, vector<16x1024xi32>, vector<16x1024xi32> -> vector<128x1024xi32>
    %transpose3A = tpu.transpose %concatenate3A, [1, 0] : vector<128x1024xi32> -> vector<1024x128xi32>
    %swap3A = arith.constant 0 : index
    %swap3A_14 = arith.constant 0 : index
    %swap3A_15 = vector.load %arg3[%swap3A, %swap3A_14] : memref<2048x128xi32, #tpu.memory_space<vmem>>, vector<1024x128xi32>
    tpu.vector_store %arg3[%swap3A, %swap3A_14], %transpose3A {strides = array<i32>} : memref<2048x128xi32, #tpu.memory_space<vmem>>, vector<1024x128xi32>,
    %slice3A_16 = vector.extract_strided_slice %or3A {offsets = [0, 8192], sizes = [16, 1024], strides = [1, 1]} : vector<16x16384xi32> to vector<16x1024xi32>
    %slice3A_17 = vector.extract_strided_slice %or3A {offsets = [0, 9216], sizes = [16, 1024], strides = [1, 1]} : vector<16x16384xi32> to vector<16x1024xi32>
    %slice3A_18 = vector.extract_strided_slice %or3A {offsets = [0, 10240], sizes = [16, 1024], strides = [1, 1]} : vector<16x16384xi32> to vector<16x1024xi32>
    %slice3A_19 = vector.extract_strided_slice %or3A {offsets = [0, 11264], sizes = [16, 1024], strides = [1, 1]} : vector<16x16384xi32> to vector<16x1024xi32>
    %slice3A_20 = vector.extract_strided_slice %or3A {offsets = [0, 12288], sizes = [16, 1024], strides = [1, 1]} : vector<16x16384xi32> to vector<16x1024xi32>
    %slice3A_21 = vector.extract_strided_slice %or3A {offsets = [0, 13312], sizes = [16, 1024], strides = [1, 1]} : vector<16x16384xi32> to vector<16x1024xi32>
    %slice3A_22 = vector.extract_strided_slice %or3A {offsets = [0, 14336], sizes = [16, 1024], strides = [1, 1]} : vector<16x16384xi32> to vector<16x1024xi32>
    %slice3A_23 = vector.extract_strided_slice %or3A {offsets = [0, 15360], sizes = [16, 1024], strides = [1, 1]} : vector<16x16384xi32> to vector<16x1024xi32>
    %concatenate3A_24 = tpu.concatenate %slice3A_16, %slice3A_17, %slice3A_18, %slice3A_19, %slice3A_20, %slice3A_21, %slice3A_22, %slice3A_23 in 0 : vector<16x1024xi32>, vector<16x1024xi32>, vector<16x1024xi32>, vector<16x1024xi32>, vector<16x1024xi32>, vector<16x1024xi32>, vector<16x1024xi32>, vector<16x1024xi32> -> vector<128x1024xi32>
    %transpose3A_25 = tpu.transpose %concatenate3A_24, [1, 0] : vector<128x1024xi32> -> vector<1024x128xi32>
    %swap3A_26 = arith.constant 1024 : index
    %swap3A_27 = arith.constant 0 : index
    %swap3A_28 = vector.load %arg3[%swap3A_26, %swap3A_27] : memref<2048x128xi32, #tpu.memory_space<vmem>>, vector<1024x128xi32>
    tpu.vector_store %arg3[%swap3A_26, %swap3A_27], %transpose3A_25 {strides = array<i32>} : memref<2048x128xi32, #tpu.memory_space<vmem>>, vector<1024x128xi32>,
    return
  }
  func.func @transform_0(%arg0: i32) -> (i32, i32) {
    %c0_i32 = arith.constant 0 : i32
    %c0_i32_0 = arith.constant 0 : i32
    return %c0_i32, %arg0 : i32, i32
  }
  func.func @transform_1(%arg0: i32) -> (i32, i32) {
    %c0_i32 = arith.constant 0 : i32
    %c0_i32_0 = arith.constant 0 : i32
    return %c0_i32, %arg0 : i32, i32
  }
  func.func @transform_2(%arg0: i32) -> (i32, i32) {
    %c0_i32 = arith.constant 0 : i32
    %c0_i32_0 = arith.constant 0 : i32
    return %arg0, %c0_i32 : i32, i32
  }
}

module attributes {stable_mosaic.version = 14 : i64} {
  func.func @_tc_body(%arg0: i32, %arg1: memref<512x16xi32, #tpu.memory_space<vmem>>, %arg2: memref<512x16xi32, #tpu.memory_space<vmem>>, %arg3: memref<512x256xi32, #tpu.memory_space<vmem>>, %arg4: memref<512x512xf32, #tpu.memory_space<vmem>>, %arg5: memref<512x16xf32, #tpu.memory_space<vmem>>, %arg6: memref<512x512xf32, #tpu.memory_space<vmem>>, %arg7: memref<32x32xf32, #tpu.memory_space<vmem>>, %arg8: memref<1x32xf32, #tpu.memory_space<vmem>>, %arg9: memref<1x512xf32, #tpu.memory_space<vmem>>, %arg10: memref<1x1x512xf32, #tpu.memory_space<vmem>>) attributes {dimension_semantics = [#tpu.dimension_semantics<arbitrary>], iteration_bounds = array<i64: 8>, scalar_prefetch = 0 : i64, scratch_operands = 0 : i64, tpu.core_type = #tpu.core_type<tc>, window_params = [{transform_indices = @transform_0, window_bounds = array<i64: 512, 16>}, {transform_indices = @transform_1, window_bounds = array<i64: 512, 16>}, {transform_indices = @transform_2, window_bounds = array<i64: 512, 256>}, {transform_indices = @transform_3, window_bounds = array<i64: 512, 512>}, {transform_indices = @transform_4, window_bounds = array<i64: 512, 16>}, {pipeline_mode = #tpu.pipeline_mode<synchronous>, transform_indices = @transform_5, window_bounds = array<i64: 512, 512>}, {pipeline_mode = #tpu.pipeline_mode<synchronous>, transform_indices = @transform_6, window_bounds = array<i64: 32, 32>}, {pipeline_mode = #tpu.pipeline_mode<synchronous>, transform_indices = @transform_7, window_bounds = array<i64: 1, 32>}, {pipeline_mode = #tpu.pipeline_mode<synchronous>, transform_indices = @transform_8, window_bounds = array<i64: 1, 512>}, {transform_indices = @transform_9, window_bounds = array<i64: 1, 1, 512>}]} {
    %get3A = arith.constant 0 : index
    %get3A_0 = arith.constant 0 : index
    %get3A_1 = vector.load %arg1[%get3A, %get3A_0] : memref<512x16xi32, #tpu.memory_space<vmem>>, vector<512x16xi32>
    %shift_left3A = arith.constant 16 : i32
    %shift_left3A_2 = vector.broadcast %shift_left3A : i32 to vector<512x16xi32>
    %shift_left3A_3 = arith.shli %get3A_1, %shift_left3A_2 : vector<512x16xi32>
    %bitcast_convert_type3A = tpu.bitcast %shift_left3A_3 : vector<512x16xi32> -> vector<512x16xf32>
    %and3A = arith.constant -65536 : i32
    %and3A_4 = vector.broadcast %and3A : i32 to vector<512x16xi32>
    %and3A_5 = arith.andi %get3A_1, %and3A_4 : vector<512x16xi32>
    %bitcast_convert_type3A_6 = tpu.bitcast %and3A_5 : vector<512x16xi32> -> vector<512x16xf32>
    %concatenate3A = tpu.concatenate %bitcast_convert_type3A, %bitcast_convert_type3A_6 in 1 : vector<512x16xf32>, vector<512x16xf32> -> vector<512x32xf32>
    %get3A_7 = arith.constant 0 : index
    %get3A_8 = arith.constant 0 : index
    %get3A_9 = vector.load %arg2[%get3A_7, %get3A_8] : memref<512x16xi32, #tpu.memory_space<vmem>>, vector<512x16xi32>
    %shift_left3A_10 = arith.constant 16 : i32
    %shift_left3A_11 = vector.broadcast %shift_left3A_10 : i32 to vector<512x16xi32>
    %shift_left3A_12 = arith.shli %get3A_9, %shift_left3A_11 : vector<512x16xi32>
    %bitcast_convert_type3A_13 = tpu.bitcast %shift_left3A_12 : vector<512x16xi32> -> vector<512x16xf32>
    %and3A_14 = arith.constant -65536 : i32
    %and3A_15 = vector.broadcast %and3A_14 : i32 to vector<512x16xi32>
    %and3A_16 = arith.andi %get3A_9, %and3A_15 : vector<512x16xi32>
    %bitcast_convert_type3A_17 = tpu.bitcast %and3A_16 : vector<512x16xi32> -> vector<512x16xf32>
    %concatenate3A_18 = tpu.concatenate %bitcast_convert_type3A_13, %bitcast_convert_type3A_17 in 1 : vector<512x16xf32>, vector<512x16xf32> -> vector<512x32xf32>
    %get3A_19 = arith.constant 0 : index
    %get3A_20 = arith.constant 0 : index
    %get3A_21 = vector.load %arg3[%get3A_19, %get3A_20] : memref<512x256xi32, #tpu.memory_space<vmem>>, vector<512x256xi32>
    %shift_left3A_22 = arith.constant 16 : i32
    %shift_left3A_23 = vector.broadcast %shift_left3A_22 : i32 to vector<512x256xi32>
    %shift_left3A_24 = arith.shli %get3A_21, %shift_left3A_23 : vector<512x256xi32>
    %bitcast_convert_type3A_25 = tpu.bitcast %shift_left3A_24 : vector<512x256xi32> -> vector<512x256xf32>
    %and3A_26 = arith.constant -65536 : i32
    %and3A_27 = vector.broadcast %and3A_26 : i32 to vector<512x256xi32>
    %and3A_28 = arith.andi %get3A_21, %and3A_27 : vector<512x256xi32>
    %bitcast_convert_type3A_29 = tpu.bitcast %and3A_28 : vector<512x256xi32> -> vector<512x256xf32>
    %slice3A = vector.extract_strided_slice %bitcast_convert_type3A_25 {offsets = [0, 0], sizes = [512, 16], strides = [1, 1]} : vector<512x256xf32> to vector<512x16xf32>
    %slice3A_30 = vector.extract_strided_slice %bitcast_convert_type3A_29 {offsets = [0, 0], sizes = [512, 16], strides = [1, 1]} : vector<512x256xf32> to vector<512x16xf32>
    %slice3A_31 = vector.extract_strided_slice %bitcast_convert_type3A_25 {offsets = [0, 16], sizes = [512, 16], strides = [1, 1]} : vector<512x256xf32> to vector<512x16xf32>
    %slice3A_32 = vector.extract_strided_slice %bitcast_convert_type3A_29 {offsets = [0, 16], sizes = [512, 16], strides = [1, 1]} : vector<512x256xf32> to vector<512x16xf32>
    %slice3A_33 = vector.extract_strided_slice %bitcast_convert_type3A_25 {offsets = [0, 32], sizes = [512, 16], strides = [1, 1]} : vector<512x256xf32> to vector<512x16xf32>
    %slice3A_34 = vector.extract_strided_slice %bitcast_convert_type3A_29 {offsets = [0, 32], sizes = [512, 16], strides = [1, 1]} : vector<512x256xf32> to vector<512x16xf32>
    %slice3A_35 = vector.extract_strided_slice %bitcast_convert_type3A_25 {offsets = [0, 48], sizes = [512, 16], strides = [1, 1]} : vector<512x256xf32> to vector<512x16xf32>
    %slice3A_36 = vector.extract_strided_slice %bitcast_convert_type3A_29 {offsets = [0, 48], sizes = [512, 16], strides = [1, 1]} : vector<512x256xf32> to vector<512x16xf32>
    %slice3A_37 = vector.extract_strided_slice %bitcast_convert_type3A_25 {offsets = [0, 64], sizes = [512, 16], strides = [1, 1]} : vector<512x256xf32> to vector<512x16xf32>
    %slice3A_38 = vector.extract_strided_slice %bitcast_convert_type3A_29 {offsets = [0, 64], sizes = [512, 16], strides = [1, 1]} : vector<512x256xf32> to vector<512x16xf32>
    %slice3A_39 = vector.extract_strided_slice %bitcast_convert_type3A_25 {offsets = [0, 80], sizes = [512, 16], strides = [1, 1]} : vector<512x256xf32> to vector<512x16xf32>
    %slice3A_40 = vector.extract_strided_slice %bitcast_convert_type3A_29 {offsets = [0, 80], sizes = [512, 16], strides = [1, 1]} : vector<512x256xf32> to vector<512x16xf32>
    %slice3A_41 = vector.extract_strided_slice %bitcast_convert_type3A_25 {offsets = [0, 96], sizes = [512, 16], strides = [1, 1]} : vector<512x256xf32> to vector<512x16xf32>
    %slice3A_42 = vector.extract_strided_slice %bitcast_convert_type3A_29 {offsets = [0, 96], sizes = [512, 16], strides = [1, 1]} : vector<512x256xf32> to vector<512x16xf32>
    %slice3A_43 = vector.extract_strided_slice %bitcast_convert_type3A_25 {offsets = [0, 112], sizes = [512, 16], strides = [1, 1]} : vector<512x256xf32> to vector<512x16xf32>
    %slice3A_44 = vector.extract_strided_slice %bitcast_convert_type3A_29 {offsets = [0, 112], sizes = [512, 16], strides = [1, 1]} : vector<512x256xf32> to vector<512x16xf32>
    %slice3A_45 = vector.extract_strided_slice %bitcast_convert_type3A_25 {offsets = [0, 128], sizes = [512, 16], strides = [1, 1]} : vector<512x256xf32> to vector<512x16xf32>
    %slice3A_46 = vector.extract_strided_slice %bitcast_convert_type3A_29 {offsets = [0, 128], sizes = [512, 16], strides = [1, 1]} : vector<512x256xf32> to vector<512x16xf32>
    %slice3A_47 = vector.extract_strided_slice %bitcast_convert_type3A_25 {offsets = [0, 144], sizes = [512, 16], strides = [1, 1]} : vector<512x256xf32> to vector<512x16xf32>
    %slice3A_48 = vector.extract_strided_slice %bitcast_convert_type3A_29 {offsets = [0, 144], sizes = [512, 16], strides = [1, 1]} : vector<512x256xf32> to vector<512x16xf32>
    %slice3A_49 = vector.extract_strided_slice %bitcast_convert_type3A_25 {offsets = [0, 160], sizes = [512, 16], strides = [1, 1]} : vector<512x256xf32> to vector<512x16xf32>
    %slice3A_50 = vector.extract_strided_slice %bitcast_convert_type3A_29 {offsets = [0, 160], sizes = [512, 16], strides = [1, 1]} : vector<512x256xf32> to vector<512x16xf32>
    %slice3A_51 = vector.extract_strided_slice %bitcast_convert_type3A_25 {offsets = [0, 176], sizes = [512, 16], strides = [1, 1]} : vector<512x256xf32> to vector<512x16xf32>
    %slice3A_52 = vector.extract_strided_slice %bitcast_convert_type3A_29 {offsets = [0, 176], sizes = [512, 16], strides = [1, 1]} : vector<512x256xf32> to vector<512x16xf32>
    %slice3A_53 = vector.extract_strided_slice %bitcast_convert_type3A_25 {offsets = [0, 192], sizes = [512, 16], strides = [1, 1]} : vector<512x256xf32> to vector<512x16xf32>
    %slice3A_54 = vector.extract_strided_slice %bitcast_convert_type3A_29 {offsets = [0, 192], sizes = [512, 16], strides = [1, 1]} : vector<512x256xf32> to vector<512x16xf32>
    %slice3A_55 = vector.extract_strided_slice %bitcast_convert_type3A_25 {offsets = [0, 208], sizes = [512, 16], strides = [1, 1]} : vector<512x256xf32> to vector<512x16xf32>
    %slice3A_56 = vector.extract_strided_slice %bitcast_convert_type3A_29 {offsets = [0, 208], sizes = [512, 16], strides = [1, 1]} : vector<512x256xf32> to vector<512x16xf32>
    %slice3A_57 = vector.extract_strided_slice %bitcast_convert_type3A_25 {offsets = [0, 224], sizes = [512, 16], strides = [1, 1]} : vector<512x256xf32> to vector<512x16xf32>
    %slice3A_58 = vector.extract_strided_slice %bitcast_convert_type3A_29 {offsets = [0, 224], sizes = [512, 16], strides = [1, 1]} : vector<512x256xf32> to vector<512x16xf32>
    %slice3A_59 = vector.extract_strided_slice %bitcast_convert_type3A_25 {offsets = [0, 240], sizes = [512, 16], strides = [1, 1]} : vector<512x256xf32> to vector<512x16xf32>
    %slice3A_60 = vector.extract_strided_slice %bitcast_convert_type3A_29 {offsets = [0, 240], sizes = [512, 16], strides = [1, 1]} : vector<512x256xf32> to vector<512x16xf32>
    %concatenate3A_61 = tpu.concatenate %slice3A, %slice3A_30, %slice3A_31, %slice3A_32, %slice3A_33, %slice3A_34, %slice3A_35, %slice3A_36, %slice3A_37, %slice3A_38, %slice3A_39, %slice3A_40, %slice3A_41, %slice3A_42, %slice3A_43, %slice3A_44, %slice3A_45, %slice3A_46, %slice3A_47, %slice3A_48, %slice3A_49, %slice3A_50, %slice3A_51, %slice3A_52, %slice3A_53, %slice3A_54, %slice3A_55, %slice3A_56, %slice3A_57, %slice3A_58, %slice3A_59, %slice3A_60 in 1 : vector<512x16xf32>, vector<512x16xf32>, vector<512x16xf32>, vector<512x16xf32>, vector<512x16xf32>, vector<512x16xf32>, vector<512x16xf32>, vector<512x16xf32>, vector<512x16xf32>, vector<512x16xf32>, vector<512x16xf32>, vector<512x16xf32>, vector<512x16xf32>, vector<512x16xf32>, vector<512x16xf32>, vector<512x16xf32>, vector<512x16xf32>, vector<512x16xf32>, vector<512x16xf32>, vector<512x16xf32>, vector<512x16xf32>, vector<512x16xf32>, vector<512x16xf32>, vector<512x16xf32>, vector<512x16xf32>, vector<512x16xf32>, vector<512x16xf32>, vector<512x16xf32>, vector<512x16xf32>, vector<512x16xf32>, vector<512x16xf32>, vector<512x16xf32> -> vector<512x512xf32>
    %get3A_62 = arith.constant 0 : index
    %get3A_63 = arith.constant 0 : index
    %get3A_64 = vector.load %arg5[%get3A_62, %get3A_63] : memref<512x16xf32, #tpu.memory_space<vmem>>, vector<512x16xf32>
    %get3A_65 = arith.constant 0 : index
    %get3A_66 = arith.constant 0 : index
    %get3A_67 = vector.load %arg7[%get3A_65, %get3A_66] : memref<32x32xf32, #tpu.memory_space<vmem>>, vector<32x32xf32>
    %get3A_68 = arith.constant 0 : index
    %get3A_69 = arith.constant 0 : index
    %get3A_70 = vector.load %arg8[%get3A_68, %get3A_69] : memref<1x32xf32, #tpu.memory_space<vmem>>, vector<1x32xf32>
    %get3A_71 = arith.constant 0 : index
    %get3A_72 = arith.constant 0 : index
    %get3A_73 = vector.load %arg4[%get3A_71, %get3A_72] : memref<512x512xf32, #tpu.memory_space<vmem>>, vector<512x512xf32>
    %add3A = arith.addf %concatenate3A_61, %get3A_73 : vector<512x512xf32>
    %get3A_74 = arith.constant 0 : index
    %get3A_75 = arith.constant 0 : index
    %get3A_76 = vector.load %arg6[%get3A_74, %get3A_75] : memref<512x512xf32, #tpu.memory_space<vmem>>, vector<512x512xf32>
    %dot_general3A = arith.constant dense<0.000000e+00> : vector<512x512xf32>
    %dot_general3A_77 = tpu.matmul %add3A, %get3A_76, %dot_general3A {dimension_numbers = #tpu.dot_dimension_numbers<[1], [0], [0], [1], [0, 0, 1, 1], [], []>, precision = #tpu.contract_precision<fp32>, transpose_lhs_hint = false} : vector<512x512xf32>, vector<512x512xf32>, vector<512x512xf32> -> vector<512x512xf32>
    %get3A_78 = arith.constant 0 : index
    %get3A_79 = arith.constant 0 : index
    %get3A_80 = vector.load %arg9[%get3A_78, %get3A_79] : memref<1x512xf32, #tpu.memory_space<vmem>>, vector<1x512xf32>
    %add3A_81 = vector.broadcast %get3A_80 : vector<1x512xf32> to vector<512x512xf32>
    %add3A_82 = arith.addf %dot_general3A_77, %add3A_81 : vector<512x512xf32>
    %logistic3A = arith.negf %add3A_82 : vector<512x512xf32>
    %logistic3A_83 = math.exp %logistic3A : vector<512x512xf32>
    %logistic3A_84 = arith.constant 1.000000e+00 : f32
    %logistic3A_85 = vector.broadcast %logistic3A_84 : f32 to vector<512x512xf32>
    %logistic3A_86 = arith.addf %logistic3A_85, %logistic3A_83 : vector<512x512xf32>
    %logistic3A_87 = arith.divf %logistic3A_85, %logistic3A_86 : vector<512x512xf32>
    %broadcast_in_dim3A = arith.constant 0.000000e+00 : f32
    %broadcast_in_dim3A_88 = vector.broadcast %broadcast_in_dim3A : f32 to vector<512x32xf32>
    %broadcast_in_dim3A_89 = arith.constant 0.000000e+00 : f32
    %broadcast_in_dim3A_90 = vector.broadcast %broadcast_in_dim3A_89 : f32 to vector<512x32xf32>
    %slice3A_91 = vector.extract_strided_slice %get3A_64 {offsets = [0, 0], sizes = [512, 1], strides = [1, 1]} : vector<512x16xf32> to vector<512x1xf32>
    %slice3A_92 = vector.extract_strided_slice %concatenate3A_61 {offsets = [0, 0], sizes = [512, 32], strides = [1, 1]} : vector<512x512xf32> to vector<512x32xf32>
    %mul3A = vector.broadcast %slice3A_91 : vector<512x1xf32> to vector<512x32xf32>
    %mul3A_93 = arith.mulf %mul3A, %slice3A_92 : vector<512x32xf32>
    %add3A_94 = arith.addf %broadcast_in_dim3A_88, %mul3A_93 : vector<512x32xf32>
    %slice3A_95 = vector.extract_strided_slice %logistic3A_87 {offsets = [0, 0], sizes = [512, 32], strides = [1, 1]} : vector<512x512xf32> to vector<512x32xf32>
    %mul3A_96 = vector.broadcast %slice3A_91 : vector<512x1xf32> to vector<512x32xf32>
    %mul3A_97 = arith.mulf %mul3A_96, %slice3A_95 : vector<512x32xf32>
    %add3A_98 = arith.addf %broadcast_in_dim3A_90, %mul3A_97 : vector<512x32xf32>
    %slice3A_99 = vector.extract_strided_slice %get3A_64 {offsets = [0, 1], sizes = [512, 1], strides = [1, 1]} : vector<512x16xf32> to vector<512x1xf32>
    %slice3A_100 = vector.extract_strided_slice %concatenate3A_61 {offsets = [0, 32], sizes = [512, 32], strides = [1, 1]} : vector<512x512xf32> to vector<512x32xf32>
    %mul3A_101 = vector.broadcast %slice3A_99 : vector<512x1xf32> to vector<512x32xf32>
    %mul3A_102 = arith.mulf %mul3A_101, %slice3A_100 : vector<512x32xf32>
    %add3A_103 = arith.addf %add3A_94, %mul3A_102 : vector<512x32xf32>
    %slice3A_104 = vector.extract_strided_slice %logistic3A_87 {offsets = [0, 32], sizes = [512, 32], strides = [1, 1]} : vector<512x512xf32> to vector<512x32xf32>
    %mul3A_105 = vector.broadcast %slice3A_99 : vector<512x1xf32> to vector<512x32xf32>
    %mul3A_106 = arith.mulf %mul3A_105, %slice3A_104 : vector<512x32xf32>
    %add3A_107 = arith.addf %add3A_98, %mul3A_106 : vector<512x32xf32>
    %slice3A_108 = vector.extract_strided_slice %get3A_64 {offsets = [0, 2], sizes = [512, 1], strides = [1, 1]} : vector<512x16xf32> to vector<512x1xf32>
    %slice3A_109 = vector.extract_strided_slice %concatenate3A_61 {offsets = [0, 64], sizes = [512, 32], strides = [1, 1]} : vector<512x512xf32> to vector<512x32xf32>
    %mul3A_110 = vector.broadcast %slice3A_108 : vector<512x1xf32> to vector<512x32xf32>
    %mul3A_111 = arith.mulf %mul3A_110, %slice3A_109 : vector<512x32xf32>
    %add3A_112 = arith.addf %add3A_103, %mul3A_111 : vector<512x32xf32>
    %slice3A_113 = vector.extract_strided_slice %logistic3A_87 {offsets = [0, 64], sizes = [512, 32], strides = [1, 1]} : vector<512x512xf32> to vector<512x32xf32>
    %mul3A_114 = vector.broadcast %slice3A_108 : vector<512x1xf32> to vector<512x32xf32>
    %mul3A_115 = arith.mulf %mul3A_114, %slice3A_113 : vector<512x32xf32>
    %add3A_116 = arith.addf %add3A_107, %mul3A_115 : vector<512x32xf32>
    %slice3A_117 = vector.extract_strided_slice %get3A_64 {offsets = [0, 3], sizes = [512, 1], strides = [1, 1]} : vector<512x16xf32> to vector<512x1xf32>
    %slice3A_118 = vector.extract_strided_slice %concatenate3A_61 {offsets = [0, 96], sizes = [512, 32], strides = [1, 1]} : vector<512x512xf32> to vector<512x32xf32>
    %mul3A_119 = vector.broadcast %slice3A_117 : vector<512x1xf32> to vector<512x32xf32>
    %mul3A_120 = arith.mulf %mul3A_119, %slice3A_118 : vector<512x32xf32>
    %add3A_121 = arith.addf %add3A_112, %mul3A_120 : vector<512x32xf32>
    %slice3A_122 = vector.extract_strided_slice %logistic3A_87 {offsets = [0, 96], sizes = [512, 32], strides = [1, 1]} : vector<512x512xf32> to vector<512x32xf32>
    %mul3A_123 = vector.broadcast %slice3A_117 : vector<512x1xf32> to vector<512x32xf32>
    %mul3A_124 = arith.mulf %mul3A_123, %slice3A_122 : vector<512x32xf32>
    %add3A_125 = arith.addf %add3A_116, %mul3A_124 : vector<512x32xf32>
    %slice3A_126 = vector.extract_strided_slice %get3A_64 {offsets = [0, 4], sizes = [512, 1], strides = [1, 1]} : vector<512x16xf32> to vector<512x1xf32>
    %slice3A_127 = vector.extract_strided_slice %concatenate3A_61 {offsets = [0, 128], sizes = [512, 32], strides = [1, 1]} : vector<512x512xf32> to vector<512x32xf32>
    %mul3A_128 = vector.broadcast %slice3A_126 : vector<512x1xf32> to vector<512x32xf32>
    %mul3A_129 = arith.mulf %mul3A_128, %slice3A_127 : vector<512x32xf32>
    %add3A_130 = arith.addf %add3A_121, %mul3A_129 : vector<512x32xf32>
    %slice3A_131 = vector.extract_strided_slice %logistic3A_87 {offsets = [0, 128], sizes = [512, 32], strides = [1, 1]} : vector<512x512xf32> to vector<512x32xf32>
    %mul3A_132 = vector.broadcast %slice3A_126 : vector<512x1xf32> to vector<512x32xf32>
    %mul3A_133 = arith.mulf %mul3A_132, %slice3A_131 : vector<512x32xf32>
    %add3A_134 = arith.addf %add3A_125, %mul3A_133 : vector<512x32xf32>
    %slice3A_135 = vector.extract_strided_slice %get3A_64 {offsets = [0, 5], sizes = [512, 1], strides = [1, 1]} : vector<512x16xf32> to vector<512x1xf32>
    %slice3A_136 = vector.extract_strided_slice %concatenate3A_61 {offsets = [0, 160], sizes = [512, 32], strides = [1, 1]} : vector<512x512xf32> to vector<512x32xf32>
    %mul3A_137 = vector.broadcast %slice3A_135 : vector<512x1xf32> to vector<512x32xf32>
    %mul3A_138 = arith.mulf %mul3A_137, %slice3A_136 : vector<512x32xf32>
    %add3A_139 = arith.addf %add3A_130, %mul3A_138 : vector<512x32xf32>
    %slice3A_140 = vector.extract_strided_slice %logistic3A_87 {offsets = [0, 160], sizes = [512, 32], strides = [1, 1]} : vector<512x512xf32> to vector<512x32xf32>
    %mul3A_141 = vector.broadcast %slice3A_135 : vector<512x1xf32> to vector<512x32xf32>
    %mul3A_142 = arith.mulf %mul3A_141, %slice3A_140 : vector<512x32xf32>
    %add3A_143 = arith.addf %add3A_134, %mul3A_142 : vector<512x32xf32>
    %slice3A_144 = vector.extract_strided_slice %get3A_64 {offsets = [0, 6], sizes = [512, 1], strides = [1, 1]} : vector<512x16xf32> to vector<512x1xf32>
    %slice3A_145 = vector.extract_strided_slice %concatenate3A_61 {offsets = [0, 192], sizes = [512, 32], strides = [1, 1]} : vector<512x512xf32> to vector<512x32xf32>
    %mul3A_146 = vector.broadcast %slice3A_144 : vector<512x1xf32> to vector<512x32xf32>
    %mul3A_147 = arith.mulf %mul3A_146, %slice3A_145 : vector<512x32xf32>
    %add3A_148 = arith.addf %add3A_139, %mul3A_147 : vector<512x32xf32>
    %slice3A_149 = vector.extract_strided_slice %logistic3A_87 {offsets = [0, 192], sizes = [512, 32], strides = [1, 1]} : vector<512x512xf32> to vector<512x32xf32>
    %mul3A_150 = vector.broadcast %slice3A_144 : vector<512x1xf32> to vector<512x32xf32>
    %mul3A_151 = arith.mulf %mul3A_150, %slice3A_149 : vector<512x32xf32>
    %add3A_152 = arith.addf %add3A_143, %mul3A_151 : vector<512x32xf32>
    %slice3A_153 = vector.extract_strided_slice %get3A_64 {offsets = [0, 7], sizes = [512, 1], strides = [1, 1]} : vector<512x16xf32> to vector<512x1xf32>
    %slice3A_154 = vector.extract_strided_slice %concatenate3A_61 {offsets = [0, 224], sizes = [512, 32], strides = [1, 1]} : vector<512x512xf32> to vector<512x32xf32>
    %mul3A_155 = vector.broadcast %slice3A_153 : vector<512x1xf32> to vector<512x32xf32>
    %mul3A_156 = arith.mulf %mul3A_155, %slice3A_154 : vector<512x32xf32>
    %add3A_157 = arith.addf %add3A_148, %mul3A_156 : vector<512x32xf32>
    %slice3A_158 = vector.extract_strided_slice %logistic3A_87 {offsets = [0, 224], sizes = [512, 32], strides = [1, 1]} : vector<512x512xf32> to vector<512x32xf32>
    %mul3A_159 = vector.broadcast %slice3A_153 : vector<512x1xf32> to vector<512x32xf32>
    %mul3A_160 = arith.mulf %mul3A_159, %slice3A_158 : vector<512x32xf32>
    %add3A_161 = arith.addf %add3A_152, %mul3A_160 : vector<512x32xf32>
    %slice3A_162 = vector.extract_strided_slice %get3A_64 {offsets = [0, 8], sizes = [512, 1], strides = [1, 1]} : vector<512x16xf32> to vector<512x1xf32>
    %slice3A_163 = vector.extract_strided_slice %concatenate3A_61 {offsets = [0, 256], sizes = [512, 32], strides = [1, 1]} : vector<512x512xf32> to vector<512x32xf32>
    %mul3A_164 = vector.broadcast %slice3A_162 : vector<512x1xf32> to vector<512x32xf32>
    %mul3A_165 = arith.mulf %mul3A_164, %slice3A_163 : vector<512x32xf32>
    %add3A_166 = arith.addf %add3A_157, %mul3A_165 : vector<512x32xf32>
    %slice3A_167 = vector.extract_strided_slice %logistic3A_87 {offsets = [0, 256], sizes = [512, 32], strides = [1, 1]} : vector<512x512xf32> to vector<512x32xf32>
    %mul3A_168 = vector.broadcast %slice3A_162 : vector<512x1xf32> to vector<512x32xf32>
    %mul3A_169 = arith.mulf %mul3A_168, %slice3A_167 : vector<512x32xf32>
    %add3A_170 = arith.addf %add3A_161, %mul3A_169 : vector<512x32xf32>
    %slice3A_171 = vector.extract_strided_slice %get3A_64 {offsets = [0, 9], sizes = [512, 1], strides = [1, 1]} : vector<512x16xf32> to vector<512x1xf32>
    %slice3A_172 = vector.extract_strided_slice %concatenate3A_61 {offsets = [0, 288], sizes = [512, 32], strides = [1, 1]} : vector<512x512xf32> to vector<512x32xf32>
    %mul3A_173 = vector.broadcast %slice3A_171 : vector<512x1xf32> to vector<512x32xf32>
    %mul3A_174 = arith.mulf %mul3A_173, %slice3A_172 : vector<512x32xf32>
    %add3A_175 = arith.addf %add3A_166, %mul3A_174 : vector<512x32xf32>
    %slice3A_176 = vector.extract_strided_slice %logistic3A_87 {offsets = [0, 288], sizes = [512, 32], strides = [1, 1]} : vector<512x512xf32> to vector<512x32xf32>
    %mul3A_177 = vector.broadcast %slice3A_171 : vector<512x1xf32> to vector<512x32xf32>
    %mul3A_178 = arith.mulf %mul3A_177, %slice3A_176 : vector<512x32xf32>
    %add3A_179 = arith.addf %add3A_170, %mul3A_178 : vector<512x32xf32>
    %slice3A_180 = vector.extract_strided_slice %get3A_64 {offsets = [0, 10], sizes = [512, 1], strides = [1, 1]} : vector<512x16xf32> to vector<512x1xf32>
    %slice3A_181 = vector.extract_strided_slice %concatenate3A_61 {offsets = [0, 320], sizes = [512, 32], strides = [1, 1]} : vector<512x512xf32> to vector<512x32xf32>
    %mul3A_182 = vector.broadcast %slice3A_180 : vector<512x1xf32> to vector<512x32xf32>
    %mul3A_183 = arith.mulf %mul3A_182, %slice3A_181 : vector<512x32xf32>
    %add3A_184 = arith.addf %add3A_175, %mul3A_183 : vector<512x32xf32>
    %slice3A_185 = vector.extract_strided_slice %logistic3A_87 {offsets = [0, 320], sizes = [512, 32], strides = [1, 1]} : vector<512x512xf32> to vector<512x32xf32>
    %mul3A_186 = vector.broadcast %slice3A_180 : vector<512x1xf32> to vector<512x32xf32>
    %mul3A_187 = arith.mulf %mul3A_186, %slice3A_185 : vector<512x32xf32>
    %add3A_188 = arith.addf %add3A_179, %mul3A_187 : vector<512x32xf32>
    %slice3A_189 = vector.extract_strided_slice %get3A_64 {offsets = [0, 11], sizes = [512, 1], strides = [1, 1]} : vector<512x16xf32> to vector<512x1xf32>
    %slice3A_190 = vector.extract_strided_slice %concatenate3A_61 {offsets = [0, 352], sizes = [512, 32], strides = [1, 1]} : vector<512x512xf32> to vector<512x32xf32>
    %mul3A_191 = vector.broadcast %slice3A_189 : vector<512x1xf32> to vector<512x32xf32>
    %mul3A_192 = arith.mulf %mul3A_191, %slice3A_190 : vector<512x32xf32>
    %add3A_193 = arith.addf %add3A_184, %mul3A_192 : vector<512x32xf32>
    %slice3A_194 = vector.extract_strided_slice %logistic3A_87 {offsets = [0, 352], sizes = [512, 32], strides = [1, 1]} : vector<512x512xf32> to vector<512x32xf32>
    %mul3A_195 = vector.broadcast %slice3A_189 : vector<512x1xf32> to vector<512x32xf32>
    %mul3A_196 = arith.mulf %mul3A_195, %slice3A_194 : vector<512x32xf32>
    %add3A_197 = arith.addf %add3A_188, %mul3A_196 : vector<512x32xf32>
    %slice3A_198 = vector.extract_strided_slice %get3A_64 {offsets = [0, 12], sizes = [512, 1], strides = [1, 1]} : vector<512x16xf32> to vector<512x1xf32>
    %slice3A_199 = vector.extract_strided_slice %concatenate3A_61 {offsets = [0, 384], sizes = [512, 32], strides = [1, 1]} : vector<512x512xf32> to vector<512x32xf32>
    %mul3A_200 = vector.broadcast %slice3A_198 : vector<512x1xf32> to vector<512x32xf32>
    %mul3A_201 = arith.mulf %mul3A_200, %slice3A_199 : vector<512x32xf32>
    %add3A_202 = arith.addf %add3A_193, %mul3A_201 : vector<512x32xf32>
    %slice3A_203 = vector.extract_strided_slice %logistic3A_87 {offsets = [0, 384], sizes = [512, 32], strides = [1, 1]} : vector<512x512xf32> to vector<512x32xf32>
    %mul3A_204 = vector.broadcast %slice3A_198 : vector<512x1xf32> to vector<512x32xf32>
    %mul3A_205 = arith.mulf %mul3A_204, %slice3A_203 : vector<512x32xf32>
    %add3A_206 = arith.addf %add3A_197, %mul3A_205 : vector<512x32xf32>
    %slice3A_207 = vector.extract_strided_slice %get3A_64 {offsets = [0, 13], sizes = [512, 1], strides = [1, 1]} : vector<512x16xf32> to vector<512x1xf32>
    %slice3A_208 = vector.extract_strided_slice %concatenate3A_61 {offsets = [0, 416], sizes = [512, 32], strides = [1, 1]} : vector<512x512xf32> to vector<512x32xf32>
    %mul3A_209 = vector.broadcast %slice3A_207 : vector<512x1xf32> to vector<512x32xf32>
    %mul3A_210 = arith.mulf %mul3A_209, %slice3A_208 : vector<512x32xf32>
    %add3A_211 = arith.addf %add3A_202, %mul3A_210 : vector<512x32xf32>
    %slice3A_212 = vector.extract_strided_slice %logistic3A_87 {offsets = [0, 416], sizes = [512, 32], strides = [1, 1]} : vector<512x512xf32> to vector<512x32xf32>
    %mul3A_213 = vector.broadcast %slice3A_207 : vector<512x1xf32> to vector<512x32xf32>
    %mul3A_214 = arith.mulf %mul3A_213, %slice3A_212 : vector<512x32xf32>
    %add3A_215 = arith.addf %add3A_206, %mul3A_214 : vector<512x32xf32>
    %slice3A_216 = vector.extract_strided_slice %get3A_64 {offsets = [0, 14], sizes = [512, 1], strides = [1, 1]} : vector<512x16xf32> to vector<512x1xf32>
    %slice3A_217 = vector.extract_strided_slice %concatenate3A_61 {offsets = [0, 448], sizes = [512, 32], strides = [1, 1]} : vector<512x512xf32> to vector<512x32xf32>
    %mul3A_218 = vector.broadcast %slice3A_216 : vector<512x1xf32> to vector<512x32xf32>
    %mul3A_219 = arith.mulf %mul3A_218, %slice3A_217 : vector<512x32xf32>
    %add3A_220 = arith.addf %add3A_211, %mul3A_219 : vector<512x32xf32>
    %slice3A_221 = vector.extract_strided_slice %logistic3A_87 {offsets = [0, 448], sizes = [512, 32], strides = [1, 1]} : vector<512x512xf32> to vector<512x32xf32>
    %mul3A_222 = vector.broadcast %slice3A_216 : vector<512x1xf32> to vector<512x32xf32>
    %mul3A_223 = arith.mulf %mul3A_222, %slice3A_221 : vector<512x32xf32>
    %add3A_224 = arith.addf %add3A_215, %mul3A_223 : vector<512x32xf32>
    %slice3A_225 = vector.extract_strided_slice %get3A_64 {offsets = [0, 15], sizes = [512, 1], strides = [1, 1]} : vector<512x16xf32> to vector<512x1xf32>
    %slice3A_226 = vector.extract_strided_slice %concatenate3A_61 {offsets = [0, 480], sizes = [512, 32], strides = [1, 1]} : vector<512x512xf32> to vector<512x32xf32>
    %mul3A_227 = vector.broadcast %slice3A_225 : vector<512x1xf32> to vector<512x32xf32>
    %mul3A_228 = arith.mulf %mul3A_227, %slice3A_226 : vector<512x32xf32>
    %add3A_229 = arith.addf %add3A_220, %mul3A_228 : vector<512x32xf32>
    %slice3A_230 = vector.extract_strided_slice %logistic3A_87 {offsets = [0, 480], sizes = [512, 32], strides = [1, 1]} : vector<512x512xf32> to vector<512x32xf32>
    %mul3A_231 = vector.broadcast %slice3A_225 : vector<512x1xf32> to vector<512x32xf32>
    %mul3A_232 = arith.mulf %mul3A_231, %slice3A_230 : vector<512x32xf32>
    %add3A_233 = arith.addf %add3A_224, %mul3A_232 : vector<512x32xf32>
    %add3A_234 = arith.addf %concatenate3A_18, %add3A_229 : vector<512x32xf32>
    %dot_general3A_235 = arith.constant dense<0.000000e+00> : vector<512x32xf32>
    %dot_general3A_236 = tpu.matmul %add3A_234, %get3A_67, %dot_general3A_235 {dimension_numbers = #tpu.dot_dimension_numbers<[1], [0], [0], [1], [0, 0, 1, 1], [], []>, precision = #tpu.contract_precision<fp32>, transpose_lhs_hint = false} : vector<512x32xf32>, vector<32x32xf32>, vector<512x32xf32> -> vector<512x32xf32>
    %add3A_237 = vector.broadcast %get3A_70 : vector<1x32xf32> to vector<512x32xf32>
    %add3A_238 = arith.addf %dot_general3A_236, %add3A_237 : vector<512x32xf32>
    %logistic3A_239 = arith.negf %add3A_238 : vector<512x32xf32>
    %logistic3A_240 = math.exp %logistic3A_239 : vector<512x32xf32>
    %logistic3A_241 = arith.constant 1.000000e+00 : f32
    %logistic3A_242 = vector.broadcast %logistic3A_241 : f32 to vector<512x32xf32>
    %logistic3A_243 = arith.addf %logistic3A_242, %logistic3A_240 : vector<512x32xf32>
    %logistic3A_244 = arith.divf %logistic3A_242, %logistic3A_243 : vector<512x32xf32>
    %add3A_245 = arith.addf %logistic3A_244, %add3A_233 : vector<512x32xf32>
    %dot_general3A_246 = arith.constant dense<0.000000e+00> : vector<512x32xf32>
    %dot_general3A_247 = tpu.matmul %add3A_245, %get3A_67, %dot_general3A_246 {dimension_numbers = #tpu.dot_dimension_numbers<[1], [0], [0], [1], [0, 0, 1, 1], [], []>, precision = #tpu.contract_precision<fp32>, transpose_lhs_hint = false} : vector<512x32xf32>, vector<32x32xf32>, vector<512x32xf32> -> vector<512x32xf32>
    %add3A_248 = vector.broadcast %get3A_70 : vector<1x32xf32> to vector<512x32xf32>
    %add3A_249 = arith.addf %dot_general3A_247, %add3A_248 : vector<512x32xf32>
    %tanh3A = math.tanh %add3A_249 : vector<512x32xf32>
    %mul3A_250 = arith.mulf %concatenate3A, %tanh3A : vector<512x32xf32>
    %reduce_sum3A = arith.constant dense<0.000000e+00> : vector<512xf32>
    %reduce_sum3A_251 = vector.multi_reduction <add>, %mul3A_250, %reduce_sum3A [1] : vector<512x32xf32> to vector<512xf32>
    %logistic3A_252 = arith.negf %reduce_sum3A_251 : vector<512xf32>
    %logistic3A_253 = math.exp %logistic3A_252 : vector<512xf32>
    %logistic3A_254 = arith.constant 1.000000e+00 : f32
    %logistic3A_255 = vector.broadcast %logistic3A_254 : f32 to vector<512xf32>
    %logistic3A_256 = arith.addf %logistic3A_255, %logistic3A_253 : vector<512xf32>
    %logistic3A_257 = arith.divf %logistic3A_255, %logistic3A_256 : vector<512xf32>
    %reshape3A = vector.shape_cast %logistic3A_257 : vector<512xf32> to vector<1x1x512xf32>
    %swap3A = arith.constant 0 : index
    %swap3A_258 = arith.constant 0 : index
    %swap3A_259 = arith.constant 0 : index
    %swap3A_260 = vector.load %arg10[%swap3A, %swap3A_258, %swap3A_259] : memref<1x1x512xf32, #tpu.memory_space<vmem>>, vector<1x1x512xf32>
    tpu.vector_store %arg10[%swap3A, %swap3A_258, %swap3A_259], %reshape3A {strides = array<i32>} : memref<1x1x512xf32, #tpu.memory_space<vmem>>, vector<1x1x512xf32>,
    return
  }
  func.func @transform_0(%arg0: i32) -> (i32, i32) {
    %c0_i32 = arith.constant 0 : i32
    %c0_i32_0 = arith.constant 0 : i32
    return %arg0, %c0_i32 : i32, i32
  }
  func.func @transform_1(%arg0: i32) -> (i32, i32) {
    %c0_i32 = arith.constant 0 : i32
    %c0_i32_0 = arith.constant 0 : i32
    return %arg0, %c0_i32 : i32, i32
  }
  func.func @transform_2(%arg0: i32) -> (i32, i32) {
    %c0_i32 = arith.constant 0 : i32
    %c0_i32_0 = arith.constant 0 : i32
    return %arg0, %c0_i32 : i32, i32
  }
  func.func @transform_3(%arg0: i32) -> (i32, i32) {
    %c0_i32 = arith.constant 0 : i32
    %c0_i32_0 = arith.constant 0 : i32
    return %arg0, %c0_i32 : i32, i32
  }
  func.func @transform_4(%arg0: i32) -> (i32, i32) {
    %c0_i32 = arith.constant 0 : i32
    %c0_i32_0 = arith.constant 0 : i32
    return %arg0, %c0_i32 : i32, i32
  }
  func.func @transform_5(%arg0: i32) -> (i32, i32) {
    %c0_i32 = arith.constant 0 : i32
    %c0_i32_0 = arith.constant 0 : i32
    %c0_i32_1 = arith.constant 0 : i32
    return %c0_i32, %c0_i32_0 : i32, i32
  }
  func.func @transform_6(%arg0: i32) -> (i32, i32) {
    %c0_i32 = arith.constant 0 : i32
    %c0_i32_0 = arith.constant 0 : i32
    %c0_i32_1 = arith.constant 0 : i32
    return %c0_i32, %c0_i32_0 : i32, i32
  }
  func.func @transform_7(%arg0: i32) -> (i32, i32) {
    %c0_i32 = arith.constant 0 : i32
    %c0_i32_0 = arith.constant 0 : i32
    %c0_i32_1 = arith.constant 0 : i32
    return %c0_i32, %c0_i32_0 : i32, i32
  }
  func.func @transform_8(%arg0: i32) -> (i32, i32) {
    %c0_i32 = arith.constant 0 : i32
    %c0_i32_0 = arith.constant 0 : i32
    %c0_i32_1 = arith.constant 0 : i32
    return %c0_i32, %c0_i32_0 : i32, i32
  }
  func.func @transform_9(%arg0: i32) -> (i32, i32, i32) {
    %c0_i32 = arith.constant 0 : i32
    %c0_i32_0 = arith.constant 0 : i32
    %c0_i32_1 = arith.constant 0 : i32
    return %arg0, %c0_i32, %c0_i32_0 : i32, i32, i32
  }
}

</mosaic_0001>

<sc_bundles>
// kernel: kernel.12.cloned.1.call-start
scs
__scs_entry_jumppad:
0x0: {  	(pc) =	sbr.rel $0x88, $3  }
0x1: {  	(tag) =	ssettag $0x0;
	lr =	simm.s32 $0x1  }
0x2: {  	[smem:$0x3F99] =	sst lr;
	_ =	strace $0xD0000000  }
0x3: {  	_ = 	snop  }
0x4: {  	_ = 	snop  }
0x5: {  	_ = 	snop  }
0x6: {  	_ = 	snop  }
0x7: {  	_ = 	snop  }
__scs_overlays_trampoline_lowered:
0x8: {  	[smem:$0x3FA8] =	sst s0  }
0x9: {  	[smem:$0x3FA9] =	sst s1  }
0xa: {  	[smem:$0x3FAA] =	sst s2  }
0xb: {  	[smem:$0x3FAB] =	sst s3  }
0xc: {  	[smem:$0x3FAC] =	sst s4  }
0xd: {  	[smem:$0x3FAD] =	sst s5  }
0xe: {  	[smem:$0x3FAE] =	sst s6  }
0xf: {  	[smem:$0x3FAF] =	sst s7  }
0x10: {  	[smem:$0x3FB0] =	sst s8  }
0x11: {  	[smem:$0x3FB1] =	sst s9;
	s0 =	simm.s32 @!p0 $0x0  }
0x12: {  	s1 =	sld [smem:$0x3F97];
	s0 =	simm.s32 @p0 $0x1  }
0x13: {  	[smem:$0x3FB2] =	sst s0;
	s0 =	simm.s32 @!p1 $0x0  }
0x14: {  	s2 =	sld [smem:$0x3F96];
	s0 =	simm.s32 @p1 $0x1  }
0x15: {  	[smem:$0x3FB3] =	sst s0;
	s0 =	simm.s32 @!p2 $0x0  }
0x16: {  	s3 =	sld [smem:$0x3FDB];
	s0 =	simm.s32 @p2 $0x1  }
0x17: {  	s4 =	simm.s32 $0x1BF5;
	[smem:$0x3FB5] =	sst s0  }
0x18: {  	s0 =	sld [smem:$0x3F98];
	_ =	swait.ge [sflag:s4], $0x0  }
0x19: {  	s7 =	sld [smem:$0x3F99]  }
0x1a: {  	s8 =	sadd.s32 $0xFFFFE003, lr  }
0x1b: {  	s9 =	sadd.s32 $0xFFFFFEF7, lr;
	s5 =	simm.s32 $0xFFFFFFFF;
	p2 =	slt.u32 s8, $0xFFFFF086  }
0x1c: {  	p1 =	slt.u32 s9, $0xF7A;
	s5 =	simm.s32 @!p2 $0x0  }
0x1d: {  	s5 =	simm.s32 @p1 $0x1;
	p0 =	seq.s32 s7, s2  }
0x1e: {  	s7 =	smul.u32 @!p0 $0xF7A, s2;
	p2 =	seq.s32 @!p0 s5, $0x0  }
0x1f: {  	s9 =	smul.u32 $0xF7A, s1;
	s8 =	simm.s32 @!p0 $0x1BF5;
	p2 =	por !p2, p0  }
0x20: {  	[sflag:s8] =	ssyncset.s32 @!p0 $0xFFFFF086;
	s6 =	sadd.s32 @!p0 s3, s7;
	s7 =	simm.s32 @!p0 $0x108  }
0x21: {  	s3 =	sadd.s32 s3, s9;
	s6 =	sadd.s32 @!p0 $0x88, s6;
	s7 =	simm.s32 @p2 $0x1082  }
0x22: {  	[simem:s7], [sflag:s8] =	dma.local @!p0 [hbm:s6], $0xF7A  }
0x23: {  	s9 =	sor.u32 $0xD0000000, s2;
	s6 =	simm.s32 $0x108;
	_ =	swait.ge @!p0 [sflag:s8], $0x0  }
0x24: {  	s3 =	sadd.s32 $0x88, s3;
	s6 =	simm.s32 @!p1 $0x1082;
	[sflag:s4] =	ssyncset.s32 $0xFFFFF086  }
0x25: {  	[simem:s6], [sflag:s4] =	dma.local [hbm:s3], $0xF7A  }
0x26: {  	[smem:$0x3F99] =	sst s1;
	(tag) =	ssettag s2;
	_ =	strace s9  }
0x27: {  	s1 =	sld [smem:$0x3FA9]  }
0x28: {  	s2 =	sld [smem:$0x3FAA]  }
0x29: {  	s4 =	sld [smem:$0x3FAC]  }
0x2a: {  	p0 =	seq.s32 s5, $0x0;
	s5 =	sld [smem:$0x3FAD]  }
0x2b: {  	s6 =	sld [smem:$0x3FAE]  }
0x2c: {  	s7 =	sld [smem:$0x3FAF]  }
0x2d: {  	s3 =	simm.s32 $0x108;
	s8 =	sld [smem:$0x3FB0]  }
0x2e: {  	s3 =	simm.s32 @!p0 $0x1082;
	s9 =	sld [smem:$0x3FB1]  }
0x2f: {  	lr =	sadd.s32 s0, s3;
	s0 =	sld [smem:$0x3FA8]  }
0x30: {  	s3 =	sld [smem:$0x3FAB]  }
0x31: {  	[smem:$0x3FB4] =	sst s10  }
0x32: {  	s10 =	sld [smem:$0x3FB2];
	_ =	sdelay $0x3  }
0x33: {  	p0 =	seq.s32 s10, $0x1;
	s10 =	sld [smem:$0x3FB4];
	_ =	sdelay $0x3  }
0x34: {  	[smem:$0x3FB4] =	sst s10  }
0x35: {  	s10 =	sld [smem:$0x3FB3];
	_ =	sdelay $0x3  }
0x36: {  	p1 =	seq.s32 s10, $0x1;
	s10 =	sld [smem:$0x3FB4];
	_ =	sdelay $0x3  }
0x37: {  	[smem:$0x3FB4] =	sst s10  }
0x38: {  	s10 =	sld [smem:$0x3FB5]  }
0x39: {  	_ = 	snop;
	(pc) =	sbr.ind lr, $3  }
0x3a: {  	_ = 	snop  }
0x3b: {  	_ = 	snop  }
0x3c: {  	p2 =	seq.s32 s10, $0x1;
	s10 =	sld [smem:$0x3FB4]  }
0x3d: {  	_ =	shalt  }
0x3e: {  	_ =	shalt  }
0x3f: {  	_ =	shalt  }
0x40: {  	_ =	shalt  }
0x41: {  	_ =	shalt  }
0x42: {  	_ =	shalt  }
0x43: {  	_ =	shalt  }
0x44: {  	_ =	shalt  }
0x45: {  	_ =	shalt  }
0x46: {  	_ =	shalt  }
0x47: {  	_ =	shalt  }
0x48: {  	_ =	shalt  }
0x49: {  	_ =	shalt  }
0x4a: {  	_ =	shalt  }
0x4b: {  	_ =	shalt  }
0x4c: {  	_ =	shalt  }
0x4d: {  	_ =	shalt  }
0x4e: {  	_ =	shalt  }
0x4f: {  	_ =	shalt  }
0x50: {  	_ =	shalt  }
0x51: {  	_ =	shalt  }
0x52: {  	_ =	shalt  }
0x53: {  	_ =	shalt  }
0x54: {  	_ =	shalt  }
0x55: {  	_ =	shalt  }
0x56: {  	_ =	shalt  }
0x57: {  	_ =	shalt  }
0x58: {  	_ =	shalt  }
0x59: {  	_ =	shalt  }
0x5a: {  	_ =	shalt  }
0x5b: {  	_ =	shalt  }
0x5c: {  	_ =	shalt  }
0x5d: {  	_ =	shalt  }
0x5e: {  	_ =	shalt  }
0x5f: {  	_ =	shalt  }
0x60: {  	_ =	shalt  }
0x61: {  	_ =	shalt  }
0x62: {  	_ =	shalt  }
0x63: {  	_ =	shalt  }
0x64: {  	_ =	shalt  }
0x65: {  	_ =	shalt  }
0x66: {  	_ =	shalt  }
0x67: {  	_ =	shalt  }
0x68: {  	_ =	shalt  }
0x69: {  	_ =	shalt  }
0x6a: {  	_ =	shalt  }
0x6b: {  	_ =	shalt  }
0x6c: {  	_ =	shalt  }
0x6d: {  	_ =	shalt  }
0x6e: {  	_ =	shalt  }
0x6f: {  	_ =	shalt  }
0x70: {  	_ =	shalt  }
0x71: {  	_ =	shalt  }
0x72: {  	_ =	shalt  }
0x73: {  	_ =	shalt  }
0x74: {  	_ =	shalt  }
0x75: {  	_ =	shalt  }
0x76: {  	_ =	shalt  }
0x77: {  	_ =	shalt  }
0x78: {  	_ =	shalt  }
0x79: {  	_ =	shalt  }
0x7a: {  	_ =	shalt  }
0x7b: {  	_ =	shalt  }
0x7c: {  	_ =	shalt  }
0x7d: {  	_ =	shalt  }
0x7e: {  	_ =	shalt  }
0x7f: {  	_ =	shalt  }
0x80: {  	_ =	shalt  }
0x81: {  	_ =	shalt  }
0x82: {  	_ =	shalt  }
0x83: {  	_ =	shalt  }
0x84: {  	_ =	shalt  }
0x85: {  	_ =	shalt  }
0x86: {  	_ =	shalt  }
0x87: {  	_ =	shalt  }
.Lfunc_end0:
.L_simem_size_0:
called_computation.1_lowered:
.L_overlay_start_0:
0x88: {  	s2 =	sld [smem:$0x3FD9]  }
0x89: {  	s3 =	sld [smem:$0x3FFE];
	_ =	sdelay $0x1  }
0x8a: {  	s1 =	srdreg.scid  }
0x8b: {  	s0 =	sand.u32 $0x1, s1  }
0x8c: {  	s16 =	sshll.u32 s0, $0xA;
	s2 =	sadd.s32 s3, s2  }
0x8d: {  	s2 =	sadd.s32 s2, s16  }
0x8e: {  	[smem:$0x3FC0] =	sst s2  }
0x8f: {  	_ = 	snop  }
0x90: {  	(tm) =	ssettm $0x1  }
0x91: {  	s17 =	sld [smem:$0x3FFB];
	_ =	sdelay $0x3  }
0x92: {  	_ =	strace s17  }
0x93: {  	s2 =	sld [smem:$0x3FFC];
	_ =	sdelay $0x3  }
0x94: {  	_ =	strace s2  }
0x95: {  	s2 =	sld [smem:$0x3FFD];
	_ =	sdelay $0x3  }
0x96: {  	_ =	strace s2  }
0x97: {  	_ =	strace $0x8FFFFFFF  }
0x98: {  	s18 =	sld [smem:$0x3FDB];
	_ =	sdelay $0x1  }
0x99: {  	s19 =	simm.s32 $_scs_section_size  }
0x9a: {  	s4 =	simm.s32 $_size__tile_overlayer_lowered;
	s5 =	simm.s32 $_tile_overlayer_lowered  }
0x9b: {  	s22 =	simm.s32 $0x1BFF;
	s21 =	sshll.u32 s5, $0x1;
	s2 =	sadd.s32 s19, s18  }
0x9c: {  	s6 =	simm.s32 $0x0;
	s20 =	sshll.u32 s4, $0x1;
	s4 =	sadd.s32 s21, s2  }
0x9d: {  	[timem:s6], [sflag:s22] =	dma.local [hbm:s4], s20  }
0x9e: {  	_ =	swait.ge [sflag:s22], s20  }
0x9f: {  	s3 =	ssub.s32 $0x0, s20;
	[sflag:s22] =	ssyncset.done $0x0  }
0xa0: {  	[sflag:s22] =	ssyncadd.s32 s3;
	_ =	sdelay $0x1  }
0xa1: {  	s23 =	simm.s32 $0x1B8B  }
0xa2: {  	_ =	swait.ge [sflag:s23], $0x1  }
0xa3: {  	[sflag:s23] =	ssyncset.done $0x0  }
0xa4: {  	s25 =	simm.s32 $0x1B8E;
	s24 =	sld [smem:$0x3FFE];
	[sflag:s23] =	ssyncadd.s32 $0xFFFFFFFF  }
0xa5: {  	s26 =	simm.s32 $execute0_lowered;
	[smem:$0x3FD2] =	sst s25  }
0xa6: {  	s4 =	sshll.u32 s26, $0x1;
	_ =	strace $0x80000049;
	[dreg:$0x1] =	wrdreg $0xFFFFFFFF  }
0xa7: {  	s28 =	simm.s32 $_size_execute0_lowered;
	s2 =	sadd.s32 s2, s4;
	[dreg:$0x0] =	wrdreg $0x0  }
0xa8: {  	s4 =	sshll.u32 s28, $0x1;
	[dreg:$0x2] =	wrdreg s2  }
0xa9: {  	[dreg:$0x3] =	wrdreg s4  }
0xaa: {  	[dreg:$0x4] =	wrdreg $0xC0  }
0xab: {  	_ =	task [dreg:s6], $0x5FFFF  }
0xac: {  	[dreg:$0x1] =	wrdreg $0xFFFFFFFF  }
0xad: {  	[dreg:$0x0] =	wrdreg $0x60  }
0xae: {  	[dreg:$0x2] =	wrdreg s24  }
0xaf: {  	[dreg:$0x3] =	wrdreg $0x9  }
0xb0: {  	_ =	task.clear_ibuf [dreg:s6], $0x4FFFF;
	_ =	strace $0x90000049  }
0xb1: {  	s29 =	simm.s32 $0x9;
	_ =	strace $0x8000004B  }
0xb2: {  	_ =	swait.ge [sflag:s29], $0x1  }
0xb3: {  	[sflag:s29] =	ssyncadd.s32 $0xFFFFFFFF  }
0xb4: {  	_ =	strace $0x9000004B  }
0xb5: {  	_ =	sfence  }
0xb6: {  	s30 =	sld [smem:$0x0];
	_ =	sdelay $0x2  }
0xb7: {  	s31 =	sshll.u32 s1, $0xD;
	s1 =	sshrl.u32 s1, $0x2  }
0xb8: {  	s3 =	sand.u32 $0x4000, s31;
	s1 =	sadd.s32 s1, s30  }
0xb9: {  	s0 =	sor.u32 s3, s0;
	s1 =	sshll.u32 s1, $0x11  }
0xba: {  	s0 =	sor.u32 s1, s0  }
0xbb: {  	s0 =	sadd.s32 $0x8F2B, s0  }
0xbc: {  	[sflag:s0] =	ssyncadd.remote.s32 $0x1  }
0xbd: {  	_ =	sfence.sel $0xFFFF  }
0xbe: {  	[dreg:$0x0] =	wrdreg $0xFFFFFFFF;
	(pc) =	sbr.abs _section_cstart, $3  }
0xbf: {  	[dreg:$0x1] =	wrdreg $0xFFFFFFFF  }
0xc0: {  	_ =	task.clear_ibuf [dreg:s6], $0x2FFFF;
	_ =	strace $0x9FFFFFFF  }
0xc1: {  	(tm) =	ssettm $0x7FFFFFFF  }
tec
execute0_lowered:
.L_overlay_start_1:
0x0: {  	(tag) =	ssettag $0x1  }
0x1: {  	s4 =	rddreg [dreg:$0x0]  }
0x2: {  	s0 =	rddreg [dreg:$0x1];
	s1 =	simm.s32 $0x0  }
0x3: {  	s5 =	srdreg.scid;
	s11 =	simm.s32 $0x800;
	s12 =	simm.s32 $0x1000  }
0x4: {  	s13 =	simm.s32 $0xC00;
	s14 =	simm.s32 $0x5000;
	s15 =	simm.s32 $0x1  }
0x5: {  	s16 =	simm.s32 $0x0;
	[smem:$0x7FF] =	sst s1;
	s2 =	sadd.s32 $0x446600, s4  }
0x6: {  	s3 =	sadd.s32 $0x2600, s4;
	s8 =	sand.u32 $0x1, s5;
	s5 =	sadd.s32 $0x222600, s4  }
0x7: {  	s6 =	sadd.s32 $0x448600, s4;
	s7 =	sadd.s32 $0x468600, s4;
	s9 =	ssub.s32 $0x2, s8  }
0x8: {  	s4 =	stileid.u32;
	_ =	strace $0x8000004A;
	s10 =	sshrl.u32 s9, $0x1  }
0x9: {  	s31 =	sshll.u32 s4, $0xC;
	s8 =	sshll.u32 s8, $0xB;
	s9 =	ssub.s32 s9, s10  }
0xa: {  	s8 =	sor.u32 s8, s31;
	s10 =	simm.s32 $0x2;
	s9 =	smax.u32 s9, $0x1  }
.LBB2_1:
0xb: {  	p1 =	por $0x1, $0x1;
	s18 =	simm.s32 $0x0  }
.LBB2_2:
0xc: {  	s17 =	sor.u32 s8, s18  }
0xd: {  	s18 =	sshrl.u32 s17, $0x3  }
0xe: {  	s19 =	simm.s32 $0x0;
	s18 =	sadd.s32 s2, s18  }
0xf: {  	[tilespmem:s19], [sflag:$0x2] =	stream.linear.gather [hbm4b:s18+s19], $0x400, $0x38;
	[tilespmem:$0x9000] =	vst v63  }
0x10: {  	_ =	swait.ge [sflag:s10], $0x400  }
0x11: {  	[sflag:s10] =	ssyncset.done $0x0  }
0x12: {  	s18 =	simm.s32 $0x0;
	[sflag:s10] =	ssyncadd.s32 $0xFFFFFC00  }
0x13: {  	p0 =	por p1, p1;
	s20 =	simm.s32 $0x0;
	s19 =	simm.s32 $0x40;
	v0 =	vld [tilespmem:s18+$0x0]  }
.LBB2_3:
0x14: {  	p1 =	sne.s32 s19, $0xFC0  }
.Ltmp0:
0x15: {  	_ = 	snop;
	(pc) =	sbr.rel @p1 .LBB2_3-.Ltmp0, $3  }
0x16: {  	_ =	sdelay $0x1  }
0x17: {  	s21 =	sshra.s32 s19, $0x2;
	s19 =	sadd.s32 $0x40, s19;
	v1 =	vand.u32 $0x3FFFFFF, v0  }
0x18: {  	v0 =	vld [tilespmem:s21+$0x0];
	[tilespmem:s20+$0x400] =	vst v1;
	s20 =	smov.u32 s21  }
0x19: {  	_ =	sdelay $0x3  }
0x1a: {  	v0 =	vand.u32 $0x3FFFFFF, v0  }
0x1b: {  	[tilespmem:s20+$0x400] =	vst v0  }
0x1c: {  	v0 =	vld [tilespmem:s18+$0x400];
	_ =	sdelay $0x2  }
0x1d: {  	s19 =	simm.s32 $0x40  }
.LBB2_5:
0x1e: {  	p1 =	sne.s32 s19, $0xFC0  }
.Ltmp1:
0x1f: {  	s20 =	sshra.s32 s19, $0x2;
	s19 =	sadd.s32 $0x40, s19;
	v1 =	vshll.u32 v0, $0x3;
	(pc) =	sbr.rel @p1 .LBB2_5-.Ltmp1, $4  }
0x20: {  	v2 =	vand.u32 $0xFFFFE000, v0;
	v3 =	vshrl.u32 v0, $0xA;
	v1 =	vand.u32 $0x1FF8, v1;
	v0 =	vld [tilespmem:s20+$0x400]  }
0x21: {  	v1 =	vor.u32 v2, v1;
	v2 =	vand.u32 $0x7, v3  }
0x22: {  	v1 =	vor.u32 v2, v1  }
0x23: {  	[tilespmem:s18+$0x800] =	vst v1;
	s18 =	smov.u32 s20  }
0x24: {  	_ = 	snop  }
0x25: {  	v1 =	vshll.u32 v0, $0x3  }
0x26: {  	v2 =	vand.u32 $0xFFFFE000, v0;
	v0 =	vshrl.u32 v0, $0xA;
	v1 =	vand.u32 $0x1FF8, v1  }
0x27: {  	v0 =	vand.u32 $0x7, v0;
	v1 =	vor.u32 v2, v1  }
0x28: {  	v0 =	vor.u32 v0, v1  }
0x29: {  	[tilespmem:s18+$0x800] =	vst v0;
	s18 =	simm.s32 $0x0  }
0x2a: {  	v0 =	vld [tilespmem:s18+$0x400];
	_ =	sdelay $0x2  }
0x2b: {  	s19 =	simm.s32 $0x40  }
.LBB2_7:
0x2c: {  	p1 =	sne.s32 s19, $0xFC0  }
.Ltmp2:
0x2d: {  	s20 =	sshra.s32 s19, $0x2;
	s19 =	sadd.s32 $0x40, s19;
	v1 =	vshll.u32 v0, $0x3;
	(pc) =	sbr.rel @p1 .LBB2_7-.Ltmp2, $4  }
0x2e: {  	v2 =	vand.u32 $0xFFFFE000, v0;
	v3 =	vshrl.u32 v0, $0xA;
	v1 =	vand.u32 $0x1FF8, v1;
	v0 =	vld [tilespmem:s20+$0x400]  }
0x2f: {  	v1 =	vor.u32 v2, v1;
	v2 =	vand.u32 $0x7, v3  }
0x30: {  	v1 =	vor.u32 v2, v1  }
0x31: {  	[tilespmem:s18+$0xC00] =	vst v1;
	s18 =	smov.u32 s20  }
0x32: {  	_ = 	snop  }
0x33: {  	v1 =	vshll.u32 v0, $0x3  }
0x34: {  	v2 =	vand.u32 $0xFFFFE000, v0;
	v63 =	vshrl.u32 v0, $0xA;
	v1 =	vand.u32 $0x1FF8, v1  }
0x35: {  	v0 =	vand.u32 $0x7, v63;
	v1 =	vor.u32 v2, v1  }
0x36: {  	v0 =	vor.u32 v0, v1  }
0x37: {  	[tilespmem:s18+$0xC00] =	vst v0;
	s18 =	simm.s32 $0x400  }
0x38: {  	[tilespmem:s12], [sflag:$0x1] =	stream.indirect.gather [hbm4b:s3+s18], $0x10, s11, s18, $0xb8;
	[tilespmem:$0x9000] =	vst v63  }
0x39: {  	_ = 	snop  }
0x3a: {  	[tilespmem:s14], [sflag:$0x1] =	stream.indirect.gather [hbm4b:s5+s18], $0x10, s13, s18, $0xb8;
	[tilespmem:$0x9000] =	vst v63  }
0x3b: {  	_ =	swait.ge [sflag:s15], $0x4000  }
0x3c: {  	[sflag:s15] =	ssyncset.done $0x0  }
0x3d: {  	[sflag:s15] =	ssyncadd.s32 $0xFFFFC000  }
0x3e: {  	_ =	swait.ge [sflag:s15], $0x4000  }
0x3f: {  	s17 =	sshll.u32 s17, $0x1;
	[sflag:s15] =	ssyncset.done $0x0  }
0x40: {  	s19 =	sadd.s32 s6, s17;
	[sflag:s15] =	ssyncadd.s32 $0xFFFFC000  }
0x41: {  	[hbm4b:s19+s1] =	stream.linear.scatter [tilespmem:s12], [sflag:$0x2], $0x4000, $0x38;
	[tilespmem:$0x9000] =	vst v63  }
0x42: {  	_ =	swait.ge [sflag:s10], $0x4000  }
0x43: {  	[sflag:s10] =	ssyncset.done $0x0  }
.Ltmp3:
0x44: {  	s17 =	sadd.s32 s7, s17;
	[sflag:s10] =	ssyncadd.s32 $0xFFFFC000;
	(pc) =	sbr.rel @p0 .LBB2_2-.Ltmp3, $4  }
0x45: {  	[hbm4b:s17+s1] =	stream.linear.scatter [tilespmem:s14], [sflag:$0x2], $0x4000, $0x38;
	[tilespmem:$0x9000] =	vst v63  }
0x46: {  	_ =	swait.ge [sflag:s10], $0x4000  }
0x47: {  	[sflag:s10] =	ssyncset.done $0x0  }
0x48: {  	p1 =	por $0x0, $0x0;
	[sflag:s10] =	ssyncadd.s32 $0xFFFFC000  }
0x49: {  	s16 =	sadd.s32 $0x1, s16  }
0x4a: {  	p0 =	sne.s32 s16, s9  }
.Ltmp4:
0x4b: {  	_ = 	snop;
	(pc) =	sbr.rel @p0 .LBB2_1-.Ltmp4, $1  }
0x4c: {  	_ =	sdelay $0x3  }
0x4d: {  	_ =	sfence.sel $0x180000  }
0x4e: {  	[bflag:$0x0] =	sbarrier.arrive $0xFFFF  }
0x4f: {  	p0 =	sne.s32 s4, $0x0;
	_ =	strace $0x9000004A  }
0x50: {  	s0 =	sadd.s32 @!p0 $0x100000, s0;
	[bflag:$0x2] =	sbarrier.arrive $0xFFFF  }
0x51: {  	[sflag:s0] =	ssyncadd.tile.s32 @!p0 $0x1;
	_ =	shalt  }
.Lfunc_end2:
_tile_overlayer_lowered:
.L_overlay_start_2:
0x52: {  	(tag) =	ssettag $0x2  }
0x53: {  	s0 =	rddreg [dreg:$0x0];
	s2 =	stileid.u32  }
0x54: {  	s1 =	rddreg [dreg:$0x1];
	p0 =	sne.s32 s2, $0x0  }
0x55: {  	s3 =	rddreg [dreg:$0x2];
	[bflag:$0x3] =	sbarrier.arrive $0xFFFF;
	s2 =	simm.s32 @!p0 $0x1C02  }
0x56: {  	[timem:s3], [sflag:s2] =	dma.local @!p0 [hbm:s0], s1  }
0x57: {  	s0 =	simm.s32 @!p0 $0x2  }
0x58: {  	_ =	swait.ge @!p0 [sflag:s0], s1  }
0x59: {  	s1 =	ssub.s32 @!p0 $0x0, s1;
	[sflag:s0] =	ssyncset.done @!p0 $0x0  }
0x5a: {  	[sflag:s0] =	ssyncadd.s32 @!p0 s1  }
0x5b: {  	[bflag:$0x3] =	sbarrier.arrive $0xFFFF  }
0x5c: {  	_ =	shalt  }

// kernel: kernel.15.cloned.1.call-start
scs
__scs_entry_jumppad:
0x0: {  	(pc) =	sbr.rel $0x88, $3  }
0x1: {  	(tag) =	ssettag $0x0;
	lr =	simm.s32 $0x1  }
0x2: {  	[smem:$0x3F99] =	sst lr;
	_ =	strace $0xD0000000  }
0x3: {  	_ = 	snop  }
0x4: {  	_ = 	snop  }
0x5: {  	_ = 	snop  }
0x6: {  	_ = 	snop  }
0x7: {  	_ = 	snop  }
__scs_overlays_trampoline_lowered:
0x8: {  	[smem:$0x3FA8] =	sst s0  }
0x9: {  	[smem:$0x3FA9] =	sst s1  }
0xa: {  	[smem:$0x3FAA] =	sst s2  }
0xb: {  	[smem:$0x3FAB] =	sst s3  }
0xc: {  	[smem:$0x3FAC] =	sst s4  }
0xd: {  	[smem:$0x3FAD] =	sst s5  }
0xe: {  	[smem:$0x3FAE] =	sst s6  }
0xf: {  	[smem:$0x3FAF] =	sst s7  }
0x10: {  	[smem:$0x3FB0] =	sst s8  }
0x11: {  	[smem:$0x3FB1] =	sst s9;
	s0 =	simm.s32 @!p0 $0x0  }
0x12: {  	s1 =	sld [smem:$0x3F97];
	s0 =	simm.s32 @p0 $0x1  }
0x13: {  	[smem:$0x3FB2] =	sst s0;
	s0 =	simm.s32 @!p1 $0x0  }
0x14: {  	s2 =	sld [smem:$0x3F96];
	s0 =	simm.s32 @p1 $0x1  }
0x15: {  	[smem:$0x3FB3] =	sst s0;
	s0 =	simm.s32 @!p2 $0x0  }
0x16: {  	s3 =	sld [smem:$0x3FDB];
	s0 =	simm.s32 @p2 $0x1  }
0x17: {  	s4 =	simm.s32 $0x1BF5;
	[smem:$0x3FB5] =	sst s0  }
0x18: {  	s0 =	sld [smem:$0x3F98];
	_ =	swait.ge [sflag:s4], $0x0  }
0x19: {  	s7 =	sld [smem:$0x3F99]  }
0x1a: {  	s8 =	sadd.s32 $0xFFFFE003, lr  }
0x1b: {  	s9 =	sadd.s32 $0xFFFFFEF7, lr;
	s5 =	simm.s32 $0xFFFFFFFF;
	p2 =	slt.u32 s8, $0xFFFFF086  }
0x1c: {  	p1 =	slt.u32 s9, $0xF7A;
	s5 =	simm.s32 @!p2 $0x0  }
0x1d: {  	s5 =	simm.s32 @p1 $0x1;
	p0 =	seq.s32 s7, s2  }
0x1e: {  	s7 =	smul.u32 @!p0 $0xF7A, s2;
	p2 =	seq.s32 @!p0 s5, $0x0  }
0x1f: {  	s9 =	smul.u32 $0xF7A, s1;
	s8 =	simm.s32 @!p0 $0x1BF5;
	p2 =	por !p2, p0  }
0x20: {  	[sflag:s8] =	ssyncset.s32 @!p0 $0xFFFFF086;
	s6 =	sadd.s32 @!p0 s3, s7;
	s7 =	simm.s32 @!p0 $0x108  }
0x21: {  	s3 =	sadd.s32 s3, s9;
	s6 =	sadd.s32 @!p0 $0x88, s6;
	s7 =	simm.s32 @p2 $0x1082  }
0x22: {  	[simem:s7], [sflag:s8] =	dma.local @!p0 [hbm:s6], $0xF7A  }
0x23: {  	s9 =	sor.u32 $0xD0000000, s2;
	s6 =	simm.s32 $0x108;
	_ =	swait.ge @!p0 [sflag:s8], $0x0  }
0x24: {  	s3 =	sadd.s32 $0x88, s3;
	s6 =	simm.s32 @!p1 $0x1082;
	[sflag:s4] =	ssyncset.s32 $0xFFFFF086  }
0x25: {  	[simem:s6], [sflag:s4] =	dma.local [hbm:s3], $0xF7A  }
0x26: {  	[smem:$0x3F99] =	sst s1;
	(tag) =	ssettag s2;
	_ =	strace s9  }
0x27: {  	s1 =	sld [smem:$0x3FA9]  }
0x28: {  	s2 =	sld [smem:$0x3FAA]  }
0x29: {  	s4 =	sld [smem:$0x3FAC]  }
0x2a: {  	p0 =	seq.s32 s5, $0x0;
	s5 =	sld [smem:$0x3FAD]  }
0x2b: {  	s6 =	sld [smem:$0x3FAE]  }
0x2c: {  	s7 =	sld [smem:$0x3FAF]  }
0x2d: {  	s3 =	simm.s32 $0x108;
	s8 =	sld [smem:$0x3FB0]  }
0x2e: {  	s3 =	simm.s32 @!p0 $0x1082;
	s9 =	sld [smem:$0x3FB1]  }
0x2f: {  	lr =	sadd.s32 s0, s3;
	s0 =	sld [smem:$0x3FA8]  }
0x30: {  	s3 =	sld [smem:$0x3FAB]  }
0x31: {  	[smem:$0x3FB4] =	sst s10  }
0x32: {  	s10 =	sld [smem:$0x3FB2];
	_ =	sdelay $0x3  }
0x33: {  	p0 =	seq.s32 s10, $0x1;
	s10 =	sld [smem:$0x3FB4];
	_ =	sdelay $0x3  }
0x34: {  	[smem:$0x3FB4] =	sst s10  }
0x35: {  	s10 =	sld [smem:$0x3FB3];
	_ =	sdelay $0x3  }
0x36: {  	p1 =	seq.s32 s10, $0x1;
	s10 =	sld [smem:$0x3FB4];
	_ =	sdelay $0x3  }
0x37: {  	[smem:$0x3FB4] =	sst s10  }
0x38: {  	s10 =	sld [smem:$0x3FB5]  }
0x39: {  	_ = 	snop;
	(pc) =	sbr.ind lr, $3  }
0x3a: {  	_ = 	snop  }
0x3b: {  	_ = 	snop  }
0x3c: {  	p2 =	seq.s32 s10, $0x1;
	s10 =	sld [smem:$0x3FB4]  }
0x3d: {  	_ =	shalt  }
0x3e: {  	_ =	shalt  }
0x3f: {  	_ =	shalt  }
0x40: {  	_ =	shalt  }
0x41: {  	_ =	shalt  }
0x42: {  	_ =	shalt  }
0x43: {  	_ =	shalt  }
0x44: {  	_ =	shalt  }
0x45: {  	_ =	shalt  }
0x46: {  	_ =	shalt  }
0x47: {  	_ =	shalt  }
0x48: {  	_ =	shalt  }
0x49: {  	_ =	shalt  }
0x4a: {  	_ =	shalt  }
0x4b: {  	_ =	shalt  }
0x4c: {  	_ =	shalt  }
0x4d: {  	_ =	shalt  }
0x4e: {  	_ =	shalt  }
0x4f: {  	_ =	shalt  }
0x50: {  	_ =	shalt  }
0x51: {  	_ =	shalt  }
0x52: {  	_ =	shalt  }
0x53: {  	_ =	shalt  }
0x54: {  	_ =	shalt  }
0x55: {  	_ =	shalt  }
0x56: {  	_ =	shalt  }
0x57: {  	_ =	shalt  }
0x58: {  	_ =	shalt  }
0x59: {  	_ =	shalt  }
0x5a: {  	_ =	shalt  }
0x5b: {  	_ =	shalt  }
0x5c: {  	_ =	shalt  }
0x5d: {  	_ =	shalt  }
0x5e: {  	_ =	shalt  }
0x5f: {  	_ =	shalt  }
0x60: {  	_ =	shalt  }
0x61: {  	_ =	shalt  }
0x62: {  	_ =	shalt  }
0x63: {  	_ =	shalt  }
0x64: {  	_ =	shalt  }
0x65: {  	_ =	shalt  }
0x66: {  	_ =	shalt  }
0x67: {  	_ =	shalt  }
0x68: {  	_ =	shalt  }
0x69: {  	_ =	shalt  }
0x6a: {  	_ =	shalt  }
0x6b: {  	_ =	shalt  }
0x6c: {  	_ =	shalt  }
0x6d: {  	_ =	shalt  }
0x6e: {  	_ =	shalt  }
0x6f: {  	_ =	shalt  }
0x70: {  	_ =	shalt  }
0x71: {  	_ =	shalt  }
0x72: {  	_ =	shalt  }
0x73: {  	_ =	shalt  }
0x74: {  	_ =	shalt  }
0x75: {  	_ =	shalt  }
0x76: {  	_ =	shalt  }
0x77: {  	_ =	shalt  }
0x78: {  	_ =	shalt  }
0x79: {  	_ =	shalt  }
0x7a: {  	_ =	shalt  }
0x7b: {  	_ =	shalt  }
0x7c: {  	_ =	shalt  }
0x7d: {  	_ =	shalt  }
0x7e: {  	_ =	shalt  }
0x7f: {  	_ =	shalt  }
0x80: {  	_ =	shalt  }
0x81: {  	_ =	shalt  }
0x82: {  	_ =	shalt  }
0x83: {  	_ =	shalt  }
0x84: {  	_ =	shalt  }
0x85: {  	_ =	shalt  }
0x86: {  	_ =	shalt  }
0x87: {  	_ =	shalt  }
.Lfunc_end0:
.L_simem_size_0:
called_computation.2_lowered:
.L_overlay_start_0:
0x88: {  	s2 =	sld [smem:$0x3FD9]  }
0x89: {  	s3 =	sld [smem:$0x3FFE];
	_ =	sdelay $0x1  }
0x8a: {  	s1 =	srdreg.scid  }
0x8b: {  	s0 =	sand.u32 $0x1, s1  }
0x8c: {  	s16 =	sshll.u32 s0, $0xA;
	s2 =	sadd.s32 s3, s2  }
0x8d: {  	s2 =	sadd.s32 s2, s16  }
0x8e: {  	[smem:$0x3FC0] =	sst s2  }
0x8f: {  	_ = 	snop  }
0x90: {  	(tm) =	ssettm $0x1  }
0x91: {  	s17 =	sld [smem:$0x3FFB];
	_ =	sdelay $0x3  }
0x92: {  	_ =	strace s17  }
0x93: {  	s2 =	sld [smem:$0x3FFC];
	_ =	sdelay $0x3  }
0x94: {  	_ =	strace s2  }
0x95: {  	s2 =	sld [smem:$0x3FFD];
	_ =	sdelay $0x3  }
0x96: {  	_ =	strace s2  }
0x97: {  	_ =	strace $0x8FFFFFFF  }
0x98: {  	s18 =	sld [smem:$0x3FDB];
	_ =	sdelay $0x1  }
0x99: {  	s19 =	simm.s32 $_scs_section_size  }
0x9a: {  	s4 =	simm.s32 $_size__tile_overlayer_lowered;
	s5 =	simm.s32 $_tile_overlayer_lowered  }
0x9b: {  	s22 =	simm.s32 $0x1BFF;
	s21 =	sshll.u32 s5, $0x1;
	s2 =	sadd.s32 s19, s18  }
0x9c: {  	s6 =	simm.s32 $0x0;
	s20 =	sshll.u32 s4, $0x1;
	s4 =	sadd.s32 s21, s2  }
0x9d: {  	[timem:s6], [sflag:s22] =	dma.local [hbm:s4], s20  }
0x9e: {  	_ =	swait.ge [sflag:s22], s20  }
0x9f: {  	s3 =	ssub.s32 $0x0, s20;
	[sflag:s22] =	ssyncset.done $0x0  }
0xa0: {  	[sflag:s22] =	ssyncadd.s32 s3;
	_ =	sdelay $0x1  }
0xa1: {  	s23 =	simm.s32 $0x1B8B  }
0xa2: {  	_ =	swait.ge [sflag:s23], $0x1  }
0xa3: {  	[sflag:s23] =	ssyncset.done $0x0  }
0xa4: {  	s25 =	simm.s32 $0x1B8E;
	s24 =	sld [smem:$0x3FFE];
	[sflag:s23] =	ssyncadd.s32 $0xFFFFFFFF  }
0xa5: {  	s26 =	simm.s32 $execute0_lowered;
	[smem:$0x3FD2] =	sst s25  }
0xa6: {  	s4 =	sshll.u32 s26, $0x1;
	_ =	strace $0x8000004C;
	[dreg:$0x1] =	wrdreg $0xFFFFFFFF  }
0xa7: {  	s28 =	simm.s32 $_size_execute0_lowered;
	s2 =	sadd.s32 s2, s4;
	[dreg:$0x0] =	wrdreg $0x0  }
0xa8: {  	s4 =	sshll.u32 s28, $0x1;
	[dreg:$0x2] =	wrdreg s2  }
0xa9: {  	[dreg:$0x3] =	wrdreg s4  }
0xaa: {  	[dreg:$0x4] =	wrdreg $0xC0  }
0xab: {  	_ =	task [dreg:s6], $0x5FFFF  }
0xac: {  	[dreg:$0x1] =	wrdreg $0xFFFFFFFF  }
0xad: {  	[dreg:$0x0] =	wrdreg $0x60  }
0xae: {  	[dreg:$0x2] =	wrdreg s24  }
0xaf: {  	[dreg:$0x3] =	wrdreg $0x9  }
0xb0: {  	_ =	task.clear_ibuf [dreg:s6], $0x4FFFF;
	_ =	strace $0x9000004C  }
0xb1: {  	s29 =	simm.s32 $0x9;
	_ =	strace $0x8000004E  }
0xb2: {  	_ =	swait.ge [sflag:s29], $0x1  }
0xb3: {  	[sflag:s29] =	ssyncadd.s32 $0xFFFFFFFF  }
0xb4: {  	_ =	strace $0x9000004E  }
0xb5: {  	_ =	sfence  }
0xb6: {  	s30 =	sld [smem:$0x0];
	_ =	sdelay $0x2  }
0xb7: {  	s31 =	sshll.u32 s1, $0xD;
	s1 =	sshrl.u32 s1, $0x2  }
0xb8: {  	s3 =	sand.u32 $0x4000, s31;
	s1 =	sadd.s32 s1, s30  }
0xb9: {  	s0 =	sor.u32 s3, s0;
	s1 =	sshll.u32 s1, $0x11  }
0xba: {  	s0 =	sor.u32 s1, s0  }
0xbb: {  	s0 =	sadd.s32 $0x8F2B, s0  }
0xbc: {  	[sflag:s0] =	ssyncadd.remote.s32 $0x1  }
0xbd: {  	_ =	sfence.sel $0xFFFF  }
0xbe: {  	[dreg:$0x0] =	wrdreg $0xFFFFFFFF;
	(pc) =	sbr.abs _section_cstart, $3  }
0xbf: {  	[dreg:$0x1] =	wrdreg $0xFFFFFFFF  }
0xc0: {  	_ =	task.clear_ibuf [dreg:s6], $0x2FFFF;
	_ =	strace $0x9FFFFFFF  }
0xc1: {  	(tm) =	ssettm $0x7FFFFFFF  }
tec
execute0_lowered:
.L_overlay_start_1:
0x0: {  	(tag) =	ssettag $0x1  }
0x1: {  	s0 =	rddreg [dreg:$0x0];
	s1 =	srdreg.scid  }
0x2: {  	s3 =	stileid.u32;
	s2 =	simm.s32 $0x0;
	s14 =	simm.s32 $0x3  }
0x3: {  	s17 =	simm.s32 $0x3000;
	s18 =	simm.s32 $0x400;
	s19 =	simm.s32 $0x3800  }
0x4: {  	s20 =	simm.s32 $0x4000;
	s21 =	simm.s32 $0x3400;
	s22 =	simm.s32 $0x3C00  }
0x5: {  	s23 =	simm.s32 $0x8000;
	s24 =	simm.s32 $0x1;
	s25 =	simm.s32 $0xC000  }
0x6: {  	s28 =	simm.s32 $0x0;
	s29 =	simm.s32 $0x0;
	s1 =	sand.u32 $0x1, s1  }
0x7: {  	s3 =	sshll.u32 s3, $0x1;
	[smem:$0x7FF] =	sst s2;
	s5 =	sadd.s32 $0x222600, s0  }
0x8: {  	s7 =	sor.u32 s1, s3;
	_ =	strace $0x8000004D;
	s3 =	sadd.s32 $0x468600, s0  }
0x9: {  	s1 =	ssub.s32 $0x2, s1;
	s4 =	sshll.u32 s7, $0xA;
	s6 =	sshll.u32 s7, $0x8  }
0xa: {  	s9 =	sshrl.u32 s1, $0x1;
	s30 =	sshll.u32 s7, $0xC;
	s8 =	sadd.s32 s4, s0  }
0xb: {  	s4 =	sadd.s32 $0x2600, s0;
	s0 =	sadd.s32 s6, s0;
	s8 =	sadd.s32 $0x488600, s8  }
0xc: {  	s6 =	sshll.u32 s7, $0xB;
	s26 =	sadd.s32 $0x446600, s0;
	[dreg:$0x2] =	wrdreg s8  }
0xd: {  	s1 =	ssub.s32 s1, s9;
	s0 =	sadd.s32 $0x262600, s0;
	[dreg:$0x3] =	wrdreg s26  }
0xe: {  	s7 =	sshll.u32 s7, $0xD;
	s31 =	smax.u32 s1, $0x1;
	[dreg:$0x4] =	wrdreg s0  }
0xf: {  	s11 =	sadd.s32 s5, s7;
	s0 =	sadd.s32 s3, s30;
	[dreg:$0x6] =	wrdreg s31  }
0x10: {  	s12 =	sor.u32 $0x80, s6;
	s26 =	simm.s32 $0x2;
	[dreg:$0x5] =	wrdreg s0  }
.LBB2_1:
0x11: {  	s0 =	rddreg [dreg:$0x2]  }
0x12: {  	[tilespmem:s2], [sflag:$0x3] =	stream.linear.gather [hbm4b:s0+s2], $0x2000, $0x38;
	[tilespmem:$0xC800] =	vst v63  }
0x13: {  	_ =	swait.ge [sflag:s14], $0x2000  }
0x14: {  	[sflag:s14] =	ssyncset.done $0x0  }
0x15: {  	s1 =	simm.s32 $0x2000;
	s31 =	rddreg [dreg:$0x3];
	[sflag:s14] =	ssyncadd.s32 $0xFFFFE000  }
0x16: {  	[tilespmem:s1], [sflag:$0x3] =	stream.linear.gather [hbm4b:s31+s2], $0x800, $0x38;
	[tilespmem:$0xC800] =	vst v63  }
0x17: {  	_ =	swait.ge [sflag:s14], $0x800  }
0x18: {  	[sflag:s14] =	ssyncset.done $0x0  }
0x19: {  	s0 =	simm.s32 $0x0;
	[sflag:s14] =	ssyncadd.s32 $0xFFFFF800  }
0x1a: {  	v0 =	vld [tilespmem:s0+$0x2000];
	_ =	sdelay $0x4  }
0x1b: {  	v0 =	vshrl.u32 v0, $0x1A  }
0x1c: {  	v0 =	vor.u32 s2, v0;
	_ =	sdelay $0x4  }
0x1d: {  	v0 =	vld.idx.msk [tilespmem:v0+s2+$0x0], $0xffff;
	_ =	sdelay $0x4  }
0x1e: {  	(xrf2) =	vadd.scan.msk.f32 $0xffff, v0;
	_ =	sdelay $0x9  }
0x1f: {  	v1, _, _ =	vpop (xrf2)  }
0x20: {  	v1 =	vbroadcast v1, $0xF;
	_ =	sdelay $0x1  }
0x21: {  	(erf) = vrcp.f32 v1  }
0x22: {  	s8 =	simm.s32 $0x10;
	s7 =	simm.s32 $0x80;
	s1 =	simm.s32 $0x40  }
.LBB2_2:
0x23: {  	p0 =	sne.s32 s7, $0x1FC0;
	v1 =	vld [tilespmem:s8+$0x2000];
	_ =	sdelay $0x4  }
0x24: {  	v1 =	vshrl.u32 v1, $0x1A  }
0x25: {  	v1 =	vor.u32 s1, v1;
	s1 =	smov.u32 s7  }
0x26: {  	v2 =	vpop (erf)  }
0x27: {  	v0 =	vmul.f32 v2, v0;
	_ =	sdelay $0x1  }
0x28: {  	[tilespmem:s0+$0x2800] =	vst v0;
	s0 =	smov.u32 s8  }
0x29: {  	v0 =	vld.idx.msk [tilespmem:v1+s2+$0x0], $0xffff;
	_ =	sdelay $0x5  }
0x2a: {  	(xrf2) =	vadd.scan.msk.f32 $0xffff, v0;
	_ =	sdelay $0x9  }
.Ltmp0:
0x2b: {  	v1, _, _ =	vpop (xrf2);
	(pc) =	sbr.rel @p0 .LBB2_2-.Ltmp0, $3  }
0x2c: {  	v1 =	vbroadcast v1, $0xF;
	_ =	sdelay $0x1  }
0x2d: {  	(erf) = vrcp.f32 v1  }
0x2e: {  	s7 =	sadd.s32 $0x40, s7;
	s8 =	sshra.s32 s1, $0x2  }
0x2f: {  	v1 =	vld [tilespmem:s8+$0x2000];
	_ =	sdelay $0x4  }
0x30: {  	v1 =	vshrl.u32 v1, $0x1A  }
0x31: {  	v1 =	vor.u32 s1, v1  }
0x32: {  	v2 =	vpop (erf)  }
0x33: {  	v0 =	vmul.f32 v2, v0;
	_ =	sdelay $0x1  }
0x34: {  	[tilespmem:s0+$0x2800] =	vst v0  }
0x35: {  	v0 =	vld.idx.msk [tilespmem:v1+s2+$0x0], $0xffff;
	_ =	sdelay $0x4  }
0x36: {  	(xrf2) =	vadd.scan.msk.f32 $0xffff, v0;
	_ =	sdelay $0x9  }
0x37: {  	v1, _, _ =	vpop (xrf2)  }
0x38: {  	v1 =	vbroadcast v1, $0xF;
	_ =	sdelay $0x1  }
0x39: {  	(erf) = vrcp.f32 v1;
	_ =	sdelay $0x8  }
0x3a: {  	v1 =	vpop (erf)  }
0x3b: {  	v0 =	vmul.f32 v1, v0;
	_ =	sdelay $0x1  }
0x3c: {  	s16 =	simm.s32 $0x0;
	s30 =	rddreg [dreg:$0x4];
	s7 =	simm.s32 $0x2800;
	[tilespmem:s8+$0x2800] =	vst v0  }
0x3d: {  	[hbm4b:s30+s16] =	stream.linear.scatter [tilespmem:s7], [sflag:$0x3], $0x800, $0x38;
	[tilespmem:$0xC800] =	vst v63  }
0x3e: {  	_ =	swait.ge [sflag:s14], $0x800  }
0x3f: {  	[sflag:s14] =	ssyncset.done $0x0  }
0x40: {  	s31 =	rddreg [dreg:$0x5];
	[sflag:s14] =	ssyncadd.s32 $0xFFFFF800  }
0x41: {  	[tilespmem:s17], [sflag:$0x3] =	stream.linear.gather [hbm4b:s31+s16], $0x400, $0x38;
	[tilespmem:$0xC800] =	vst v63  }
0x42: {  	_ =	swait.ge [sflag:s14], $0x400  }
0x43: {  	[sflag:s14] =	ssyncset.done $0x0  }
0x44: {  	s0 =	simm.s32 $0x0;
	[sflag:s14] =	ssyncadd.s32 $0xFFFFFC00  }
0x45: {  	v0 =	vld [tilespmem:s0+$0x3000];
	_ =	sdelay $0x2  }
0x46: {  	s1 =	simm.s32 $0x40  }
.LBB2_4:
0x47: {  	p0 =	sne.s32 s1, $0xFC0  }
.Ltmp1:
0x48: {  	s7 =	sshra.s32 s1, $0x2;
	s1 =	sadd.s32 $0x40, s1;
	v1 =	vshll.u32 v0, $0x3;
	(pc) =	sbr.rel @p0 .LBB2_4-.Ltmp1, $4  }
0x49: {  	v2 =	vand.u32 $0x3FFE000, v0;
	v3 =	vshrl.u32 v0, $0xA;
	v1 =	vand.u32 $0x1FF8, v1;
	v0 =	vld [tilespmem:s7+$0x3000]  }
0x4a: {  	v1 =	vor.u32 v2, v1;
	v2 =	vand.u32 $0x7, v3  }
0x4b: {  	v1 =	vor.u32 v2, v1  }
0x4c: {  	[tilespmem:s0+$0x3800] =	vst v1;
	s0 =	smov.u32 s7  }
0x4d: {  	_ = 	snop  }
0x4e: {  	v1 =	vshll.u32 v0, $0x3  }
0x4f: {  	v2 =	vand.u32 $0x3FFE000, v0;
	v63 =	vshrl.u32 v0, $0xA;
	v1 =	vand.u32 $0x1FF8, v1  }
0x50: {  	v0 =	vand.u32 $0x7, v63;
	v1 =	vor.u32 v2, v1  }
0x51: {  	v0 =	vor.u32 v0, v1  }
0x52: {  	s30 =	simm.s32 $0x100;
	s31 =	simm.s32 $0x0;
	[tilespmem:s0+$0x3800] =	vst v0;
	s0 =	simm.s32 $0x0  }
0x53: {  	[tilespmem:s20], [sflag:$0x1] =	stream.indirect.gather [hbm4b:s4+s18], $0x10, s19, s18, $0xb8;
	[tilespmem:$0xC800] =	vst v63  }
.LBB2_6:
0x54: {  	s15 =	sshll.u32 s0, $0x7  }
0x55: {  	s1 =	sor.u32 s6, s15  }
0x56: {  	s1 =	sor.u32 $0x40, s1  }
0x57: {  	s7 =	sshll.u32 s1, $0x1  }
0x58: {  	s7 =	sand.u32 $0x1FFFFF80, s7  }
0x59: {  	s7 =	sadd.s32 s3, s7  }
0x5a: {  	[tilespmem:s21], [sflag:$0x3] =	stream.linear.gather [hbm4b:s7+s29], $0x400, $0x38;
	[tilespmem:$0xC800] =	vst v63  }
0x5b: {  	_ =	swait.ge [sflag:s14], $0x400  }
0x5c: {  	[sflag:s14] =	ssyncset.done $0x0  }
0x5d: {  	s7 =	simm.s32 $0x0;
	[sflag:s14] =	ssyncadd.s32 $0xFFFFFC00  }
0x5e: {  	v0 =	vld [tilespmem:s7+$0x3400];
	_ =	sdelay $0x2  }
0x5f: {  	s8 =	simm.s32 $0x40  }
.LBB2_7:
0x60: {  	p0 =	sne.s32 s8, $0xFC0  }
.Ltmp2:
0x61: {  	s9 =	sshra.s32 s8, $0x2;
	s8 =	sadd.s32 $0x40, s8;
	v1 =	vshll.u32 v0, $0x3;
	(pc) =	sbr.rel @p0 .LBB2_7-.Ltmp2, $4  }
0x62: {  	v2 =	vand.u32 $0x3FFE000, v0;
	v3 =	vshrl.u32 v0, $0xA;
	v1 =	vand.u32 $0x1FF8, v1;
	v0 =	vld [tilespmem:s9+$0x3400]  }
0x63: {  	v1 =	vor.u32 v2, v1;
	v2 =	vand.u32 $0x7, v3  }
0x64: {  	v1 =	vor.u32 v2, v1  }
0x65: {  	[tilespmem:s7+$0x3C00] =	vst v1;
	s7 =	smov.u32 s9  }
0x66: {  	_ = 	snop  }
0x67: {  	v1 =	vshll.u32 v0, $0x3  }
0x68: {  	v2 =	vand.u32 $0x3FFE000, v0;
	v45 =	vshrl.u32 v0, $0xA;
	v1 =	vand.u32 $0x1FF8, v1  }
0x69: {  	v0 =	vand.u32 $0x7, v45;
	v1 =	vor.u32 v2, v1  }
0x6a: {  	v0 =	vor.u32 v0, v1  }
0x6b: {  	[tilespmem:s7+$0x3C00] =	vst v0  }
0x6c: {  	[tilespmem:s23], [sflag:$0x2] =	stream.indirect.gather [hbm4b:s4+s18], $0x10, s22, s18, $0xb8;
	[tilespmem:$0xC800] =	vst v63  }
0x6d: {  	_ =	swait.ge [sflag:s24], $0x4000  }
0x6e: {  	s16 =	simm.s32 $0x0;
	s8 =	simm.s32 $0x3000;
	[sflag:s24] =	ssyncset.done $0x0  }
0x6f: {  	s9 =	sadd.s32 $0x0, s31;
	s7 =	sand.u32 $0xF, s16;
	[sflag:s24] =	ssyncadd.s32 $0xFFFFC000  }
0x70: {  	p0 =	seq.s32 s9, $0x0;
	p1 =	sne.s32 s7, $0x0;
	v46 =	vld [tilespmem:s8+$0x0]  }
0x71: {  	p0 =	por !p0, !p1  }
0x72: {  	s7 =	simm.s32 $0x1;
	p0 =	por !p0, !p0  }
0x73: {  	s9 =	sshrl.u32 s9, $0x4;
	s7 =	simm.s32 @!p0 $0x0  }
0x74: {  	s7 =	ssub.s32 s9, s7  }
0x75: {  	s7 =	sshll.u32 s7, $0x6;
	v0 =	vshrl.u32 v46, $0x1A  }
0x76: {  	v0 =	vor.u32 s7, v0;
	_ =	sdelay $0x4  }
0x77: {  	v0 =	vld.idx.msk [tilespmem:v0+s2+$0x0], $0xffff;
	_ =	sdelay $0x4  }
0x78: {  	(xrf2) =	vadd.scan.msk.f32 $0xffff, v0;
	_ =	sdelay $0x7  }
0x79: {  	s10 =	simm.s32 $0x4080  }
0x7a: {  	v47 =	vld [tilespmem:s10+$0xFFFFFFB0]  }
0x7b: {  	v48 =	vld [tilespmem:s10+$0xFFFFFFC0];
	v3, _, _ =	vpop (xrf2)  }
0x7c: {  	v4 =	vld [tilespmem:s10+$0xFFFFFFE0];
	v3 =	vbroadcast v3, $0xF  }
0x7d: {  	v5 =	vld [tilespmem:s10+$0x0]  }
0x7e: {  	v6 =	vld [tilespmem:s10+$0xFFFFFF80];
	(erf) = vrcp.f32 v3  }
0x7f: {  	v49 =	vld [tilespmem:s10+$0x30]  }
0x80: {  	v7 =	vld [tilespmem:s10+$0x40]  }
0x81: {  	v8 =	vld [tilespmem:s10+$0x50]  }
0x82: {  	v9 =	vld [tilespmem:s10+$0x60]  }
0x83: {  	v10 =	vld [tilespmem:s10+$0x20]  }
0x84: {  	v11 =	vld [tilespmem:s10+$0x10]  }
0x85: {  	v12 =	vld [tilespmem:s10+$0xFFFFFFF0]  }
0x86: {  	v13 =	vld [tilespmem:s10+$0xFFFFFFD0];
	v14 =	vunpack.i.l.bf16.f32 v49  }
0x87: {  	v15 =	vld [tilespmem:s10+$0xFFFFFFA0];
	v16 =	vunpack.i.l.bf16.f32 v7;
	v17 =	vunpack.i.l.bf16.f32 v8;
	v18 =	vunpack.i.l.bf16.f32 v9;
	v19 =	vpop (erf)  }
0x88: {  	v20 =	vld [tilespmem:s10+$0xFFFFFF90];
	v50 =	vunpack.i.u.bf16.f32 v6;
	v21 =	vunpack.i.u.bf16.f32 v10;
	v0 =	vmul.f32 v19, v0  }
0x89: {  	v6 =	vunpack.i.l.bf16.f32 v6;
	v22 =	vunpack.i.u.bf16.f32 v5;
	v23 =	vunpack.i.u.bf16.f32 v11  }
0x8a: {  	v25 =	vunpack.i.u.bf16.f32 v4;
	v26 =	vunpack.i.u.bf16.f32 v12;
	v24 =	vbroadcast v0, $0x0  }
0x8b: {  	v27 =	vunpack.i.u.bf16.f32 v47;
	v28 =	vunpack.i.u.bf16.f32 v48;
	v29 =	vunpack.i.u.bf16.f32 v13  }
0x8c: {  	v31 =	vunpack.i.u.bf16.f32 v15;
	v30 =	vbroadcast v0, $0x1;
	v19 =	vmul.f32 v24, v50  }
0x8d: {  	v51 =	vunpack.i.u.bf16.f32 v20;
	v20 =	vunpack.i.l.bf16.f32 v20;
	v6 =	vmul.f32 v24, v6  }
0x8e: {  	v32 =	vbroadcast v0, $0x2;
	v24 =	vmul.f32 v30, v51;
	v19 =	vadd.f32 $0.0e+00, v19  }
0x8f: {  	v15 =	vunpack.i.l.bf16.f32 v15;
	v20 =	vmul.f32 v20, v30;
	v6 =	vadd.f32 $0.0e+00, v6  }
0x90: {  	v53 =	vbroadcast v0, $0x3;
	v52 =	vmul.f32 v31, v32;
	v19 =	vadd.f32 v19, v24  }
0x91: {  	v1 =	vunpack.i.l.bf16.f32 v47;
	v15 =	vmul.f32 v15, v32;
	v6 =	vadd.f32 v6, v20  }
0x92: {  	v55 =	vbroadcast v0, $0x4;
	v54 =	vmul.f32 v27, v53;
	v19 =	vadd.f32 v52, v19  }
0x93: {  	v2 =	vunpack.i.l.bf16.f32 v48;
	v1 =	vmul.f32 v1, v53;
	v6 =	vadd.f32 v15, v6  }
0x94: {  	v58 =	vbroadcast v0, $0x5;
	v57 =	vmul.f32 v28, v55;
	v56 =	vadd.f32 v54, v19  }
0x95: {  	v59 =	vunpack.i.l.bf16.f32 v13;
	v2 =	vmul.f32 v2, v55;
	v1 =	vadd.f32 v1, v6  }
0x96: {  	v62 =	vbroadcast v0, $0x6;
	v61 =	vmul.f32 v29, v58;
	v60 =	vadd.f32 v57, v56  }
0x97: {  	v4 =	vunpack.i.l.bf16.f32 v4;
	v63 =	vmul.f32 v59, v58;
	v1 =	vadd.f32 v2, v1  }
0x98: {  	v24 =	vmul.f32 v25, v62;
	v25 =	vbroadcast v0, $0x7;
	v20 =	vadd.f32 v61, v60  }
0x99: {  	v27 =	vmul.f32 v4, v62;
	v28 =	vunpack.i.l.bf16.f32 v12;
	v1 =	vadd.f32 v63, v1  }
0x9a: {  	v30 =	vbroadcast v0, $0x8;
	v29 =	vmul.f32 v26, v25;
	v6 =	vadd.f32 v24, v20  }
0x9b: {  	v35 =	vbroadcast v0, $0x9;
	v31 =	vmul.f32 v28, v25;
	v1 =	vadd.f32 v27, v1  }
0x9c: {  	v32 =	vunpack.i.l.bf16.f32 v5;
	v34 =	vmul.f32 v22, v30;
	v33 =	vadd.f32 v29, v6  }
0x9d: {  	v37 =	vunpack.i.l.bf16.f32 v11;
	v36 =	vmul.f32 v32, v30;
	v1 =	vadd.f32 v31, v1  }
0x9e: {  	v39 =	vbroadcast v0, $0xA;
	v38 =	vmul.f32 v23, v35;
	v5 =	vadd.f32 v34, v33  }
0x9f: {  	v41 =	vunpack.i.l.bf16.f32 v10;
	v40 =	vmul.f32 v37, v35;
	v1 =	vadd.f32 v36, v1  }
0xa0: {  	v43 =	vbroadcast v0, $0xB;
	v42 =	vmul.f32 v21, v39;
	v5 =	vadd.f32 v38, v5  }
0xa1: {  	v3 =	vunpack.i.u.bf16.f32 v49;
	v44 =	vmul.f32 v41, v39;
	v1 =	vadd.f32 v40, v1  }
0xa2: {  	v46 =	vbroadcast v0, $0xC;
	v3 =	vmul.f32 v3, v43;
	v45 =	vadd.f32 v42, v5  }
0xa3: {  	v48 =	vunpack.i.u.bf16.f32 v7;
	v47 =	vmul.f32 v14, v43;
	v1 =	vadd.f32 v44, v1  }
0xa4: {  	v49 =	vld [tilespmem:s10+$0x70];
	v50 =	vmul.f32 v48, v46;
	v51 =	vbroadcast v0, $0xD;
	v3 =	vadd.f32 v3, v45  }
0xa5: {  	v53 =	vunpack.i.u.bf16.f32 v8;
	v52 =	vmul.f32 v16, v46;
	v1 =	vadd.f32 v47, v1  }
0xa6: {  	v55 =	vbroadcast v0, $0xE;
	v54 =	vmul.f32 v53, v51;
	v3 =	vadd.f32 v50, v3  }
0xa7: {  	v56 =	vmul.f32 v17, v51;
	v57 =	vunpack.i.u.bf16.f32 v9;
	v1 =	vadd.f32 v52, v1  }
0xa8: {  	v0 =	vbroadcast v0, $0xF;
	v58 =	vmul.f32 v57, v55;
	v3 =	vadd.f32 v54, v3  }
0xa9: {  	v59 =	vmul.f32 v18, v55;
	v60 =	vunpack.i.u.bf16.f32 v49;
	v1 =	vadd.f32 v56, v1  }
0xaa: {  	v61 =	vunpack.i.l.bf16.f32 v49;
	v62 =	vmul.f32 v60, v0;
	v3 =	vadd.f32 v58, v3  }
0xab: {  	v0 =	vmul.f32 v61, v0;
	v1 =	vadd.f32 v59, v1  }
0xac: {  	v63 =	vadd.f32 v62, v3  }
0xad: {  	s13 =	simm.s32 $0x1;
	s16 =	simm.s32 $0xC010;
	v0 =	vadd.f32 v0, v1  }
0xae: {  	s13 =	sand.u32 $0xF, s13;
	s8 =	simm.s32 $0x3010;
	[tilespmem:s16+$0x0] =	vst v63  }
0xaf: {  	s9 =	simm.s32 $0x2;
	s7 =	simm.s32 $0x4180;
	s10 =	sadd.s32 $0x1, s31;
	[tilespmem:s16+$0xFFFFFFF0] =	vst v0  }
.LBB2_9:
0xb0: {  	p0 =	sne.s32 s9, $0x3F;
	p1 =	seq.s32 s10, $0x0;
	p2 =	sne.s32 s13, $0x0;
	v0 =	vld [tilespmem:s8+$0x0]  }
0xb1: {  	p1 =	por !p1, !p2;
	v14 =	vld [tilespmem:s7+$0xFFFFFFA0]  }
0xb2: {  	s13 =	simm.s32 $0x1;
	p1 =	por !p1, !p1;
	v15 =	vld [tilespmem:s7+$0xFFFFFFB0]  }
0xb3: {  	s10 =	sshrl.u32 s10, $0x4;
	s13 =	simm.s32 @!p1 $0x0;
	v16 =	vld [tilespmem:s7+$0xFFFFFFC0]  }
0xb4: {  	s10 =	ssub.s32 s10, s13;
	v17 =	vld [tilespmem:s7+$0xFFFFFFD0]  }
0xb5: {  	v0 =	vshrl.u32 v0, $0x1A;
	s10 =	sshll.u32 s10, $0x6;
	v18 =	vld [tilespmem:s7+$0xFFFFFFE0]  }
0xb6: {  	v0 =	vor.u32 s10, v0;
	v19 =	vld [tilespmem:s7+$0xFFFFFFF0]  }
0xb7: {  	v12 =	vld [tilespmem:s7+$0x0]  }
0xb8: {  	v11 =	vld [tilespmem:s7+$0x10]  }
0xb9: {  	v20 =	vld [tilespmem:s7+$0xFFFFFF80]  }
0xba: {  	v10 =	vld [tilespmem:s7+$0x20]  }
0xbb: {  	v13 =	vld.idx.msk [tilespmem:v0+s2+$0x0], $0xffff  }
0xbc: {  	v8 =	vld [tilespmem:s7+$0x30]  }
0xbd: {  	v6 =	vld [tilespmem:s7+$0x40]  }
0xbe: {  	v4 =	vld [tilespmem:s7+$0x50]  }
0xbf: {  	v1 =	vld [tilespmem:s7+$0x60]  }
0xc0: {  	v0 =	vld [tilespmem:s7+$0x70]  }
0xc1: {  	v9 =	vunpack.i.l.bf16.f32 v8;
	(xrf2) =	vadd.scan.msk.f32 $0xffff, v13  }
0xc2: {  	v7 =	vunpack.i.l.bf16.f32 v6  }
0xc3: {  	v5 =	vunpack.i.l.bf16.f32 v4  }
0xc4: {  	v3 =	vunpack.i.l.bf16.f32 v1  }
0xc5: {  	v2 =	vunpack.i.l.bf16.f32 v0;
	_ =	sdelay $0x5  }
0xc6: {  	v21, _, _ =	vpop (xrf2)  }
0xc7: {  	v21 =	vbroadcast v21, $0xF;
	_ =	sdelay $0x1  }
0xc8: {  	(erf) = vrcp.f32 v21;
	_ =	sdelay $0x8  }
0xc9: {  	v21 =	vpop (erf)  }
0xca: {  	v23 =	vunpack.i.u.bf16.f32 v10;
	v13 =	vmul.f32 v21, v13;
	v21 =	vunpack.i.u.bf16.f32 v20;
	v22 =	vld [tilespmem:s7+$0xFFFFFF90]  }
0xcb: {  	v24 =	vunpack.i.u.bf16.f32 v12;
	v25 =	vunpack.i.u.bf16.f32 v11;
	v20 =	vunpack.i.l.bf16.f32 v20  }
0xcc: {  	v27 =	vunpack.i.u.bf16.f32 v18;
	v28 =	vunpack.i.u.bf16.f32 v19;
	v26 =	vbroadcast v13, $0x0  }
0xcd: {  	v29 =	vunpack.i.u.bf16.f32 v15;
	v30 =	vunpack.i.u.bf16.f32 v16;
	v31 =	vunpack.i.u.bf16.f32 v17  }
0xce: {  	v33 =	vunpack.i.u.bf16.f32 v14;
	v32 =	vbroadcast v13, $0x1;
	v21 =	vmul.f32 v26, v21  }
0xcf: {  	v20 =	vmul.f32 v26, v20;
	v26 =	vunpack.i.u.bf16.f32 v22;
	v22 =	vunpack.i.l.bf16.f32 v22  }
0xd0: {  	v34 =	vbroadcast v13, $0x2;
	v21 =	vadd.f32 $0.0e+00, v21;
	v26 =	vmul.f32 v32, v26  }
0xd1: {  	v14 =	vunpack.i.l.bf16.f32 v14;
	v20 =	vadd.f32 $0.0e+00, v20;
	v22 =	vmul.f32 v22, v32  }
0xd2: {  	v32 =	vbroadcast v13, $0x3;
	v21 =	vadd.f32 v21, v26;
	v26 =	vmul.f32 v33, v34  }
0xd3: {  	v15 =	vunpack.i.l.bf16.f32 v15;
	v14 =	vmul.f32 v14, v34;
	v20 =	vadd.f32 v20, v22  }
0xd4: {  	v22 =	vmul.f32 v29, v32;
	v21 =	vadd.f32 v26, v21;
	v26 =	vbroadcast v13, $0x4  }
0xd5: {  	v16 =	vunpack.i.l.bf16.f32 v16;
	v15 =	vmul.f32 v15, v32;
	v14 =	vadd.f32 v14, v20  }
0xd6: {  	v20 =	vadd.f32 v22, v21;
	v21 =	vmul.f32 v30, v26;
	v22 =	vbroadcast v13, $0x5  }
0xd7: {  	v14 =	vadd.f32 v15, v14;
	v15 =	vmul.f32 v16, v26;
	v16 =	vunpack.i.l.bf16.f32 v17  }
0xd8: {  	v17 =	vadd.f32 v21, v20;
	v20 =	vmul.f32 v31, v22;
	v21 =	vbroadcast v13, $0x6  }
0xd9: {  	v14 =	vadd.f32 v15, v14;
	v15 =	vmul.f32 v16, v22;
	v16 =	vunpack.i.l.bf16.f32 v18  }
0xda: {  	v17 =	vadd.f32 v20, v17;
	v18 =	vmul.f32 v27, v21;
	v20 =	vbroadcast v13, $0x7  }
0xdb: {  	v14 =	vadd.f32 v15, v14;
	v15 =	vmul.f32 v16, v21;
	v16 =	vunpack.i.l.bf16.f32 v19  }
0xdc: {  	v19 =	vbroadcast v13, $0x8;
	v17 =	vadd.f32 v18, v17;
	v18 =	vmul.f32 v28, v20  }
0xdd: {  	v12 =	vunpack.i.l.bf16.f32 v12;
	v14 =	vadd.f32 v15, v14;
	v15 =	vmul.f32 v16, v20  }
0xde: {  	v16 =	vadd.f32 v18, v17;
	v17 =	vmul.f32 v24, v19;
	v18 =	vbroadcast v13, $0x9  }
0xdf: {  	v11 =	vunpack.i.l.bf16.f32 v11;
	v12 =	vmul.f32 v12, v19;
	v14 =	vadd.f32 v15, v14  }
0xe0: {  	v15 =	vadd.f32 v17, v16;
	v16 =	vmul.f32 v25, v18;
	v17 =	vbroadcast v13, $0xA  }
0xe1: {  	v10 =	vunpack.i.l.bf16.f32 v10;
	v12 =	vadd.f32 v12, v14;
	v11 =	vmul.f32 v11, v18  }
0xe2: {  	v14 =	vadd.f32 v16, v15;
	v15 =	vmul.f32 v23, v17;
	v16 =	vbroadcast v13, $0xB  }
0xe3: {  	v8 =	vunpack.i.u.bf16.f32 v8;
	v11 =	vadd.f32 v11, v12;
	v10 =	vmul.f32 v10, v17  }
0xe4: {  	v12 =	vadd.f32 v15, v14;
	v8 =	vmul.f32 v8, v16;
	v14 =	vbroadcast v13, $0xC  }
0xe5: {  	v6 =	vunpack.i.u.bf16.f32 v6;
	v10 =	vadd.f32 v10, v11;
	v9 =	vmul.f32 v9, v16  }
0xe6: {  	v11 =	vbroadcast v13, $0xD;
	v8 =	vadd.f32 v8, v12;
	v6 =	vmul.f32 v6, v14  }
0xe7: {  	v4 =	vunpack.i.u.bf16.f32 v4;
	v9 =	vadd.f32 v9, v10;
	v7 =	vmul.f32 v7, v14  }
0xe8: {  	v4 =	vmul.f32 v4, v11;
	v6 =	vadd.f32 v6, v8;
	v8 =	vbroadcast v13, $0xE  }
0xe9: {  	v1 =	vunpack.i.u.bf16.f32 v1;
	v5 =	vmul.f32 v5, v11;
	v7 =	vadd.f32 v7, v9  }
0xea: {  	v4 =	vadd.f32 v4, v6;
	v1 =	vmul.f32 v1, v8;
	v6 =	vbroadcast v13, $0xF  }
0xeb: {  	v0 =	vunpack.i.u.bf16.f32 v0;
	v5 =	vadd.f32 v5, v7;
	v3 =	vmul.f32 v3, v8  }
0xec: {  	v1 =	vadd.f32 v1, v4;
	v2 =	vmul.f32 v2, v6;
	v0 =	vmul.f32 v0, v6  }
.Ltmp3:
0xed: {  	v3 =	vadd.f32 v3, v5;
	(pc) =	sbr.rel @p0 .LBB2_9-.Ltmp3, $4  }
0xee: {  	v0 =	vadd.f32 v0, v1  }
0xef: {  	s16 =	sadd.s32 $0x20, s16;
	v1 =	vadd.f32 v2, v3  }
0xf0: {  	s8 =	sadd.s32 $0x10, s8;
	s7 =	sadd.s32 $0x100, s7;
	[tilespmem:s16+$0x0] =	vst v0  }
0xf1: {  	s13 =	sand.u32 $0xF, s9;
	s10 =	sadd.s32 s9, s31;
	s9 =	sadd.s32 $0x1, s9;
	[tilespmem:s16+$0xFFFFFFF0] =	vst v1  }
0xf2: {  	p0 =	seq.s32 s10, $0x0;
	p1 =	sne.s32 s13, $0x0;
	v0 =	vld [tilespmem:s8+$0x0]  }
0xf3: {  	p0 =	por !p0, !p1  }
0xf4: {  	s8 =	simm.s32 $0x1;
	p0 =	por !p0, !p0  }
0xf5: {  	s9 =	sshrl.u32 s10, $0x4;
	s8 =	simm.s32 @!p0 $0x0  }
0xf6: {  	s8 =	ssub.s32 s9, s8  }
0xf7: {  	v0 =	vshrl.u32 v0, $0x1A;
	s8 =	sshll.u32 s8, $0x6  }
0xf8: {  	v0 =	vor.u32 s8, v0;
	_ =	sdelay $0x4  }
0xf9: {  	v0 =	vld.idx.msk [tilespmem:v0+s2+$0x0], $0xffff;
	_ =	sdelay $0x4  }
0xfa: {  	(xrf2) =	vadd.scan.msk.f32 $0xffff, v0;
	_ =	sdelay $0x8  }
0xfb: {  	v1 =	vld [tilespmem:s7+$0xFFFFFFB0]  }
0xfc: {  	v2 =	vld [tilespmem:s7+$0xFFFFFFC0];
	v3, _, _ =	vpop (xrf2)  }
0xfd: {  	v4 =	vld [tilespmem:s7+$0xFFFFFFE0];
	v3 =	vbroadcast v3, $0xF  }
0xfe: {  	v5 =	vld [tilespmem:s7+$0x0]  }
0xff: {  	v6 =	vld [tilespmem:s7+$0xFFFFFF80];
	(erf) = vrcp.f32 v3  }
0x100: {  	v49 =	vld [tilespmem:s7+$0x30]  }
0x101: {  	v7 =	vld [tilespmem:s7+$0x40]  }
0x102: {  	v8 =	vld [tilespmem:s7+$0x50]  }
0x103: {  	v9 =	vld [tilespmem:s7+$0x60]  }
0x104: {  	v10 =	vld [tilespmem:s7+$0x20]  }
0x105: {  	v11 =	vld [tilespmem:s7+$0x10]  }
0x106: {  	v12 =	vld [tilespmem:s7+$0xFFFFFFF0]  }
0x107: {  	v13 =	vld [tilespmem:s7+$0xFFFFFFD0];
	v14 =	vunpack.i.l.bf16.f32 v49  }
0x108: {  	v15 =	vld [tilespmem:s7+$0xFFFFFFA0];
	v16 =	vunpack.i.l.bf16.f32 v7;
	v17 =	vunpack.i.l.bf16.f32 v8;
	v18 =	vunpack.i.l.bf16.f32 v9;
	v19 =	vpop (erf)  }
0x109: {  	v20 =	vld [tilespmem:s7+$0xFFFFFF90];
	v50 =	vunpack.i.u.bf16.f32 v6;
	v21 =	vunpack.i.u.bf16.f32 v10;
	v0 =	vmul.f32 v19, v0  }
0x10a: {  	v6 =	vunpack.i.l.bf16.f32 v6;
	v22 =	vunpack.i.u.bf16.f32 v5;
	v23 =	vunpack.i.u.bf16.f32 v11  }
0x10b: {  	v25 =	vunpack.i.u.bf16.f32 v4;
	v26 =	vunpack.i.u.bf16.f32 v12;
	v24 =	vbroadcast v0, $0x0  }
0x10c: {  	v27 =	vunpack.i.u.bf16.f32 v1;
	v28 =	vunpack.i.u.bf16.f32 v2;
	v29 =	vunpack.i.u.bf16.f32 v13  }
0x10d: {  	v31 =	vunpack.i.u.bf16.f32 v15;
	v30 =	vbroadcast v0, $0x1;
	v19 =	vmul.f32 v24, v50  }
0x10e: {  	v51 =	vunpack.i.u.bf16.f32 v20;
	v20 =	vunpack.i.l.bf16.f32 v20;
	v6 =	vmul.f32 v24, v6  }
0x10f: {  	v32 =	vbroadcast v0, $0x2;
	v24 =	vmul.f32 v30, v51;
	v19 =	vadd.f32 $0.0e+00, v19  }
0x110: {  	v15 =	vunpack.i.l.bf16.f32 v15;
	v20 =	vmul.f32 v20, v30;
	v6 =	vadd.f32 $0.0e+00, v6  }
0x111: {  	v53 =	vbroadcast v0, $0x3;
	v52 =	vmul.f32 v31, v32;
	v19 =	vadd.f32 v19, v24  }
0x112: {  	v1 =	vunpack.i.l.bf16.f32 v1;
	v15 =	vmul.f32 v15, v32;
	v6 =	vadd.f32 v6, v20  }
0x113: {  	v55 =	vbroadcast v0, $0x4;
	v54 =	vmul.f32 v27, v53;
	v19 =	vadd.f32 v52, v19  }
0x114: {  	v2 =	vunpack.i.l.bf16.f32 v2;
	v1 =	vmul.f32 v1, v53;
	v6 =	vadd.f32 v15, v6  }
0x115: {  	v58 =	vbroadcast v0, $0x5;
	v57 =	vmul.f32 v28, v55;
	v56 =	vadd.f32 v54, v19  }
0x116: {  	v59 =	vunpack.i.l.bf16.f32 v13;
	v2 =	vmul.f32 v2, v55;
	v1 =	vadd.f32 v1, v6  }
0x117: {  	v62 =	vbroadcast v0, $0x6;
	v61 =	vmul.f32 v29, v58;
	v60 =	vadd.f32 v57, v56  }
0x118: {  	v4 =	vunpack.i.l.bf16.f32 v4;
	v63 =	vmul.f32 v59, v58;
	v1 =	vadd.f32 v2, v1  }
0x119: {  	v24 =	vmul.f32 v25, v62;
	v25 =	vbroadcast v0, $0x7;
	v20 =	vadd.f32 v61, v60  }
0x11a: {  	v27 =	vmul.f32 v4, v62;
	v28 =	vunpack.i.l.bf16.f32 v12;
	v1 =	vadd.f32 v63, v1  }
0x11b: {  	v30 =	vbroadcast v0, $0x8;
	v29 =	vmul.f32 v26, v25;
	v6 =	vadd.f32 v24, v20  }
0x11c: {  	v35 =	vbroadcast v0, $0x9;
	v31 =	vmul.f32 v28, v25;
	v1 =	vadd.f32 v27, v1  }
0x11d: {  	v32 =	vunpack.i.l.bf16.f32 v5;
	v34 =	vmul.f32 v22, v30;
	v33 =	vadd.f32 v29, v6  }
0x11e: {  	v37 =	vunpack.i.l.bf16.f32 v11;
	v36 =	vmul.f32 v32, v30;
	v1 =	vadd.f32 v31, v1  }
0x11f: {  	v39 =	vbroadcast v0, $0xA;
	v38 =	vmul.f32 v23, v35;
	v5 =	vadd.f32 v34, v33  }
0x120: {  	v41 =	vunpack.i.l.bf16.f32 v10;
	v40 =	vmul.f32 v37, v35;
	v1 =	vadd.f32 v36, v1  }
0x121: {  	v43 =	vbroadcast v0, $0xB;
	v42 =	vmul.f32 v21, v39;
	v5 =	vadd.f32 v38, v5  }
0x122: {  	v3 =	vunpack.i.u.bf16.f32 v49;
	v44 =	vmul.f32 v41, v39;
	v1 =	vadd.f32 v40, v1  }
0x123: {  	v46 =	vbroadcast v0, $0xC;
	v3 =	vmul.f32 v3, v43;
	v45 =	vadd.f32 v42, v5  }
0x124: {  	v48 =	vunpack.i.u.bf16.f32 v7;
	v47 =	vmul.f32 v14, v43;
	v1 =	vadd.f32 v44, v1  }
0x125: {  	v49 =	vld [tilespmem:s7+$0x70];
	v50 =	vmul.f32 v48, v46;
	v51 =	vbroadcast v0, $0xD;
	v3 =	vadd.f32 v3, v45  }
0x126: {  	v53 =	vunpack.i.u.bf16.f32 v8;
	v52 =	vmul.f32 v16, v46;
	v1 =	vadd.f32 v47, v1  }
0x127: {  	v55 =	vbroadcast v0, $0xE;
	v54 =	vmul.f32 v53, v51;
	v3 =	vadd.f32 v50, v3  }
0x128: {  	v56 =	vmul.f32 v17, v51;
	v57 =	vunpack.i.u.bf16.f32 v9;
	v1 =	vadd.f32 v52, v1  }
0x129: {  	v0 =	vbroadcast v0, $0xF;
	v58 =	vmul.f32 v57, v55;
	v3 =	vadd.f32 v54, v3  }
0x12a: {  	v59 =	vmul.f32 v18, v55;
	v60 =	vunpack.i.u.bf16.f32 v49;
	v1 =	vadd.f32 v56, v1  }
0x12b: {  	v61 =	vunpack.i.l.bf16.f32 v49;
	v62 =	vmul.f32 v60, v0;
	v3 =	vadd.f32 v58, v3  }
0x12c: {  	v0 =	vmul.f32 v61, v0;
	v1 =	vadd.f32 v59, v1  }
0x12d: {  	v63 =	vadd.f32 v62, v3  }
0x12e: {  	s10 =	sadd.s32 $0x20, s16;
	v0 =	vadd.f32 v0, v1  }
0x12f: {  	s13 =	sshll.u32 s0, $0x9;
	p0 =	seq.s32 s0, $0xF;
	[tilespmem:s10+$0x0] =	vst v63  }
.Ltmp4:
0x130: {  	s16 =	sadd.s32 s13, s11;
	[tilespmem:s10+$0xFFFFFFF0] =	vst v0;
	(pc) =	sbr.rel @p0 .LBB2_14-.Ltmp4, $4  }
0x131: {  	[hbm4b:s16+s2] =	stream.linear.scatter [tilespmem:s25], [sflag:$0x3], $0x800, $0x38;
	[tilespmem:$0xC800] =	vst v63  }
0x132: {  	_ =	swait.ge [sflag:s14], $0x800  }
0x133: {  	[sflag:s14] =	ssyncset.done $0x0  }
0x134: {  	[sflag:s14] =	ssyncadd.s32 $0xFFFFF800  }
0x135: {  	s7 =	sadd.s32 s15, s12  }
0x136: {  	s7 =	sshll.u32 s7, $0x1  }
0x137: {  	s7 =	sand.u32 $0x1FFFFF00, s7  }
0x138: {  	s8 =	simm.s32 $0x0;
	s7 =	sadd.s32 s3, s7  }
0x139: {  	[tilespmem:s17], [sflag:$0x3] =	stream.linear.gather [hbm4b:s7+s8], $0x400, $0x38;
	[tilespmem:$0xC800] =	vst v63  }
0x13a: {  	_ =	swait.ge [sflag:s14], $0x400  }
0x13b: {  	[sflag:s14] =	ssyncset.done $0x0  }
0x13c: {  	s7 =	simm.s32 $0x0;
	[sflag:s14] =	ssyncadd.s32 $0xFFFFFC00  }
0x13d: {  	v0 =	vld [tilespmem:s7+$0x3000];
	_ =	sdelay $0x2  }
0x13e: {  	s8 =	simm.s32 $0x40  }
.LBB2_12:
0x13f: {  	p0 =	sne.s32 s8, $0xFC0  }
.Ltmp5:
0x140: {  	s9 =	sshra.s32 s8, $0x2;
	s8 =	sadd.s32 $0x40, s8;
	v1 =	vshll.u32 v0, $0x3;
	(pc) =	sbr.rel @p0 .LBB2_12-.Ltmp5, $4  }
0x141: {  	v2 =	vand.u32 $0x3FFE000, v0;
	v3 =	vshrl.u32 v0, $0xA;
	v1 =	vand.u32 $0x1FF8, v1;
	v0 =	vld [tilespmem:s9+$0x3000]  }
0x142: {  	v1 =	vor.u32 v2, v1;
	v2 =	vand.u32 $0x7, v3  }
0x143: {  	v1 =	vor.u32 v2, v1  }
0x144: {  	[tilespmem:s7+$0x3800] =	vst v1;
	s7 =	smov.u32 s9  }
0x145: {  	_ = 	snop  }
0x146: {  	v1 =	vshll.u32 v0, $0x3  }
0x147: {  	v2 =	vand.u32 $0x3FFE000, v0;
	v63 =	vshrl.u32 v0, $0xA;
	v1 =	vand.u32 $0x1FF8, v1  }
0x148: {  	v0 =	vand.u32 $0x7, v63;
	v1 =	vor.u32 v2, v1  }
0x149: {  	v0 =	vor.u32 v0, v1  }
0x14a: {  	[tilespmem:s7+$0x3800] =	vst v0  }
0x14b: {  	[tilespmem:s20], [sflag:$0x1] =	stream.indirect.gather [hbm4b:s4+s18], $0x10, s19, s18, $0xb8;
	[tilespmem:$0xC800] =	vst v63  }
.LBB2_14:
0x14c: {  	_ =	swait.ge [sflag:s26], $0x4000  }
0x14d: {  	[sflag:s26] =	ssyncset.done $0x0  }
0x14e: {  	s7 =	simm.s32 $0x0;
	[sflag:s26] =	ssyncadd.s32 $0xFFFFC000  }
0x14f: {  	v0 =	vld [tilespmem:s7+$0x3400];
	_ =	sdelay $0x4  }
0x150: {  	s16 =	sand.u32 $0x1FC0, s30;
	v0 =	vshrl.u32 v0, $0x1A  }
0x151: {  	v0 =	vor.u32 s16, v0;
	_ =	sdelay $0x4  }
0x152: {  	v0 =	vld.idx.msk [tilespmem:v0+s2+$0x0], $0xffff;
	_ =	sdelay $0x4  }
0x153: {  	(xrf2) =	vadd.scan.msk.f32 $0xffff, v0;
	_ =	sdelay $0x7  }
0x154: {  	s16 =	simm.s32 $0x8080  }
0x155: {  	v1 =	vld [tilespmem:s16+$0xFFFFFFB0]  }
0x156: {  	v2 =	vld [tilespmem:s16+$0xFFFFFFC0];
	v3, _, _ =	vpop (xrf2)  }
0x157: {  	v4 =	vld [tilespmem:s16+$0xFFFFFFE0];
	v3 =	vbroadcast v3, $0xF  }
0x158: {  	v5 =	vld [tilespmem:s16+$0x0]  }
0x159: {  	v6 =	vld [tilespmem:s16+$0xFFFFFF80];
	(erf) = vrcp.f32 v3  }
0x15a: {  	v49 =	vld [tilespmem:s16+$0x30]  }
0x15b: {  	v7 =	vld [tilespmem:s16+$0x40]  }
0x15c: {  	v8 =	vld [tilespmem:s16+$0x50]  }
0x15d: {  	v9 =	vld [tilespmem:s16+$0x60]  }
0x15e: {  	v10 =	vld [tilespmem:s16+$0x20]  }
0x15f: {  	v11 =	vld [tilespmem:s16+$0x10]  }
0x160: {  	v12 =	vld [tilespmem:s16+$0xFFFFFFF0]  }
0x161: {  	v13 =	vld [tilespmem:s16+$0xFFFFFFD0];
	v14 =	vunpack.i.l.bf16.f32 v49  }
0x162: {  	v15 =	vld [tilespmem:s16+$0xFFFFFFA0];
	v16 =	vunpack.i.l.bf16.f32 v7;
	v17 =	vunpack.i.l.bf16.f32 v8;
	v18 =	vunpack.i.l.bf16.f32 v9;
	v19 =	vpop (erf)  }
0x163: {  	v20 =	vld [tilespmem:s16+$0xFFFFFF90];
	v50 =	vunpack.i.u.bf16.f32 v6;
	v21 =	vunpack.i.u.bf16.f32 v10;
	v0 =	vmul.f32 v19, v0  }
0x164: {  	v6 =	vunpack.i.l.bf16.f32 v6;
	v22 =	vunpack.i.u.bf16.f32 v5;
	v23 =	vunpack.i.u.bf16.f32 v11  }
0x165: {  	v25 =	vunpack.i.u.bf16.f32 v4;
	v26 =	vunpack.i.u.bf16.f32 v12;
	v24 =	vbroadcast v0, $0x0  }
0x166: {  	v27 =	vunpack.i.u.bf16.f32 v1;
	v28 =	vunpack.i.u.bf16.f32 v2;
	v29 =	vunpack.i.u.bf16.f32 v13  }
0x167: {  	v31 =	vunpack.i.u.bf16.f32 v15;
	v30 =	vbroadcast v0, $0x1;
	v19 =	vmul.f32 v24, v50  }
0x168: {  	v51 =	vunpack.i.u.bf16.f32 v20;
	v20 =	vunpack.i.l.bf16.f32 v20;
	v6 =	vmul.f32 v24, v6  }
0x169: {  	v32 =	vbroadcast v0, $0x2;
	v24 =	vmul.f32 v30, v51;
	v19 =	vadd.f32 $0.0e+00, v19  }
0x16a: {  	v15 =	vunpack.i.l.bf16.f32 v15;
	v20 =	vmul.f32 v20, v30;
	v6 =	vadd.f32 $0.0e+00, v6  }
0x16b: {  	v53 =	vbroadcast v0, $0x3;
	v52 =	vmul.f32 v31, v32;
	v19 =	vadd.f32 v19, v24  }
0x16c: {  	v1 =	vunpack.i.l.bf16.f32 v1;
	v15 =	vmul.f32 v15, v32;
	v6 =	vadd.f32 v6, v20  }
0x16d: {  	v55 =	vbroadcast v0, $0x4;
	v54 =	vmul.f32 v27, v53;
	v19 =	vadd.f32 v52, v19  }
0x16e: {  	v2 =	vunpack.i.l.bf16.f32 v2;
	v1 =	vmul.f32 v1, v53;
	v6 =	vadd.f32 v15, v6  }
0x16f: {  	v58 =	vbroadcast v0, $0x5;
	v57 =	vmul.f32 v28, v55;
	v56 =	vadd.f32 v54, v19  }
0x170: {  	v59 =	vunpack.i.l.bf16.f32 v13;
	v2 =	vmul.f32 v2, v55;
	v1 =	vadd.f32 v1, v6  }
0x171: {  	v62 =	vbroadcast v0, $0x6;
	v61 =	vmul.f32 v29, v58;
	v60 =	vadd.f32 v57, v56  }
0x172: {  	v4 =	vunpack.i.l.bf16.f32 v4;
	v63 =	vmul.f32 v59, v58;
	v1 =	vadd.f32 v2, v1  }
0x173: {  	v24 =	vmul.f32 v25, v62;
	v25 =	vbroadcast v0, $0x7;
	v20 =	vadd.f32 v61, v60  }
0x174: {  	v27 =	vmul.f32 v4, v62;
	v28 =	vunpack.i.l.bf16.f32 v12;
	v1 =	vadd.f32 v63, v1  }
0x175: {  	v30 =	vbroadcast v0, $0x8;
	v29 =	vmul.f32 v26, v25;
	v6 =	vadd.f32 v24, v20  }
0x176: {  	v35 =	vbroadcast v0, $0x9;
	v31 =	vmul.f32 v28, v25;
	v1 =	vadd.f32 v27, v1  }
0x177: {  	v32 =	vunpack.i.l.bf16.f32 v5;
	v34 =	vmul.f32 v22, v30;
	v33 =	vadd.f32 v29, v6  }
0x178: {  	v37 =	vunpack.i.l.bf16.f32 v11;
	v36 =	vmul.f32 v32, v30;
	v1 =	vadd.f32 v31, v1  }
0x179: {  	v39 =	vbroadcast v0, $0xA;
	v38 =	vmul.f32 v23, v35;
	v5 =	vadd.f32 v34, v33  }
0x17a: {  	v41 =	vunpack.i.l.bf16.f32 v10;
	v40 =	vmul.f32 v37, v35;
	v1 =	vadd.f32 v36, v1  }
0x17b: {  	v43 =	vbroadcast v0, $0xB;
	v42 =	vmul.f32 v21, v39;
	v5 =	vadd.f32 v38, v5  }
0x17c: {  	v3 =	vunpack.i.u.bf16.f32 v49;
	v44 =	vmul.f32 v41, v39;
	v1 =	vadd.f32 v40, v1  }
0x17d: {  	v46 =	vbroadcast v0, $0xC;
	v3 =	vmul.f32 v3, v43;
	v45 =	vadd.f32 v42, v5  }
0x17e: {  	v48 =	vunpack.i.u.bf16.f32 v7;
	v47 =	vmul.f32 v14, v43;
	v1 =	vadd.f32 v44, v1  }
0x17f: {  	v49 =	vld [tilespmem:s16+$0x70];
	v50 =	vmul.f32 v48, v46;
	v51 =	vbroadcast v0, $0xD;
	v3 =	vadd.f32 v3, v45  }
0x180: {  	v53 =	vunpack.i.u.bf16.f32 v8;
	v52 =	vmul.f32 v16, v46;
	v1 =	vadd.f32 v47, v1  }
0x181: {  	v55 =	vbroadcast v0, $0xE;
	v54 =	vmul.f32 v53, v51;
	v3 =	vadd.f32 v50, v3  }
0x182: {  	v56 =	vmul.f32 v17, v51;
	v57 =	vunpack.i.u.bf16.f32 v9;
	v1 =	vadd.f32 v52, v1  }
0x183: {  	v0 =	vbroadcast v0, $0xF;
	v58 =	vmul.f32 v57, v55;
	v3 =	vadd.f32 v54, v3  }
0x184: {  	v59 =	vmul.f32 v18, v55;
	v60 =	vunpack.i.u.bf16.f32 v49;
	v1 =	vadd.f32 v56, v1  }
0x185: {  	v61 =	vunpack.i.l.bf16.f32 v49;
	v62 =	vmul.f32 v60, v0;
	v3 =	vadd.f32 v58, v3  }
0x186: {  	v0 =	vmul.f32 v61, v0;
	v1 =	vadd.f32 v59, v1  }
0x187: {  	v63 =	vadd.f32 v62, v3  }
0x188: {  	s15 =	simm.s32 $0xC010;
	v0 =	vadd.f32 v0, v1  }
0x189: {  	[tilespmem:s15+$0x0] =	vst v63  }
0x18a: {  	s9 =	simm.s32 $0x10;
	s8 =	simm.s32 $0x80;
	s7 =	smov.u32 s30;
	[tilespmem:s15+$0xFFFFFFF0] =	vst v0  }
.LBB2_15:
0x18b: {  	p0 =	sne.s32 s8, $0xFC0;
	v0 =	vld [tilespmem:s9+$0x3400];
	s16 =	sadd.s32 $0x100, s16  }
0x18c: {  	v14 =	vld [tilespmem:s16+$0xFFFFFFA0]  }
0x18d: {  	v15 =	vld [tilespmem:s16+$0xFFFFFFB0]  }
0x18e: {  	v16 =	vld [tilespmem:s16+$0xFFFFFFC0]  }
0x18f: {  	s7 =	sadd.s32 $0x4, s7;
	v17 =	vld [tilespmem:s16+$0xFFFFFFD0]  }
0x190: {  	s9 =	sand.u32 $0x1FC0, s7;
	v0 =	vshrl.u32 v0, $0x1A;
	v18 =	vld [tilespmem:s16+$0xFFFFFFE0]  }
0x191: {  	v0 =	vor.u32 s9, v0;
	v19 =	vld [tilespmem:s16+$0xFFFFFFF0]  }
0x192: {  	v12 =	vld [tilespmem:s16+$0x0]  }
0x193: {  	v11 =	vld [tilespmem:s16+$0x10]  }
0x194: {  	v20 =	vld [tilespmem:s16+$0xFFFFFF80]  }
0x195: {  	v10 =	vld [tilespmem:s16+$0x20]  }
0x196: {  	v13 =	vld.idx.msk [tilespmem:v0+s2+$0x0], $0xffff  }
0x197: {  	v8 =	vld [tilespmem:s16+$0x30]  }
0x198: {  	v6 =	vld [tilespmem:s16+$0x40]  }
0x199: {  	v4 =	vld [tilespmem:s16+$0x50]  }
0x19a: {  	v1 =	vld [tilespmem:s16+$0x60]  }
0x19b: {  	v0 =	vld [tilespmem:s16+$0x70]  }
0x19c: {  	v9 =	vunpack.i.l.bf16.f32 v8;
	(xrf2) =	vadd.scan.msk.f32 $0xffff, v13  }
0x19d: {  	v7 =	vunpack.i.l.bf16.f32 v6  }
0x19e: {  	v5 =	vunpack.i.l.bf16.f32 v4  }
0x19f: {  	v3 =	vunpack.i.l.bf16.f32 v1  }
0x1a0: {  	v2 =	vunpack.i.l.bf16.f32 v0;
	_ =	sdelay $0x5  }
0x1a1: {  	v21, _, _ =	vpop (xrf2)  }
0x1a2: {  	v21 =	vbroadcast v21, $0xF;
	_ =	sdelay $0x1  }
0x1a3: {  	(erf) = vrcp.f32 v21;
	_ =	sdelay $0x8  }
0x1a4: {  	v21 =	vpop (erf)  }
0x1a5: {  	v23 =	vunpack.i.u.bf16.f32 v10;
	v13 =	vmul.f32 v21, v13;
	v21 =	vunpack.i.u.bf16.f32 v20;
	v22 =	vld [tilespmem:s16+$0xFFFFFF90]  }
0x1a6: {  	v24 =	vunpack.i.u.bf16.f32 v12;
	v25 =	vunpack.i.u.bf16.f32 v11;
	v20 =	vunpack.i.l.bf16.f32 v20  }
0x1a7: {  	v27 =	vunpack.i.u.bf16.f32 v18;
	v28 =	vunpack.i.u.bf16.f32 v19;
	v26 =	vbroadcast v13, $0x0  }
0x1a8: {  	v29 =	vunpack.i.u.bf16.f32 v15;
	v30 =	vunpack.i.u.bf16.f32 v16;
	v31 =	vunpack.i.u.bf16.f32 v17  }
0x1a9: {  	v33 =	vunpack.i.u.bf16.f32 v14;
	v32 =	vbroadcast v13, $0x1;
	v21 =	vmul.f32 v26, v21  }
0x1aa: {  	v20 =	vmul.f32 v26, v20;
	v26 =	vunpack.i.u.bf16.f32 v22;
	v22 =	vunpack.i.l.bf16.f32 v22  }
0x1ab: {  	v34 =	vbroadcast v13, $0x2;
	v21 =	vadd.f32 $0.0e+00, v21;
	v26 =	vmul.f32 v32, v26  }
0x1ac: {  	v14 =	vunpack.i.l.bf16.f32 v14;
	v20 =	vadd.f32 $0.0e+00, v20;
	v22 =	vmul.f32 v22, v32  }
0x1ad: {  	v32 =	vbroadcast v13, $0x3;
	v21 =	vadd.f32 v21, v26;
	v26 =	vmul.f32 v33, v34  }
0x1ae: {  	v15 =	vunpack.i.l.bf16.f32 v15;
	v14 =	vmul.f32 v14, v34;
	v20 =	vadd.f32 v20, v22  }
0x1af: {  	v22 =	vmul.f32 v29, v32;
	v21 =	vadd.f32 v26, v21;
	v26 =	vbroadcast v13, $0x4  }
0x1b0: {  	v16 =	vunpack.i.l.bf16.f32 v16;
	v15 =	vmul.f32 v15, v32;
	v14 =	vadd.f32 v14, v20  }
0x1b1: {  	v20 =	vadd.f32 v22, v21;
	v21 =	vmul.f32 v30, v26;
	v22 =	vbroadcast v13, $0x5  }
0x1b2: {  	v14 =	vadd.f32 v15, v14;
	v15 =	vmul.f32 v16, v26;
	v16 =	vunpack.i.l.bf16.f32 v17  }
0x1b3: {  	v17 =	vadd.f32 v21, v20;
	v20 =	vmul.f32 v31, v22;
	v21 =	vbroadcast v13, $0x6  }
0x1b4: {  	v14 =	vadd.f32 v15, v14;
	v15 =	vmul.f32 v16, v22;
	v16 =	vunpack.i.l.bf16.f32 v18  }
0x1b5: {  	v17 =	vadd.f32 v20, v17;
	v18 =	vmul.f32 v27, v21;
	v20 =	vbroadcast v13, $0x7  }
0x1b6: {  	v14 =	vadd.f32 v15, v14;
	v15 =	vmul.f32 v16, v21;
	v16 =	vunpack.i.l.bf16.f32 v19  }
0x1b7: {  	v19 =	vbroadcast v13, $0x8;
	v17 =	vadd.f32 v18, v17;
	v18 =	vmul.f32 v28, v20  }
0x1b8: {  	v12 =	vunpack.i.l.bf16.f32 v12;
	v14 =	vadd.f32 v15, v14;
	v15 =	vmul.f32 v16, v20  }
0x1b9: {  	v16 =	vadd.f32 v18, v17;
	v17 =	vmul.f32 v24, v19;
	v18 =	vbroadcast v13, $0x9  }
0x1ba: {  	v11 =	vunpack.i.l.bf16.f32 v11;
	v12 =	vmul.f32 v12, v19;
	v14 =	vadd.f32 v15, v14  }
0x1bb: {  	v15 =	vadd.f32 v17, v16;
	v16 =	vmul.f32 v25, v18;
	v17 =	vbroadcast v13, $0xA  }
0x1bc: {  	v10 =	vunpack.i.l.bf16.f32 v10;
	v12 =	vadd.f32 v12, v14;
	v11 =	vmul.f32 v11, v18  }
0x1bd: {  	v14 =	vadd.f32 v16, v15;
	v15 =	vmul.f32 v23, v17;
	v16 =	vbroadcast v13, $0xB  }
0x1be: {  	v8 =	vunpack.i.u.bf16.f32 v8;
	v11 =	vadd.f32 v11, v12;
	v10 =	vmul.f32 v10, v17  }
0x1bf: {  	v12 =	vadd.f32 v15, v14;
	v8 =	vmul.f32 v8, v16;
	v14 =	vbroadcast v13, $0xC  }
0x1c0: {  	v6 =	vunpack.i.u.bf16.f32 v6;
	v10 =	vadd.f32 v10, v11;
	v9 =	vmul.f32 v9, v16  }
0x1c1: {  	v11 =	vbroadcast v13, $0xD;
	v8 =	vadd.f32 v8, v12;
	v6 =	vmul.f32 v6, v14  }
0x1c2: {  	v4 =	vunpack.i.u.bf16.f32 v4;
	v9 =	vadd.f32 v9, v10;
	v7 =	vmul.f32 v7, v14  }
0x1c3: {  	v4 =	vmul.f32 v4, v11;
	v6 =	vadd.f32 v6, v8;
	v8 =	vbroadcast v13, $0xE  }
0x1c4: {  	v1 =	vunpack.i.u.bf16.f32 v1;
	v5 =	vmul.f32 v5, v11;
	v7 =	vadd.f32 v7, v9  }
0x1c5: {  	v4 =	vadd.f32 v4, v6;
	v1 =	vmul.f32 v1, v8;
	v6 =	vbroadcast v13, $0xF  }
0x1c6: {  	v0 =	vunpack.i.u.bf16.f32 v0;
	v5 =	vadd.f32 v5, v7;
	v3 =	vmul.f32 v3, v8  }
0x1c7: {  	v1 =	vadd.f32 v1, v4;
	v2 =	vmul.f32 v2, v6;
	v0 =	vmul.f32 v0, v6  }
.Ltmp6:
0x1c8: {  	v3 =	vadd.f32 v3, v5;
	(pc) =	sbr.rel @p0 .LBB2_15-.Ltmp6, $4  }
0x1c9: {  	v0 =	vadd.f32 v0, v1  }
0x1ca: {  	s15 =	sadd.s32 $0x20, s15;
	v1 =	vadd.f32 v2, v3  }
0x1cb: {  	[tilespmem:s15+$0x0] =	vst v0  }
0x1cc: {  	s9 =	sshra.s32 s8, $0x2;
	s8 =	sadd.s32 $0x40, s8;
	[tilespmem:s15+$0xFFFFFFF0] =	vst v1  }
0x1cd: {  	v0 =	vld [tilespmem:s9+$0x3400];
	_ =	sdelay $0x3  }
0x1ce: {  	s7 =	sadd.s32 $0x4, s7  }
0x1cf: {  	s7 =	sand.u32 $0x1FC0, s7;
	v0 =	vshrl.u32 v0, $0x1A  }
0x1d0: {  	v0 =	vor.u32 s7, v0;
	_ =	sdelay $0x4  }
0x1d1: {  	v0 =	vld.idx.msk [tilespmem:v0+s2+$0x0], $0xffff;
	_ =	sdelay $0x4  }
0x1d2: {  	(xrf2) =	vadd.scan.msk.f32 $0xffff, v0;
	_ =	sdelay $0x7  }
0x1d3: {  	s13 =	sadd.s32 $0x100, s16  }
0x1d4: {  	v1 =	vld [tilespmem:s13+$0xFFFFFFB0]  }
0x1d5: {  	v2 =	vld [tilespmem:s13+$0xFFFFFFC0];
	v3, _, _ =	vpop (xrf2)  }
0x1d6: {  	v4 =	vld [tilespmem:s13+$0xFFFFFFE0];
	v3 =	vbroadcast v3, $0xF  }
0x1d7: {  	v5 =	vld [tilespmem:s13+$0x0]  }
0x1d8: {  	v6 =	vld [tilespmem:s13+$0xFFFFFF80];
	(erf) = vrcp.f32 v3  }
0x1d9: {  	v49 =	vld [tilespmem:s13+$0x30]  }
0x1da: {  	v7 =	vld [tilespmem:s13+$0x40]  }
0x1db: {  	v8 =	vld [tilespmem:s13+$0x50]  }
0x1dc: {  	v9 =	vld [tilespmem:s13+$0x60]  }
0x1dd: {  	v10 =	vld [tilespmem:s13+$0x20]  }
0x1de: {  	v11 =	vld [tilespmem:s13+$0x10]  }
0x1df: {  	v12 =	vld [tilespmem:s13+$0xFFFFFFF0]  }
0x1e0: {  	v13 =	vld [tilespmem:s13+$0xFFFFFFD0];
	v14 =	vunpack.i.l.bf16.f32 v49  }
0x1e1: {  	v15 =	vld [tilespmem:s13+$0xFFFFFFA0];
	v16 =	vunpack.i.l.bf16.f32 v7;
	v17 =	vunpack.i.l.bf16.f32 v8;
	v18 =	vunpack.i.l.bf16.f32 v9;
	v19 =	vpop (erf)  }
0x1e2: {  	v20 =	vld [tilespmem:s13+$0xFFFFFF90];
	v50 =	vunpack.i.u.bf16.f32 v6;
	v21 =	vunpack.i.u.bf16.f32 v10;
	v0 =	vmul.f32 v19, v0  }
0x1e3: {  	v6 =	vunpack.i.l.bf16.f32 v6;
	v22 =	vunpack.i.u.bf16.f32 v5;
	v23 =	vunpack.i.u.bf16.f32 v11  }
0x1e4: {  	v25 =	vunpack.i.u.bf16.f32 v4;
	v26 =	vunpack.i.u.bf16.f32 v12;
	v24 =	vbroadcast v0, $0x0  }
0x1e5: {  	v27 =	vunpack.i.u.bf16.f32 v1;
	v28 =	vunpack.i.u.bf16.f32 v2;
	v29 =	vunpack.i.u.bf16.f32 v13  }
0x1e6: {  	v31 =	vunpack.i.u.bf16.f32 v15;
	v30 =	vbroadcast v0, $0x1;
	v19 =	vmul.f32 v24, v50  }
0x1e7: {  	v51 =	vunpack.i.u.bf16.f32 v20;
	v20 =	vunpack.i.l.bf16.f32 v20;
	v6 =	vmul.f32 v24, v6  }
0x1e8: {  	v32 =	vbroadcast v0, $0x2;
	v24 =	vmul.f32 v30, v51;
	v19 =	vadd.f32 $0.0e+00, v19  }
0x1e9: {  	v15 =	vunpack.i.l.bf16.f32 v15;
	v20 =	vmul.f32 v20, v30;
	v6 =	vadd.f32 $0.0e+00, v6  }
0x1ea: {  	v53 =	vbroadcast v0, $0x3;
	v52 =	vmul.f32 v31, v32;
	v19 =	vadd.f32 v19, v24  }
0x1eb: {  	v1 =	vunpack.i.l.bf16.f32 v1;
	v15 =	vmul.f32 v15, v32;
	v6 =	vadd.f32 v6, v20  }
0x1ec: {  	v55 =	vbroadcast v0, $0x4;
	v54 =	vmul.f32 v27, v53;
	v19 =	vadd.f32 v52, v19  }
0x1ed: {  	v2 =	vunpack.i.l.bf16.f32 v2;
	v1 =	vmul.f32 v1, v53;
	v6 =	vadd.f32 v15, v6  }
0x1ee: {  	v58 =	vbroadcast v0, $0x5;
	v57 =	vmul.f32 v28, v55;
	v56 =	vadd.f32 v54, v19  }
0x1ef: {  	v59 =	vunpack.i.l.bf16.f32 v13;
	v2 =	vmul.f32 v2, v55;
	v1 =	vadd.f32 v1, v6  }
0x1f0: {  	v62 =	vbroadcast v0, $0x6;
	v61 =	vmul.f32 v29, v58;
	v60 =	vadd.f32 v57, v56  }
0x1f1: {  	v4 =	vunpack.i.l.bf16.f32 v4;
	v63 =	vmul.f32 v59, v58;
	v1 =	vadd.f32 v2, v1  }
0x1f2: {  	v24 =	vmul.f32 v25, v62;
	v25 =	vbroadcast v0, $0x7;
	v20 =	vadd.f32 v61, v60  }
0x1f3: {  	v27 =	vmul.f32 v4, v62;
	v28 =	vunpack.i.l.bf16.f32 v12;
	v1 =	vadd.f32 v63, v1  }
0x1f4: {  	v30 =	vbroadcast v0, $0x8;
	v29 =	vmul.f32 v26, v25;
	v6 =	vadd.f32 v24, v20  }
0x1f5: {  	v35 =	vbroadcast v0, $0x9;
	v31 =	vmul.f32 v28, v25;
	v1 =	vadd.f32 v27, v1  }
0x1f6: {  	v32 =	vunpack.i.l.bf16.f32 v5;
	v34 =	vmul.f32 v22, v30;
	v33 =	vadd.f32 v29, v6  }
0x1f7: {  	v37 =	vunpack.i.l.bf16.f32 v11;
	v36 =	vmul.f32 v32, v30;
	v1 =	vadd.f32 v31, v1  }
0x1f8: {  	v39 =	vbroadcast v0, $0xA;
	v38 =	vmul.f32 v23, v35;
	v5 =	vadd.f32 v34, v33  }
0x1f9: {  	v41 =	vunpack.i.l.bf16.f32 v10;
	v40 =	vmul.f32 v37, v35;
	v1 =	vadd.f32 v36, v1  }
0x1fa: {  	v43 =	vbroadcast v0, $0xB;
	v42 =	vmul.f32 v21, v39;
	v5 =	vadd.f32 v38, v5  }
0x1fb: {  	v3 =	vunpack.i.u.bf16.f32 v49;
	v44 =	vmul.f32 v41, v39;
	v1 =	vadd.f32 v40, v1  }
0x1fc: {  	v46 =	vbroadcast v0, $0xC;
	v3 =	vmul.f32 v3, v43;
	v45 =	vadd.f32 v42, v5  }
0x1fd: {  	v48 =	vunpack.i.u.bf16.f32 v7;
	v47 =	vmul.f32 v14, v43;
	v1 =	vadd.f32 v44, v1  }
0x1fe: {  	v49 =	vld [tilespmem:s13+$0x70];
	v50 =	vmul.f32 v48, v46;
	v51 =	vbroadcast v0, $0xD;
	v3 =	vadd.f32 v3, v45  }
0x1ff: {  	v53 =	vunpack.i.u.bf16.f32 v8;
	v52 =	vmul.f32 v16, v46;
	v1 =	vadd.f32 v47, v1  }
0x200: {  	v55 =	vbroadcast v0, $0xE;
	v54 =	vmul.f32 v53, v51;
	v3 =	vadd.f32 v50, v3  }
0x201: {  	v56 =	vmul.f32 v17, v51;
	v57 =	vunpack.i.u.bf16.f32 v9;
	v1 =	vadd.f32 v52, v1  }
0x202: {  	v0 =	vbroadcast v0, $0xF;
	v58 =	vmul.f32 v57, v55;
	v3 =	vadd.f32 v54, v3  }
0x203: {  	v59 =	vmul.f32 v18, v55;
	v60 =	vunpack.i.u.bf16.f32 v49;
	v1 =	vadd.f32 v56, v1  }
0x204: {  	v61 =	vunpack.i.l.bf16.f32 v49;
	v62 =	vmul.f32 v60, v0;
	v3 =	vadd.f32 v58, v3  }
0x205: {  	v0 =	vmul.f32 v61, v0;
	v1 =	vadd.f32 v59, v1  }
0x206: {  	v63 =	vadd.f32 v62, v3  }
0x207: {  	s16 =	sadd.s32 $0x20, s15;
	s1 =	sshll.u32 s1, $0x2;
	s0 =	sadd.s32 $0x1, s0;
	v0 =	vadd.f32 v0, v1  }
0x208: {  	s1 =	sand.u32 $0x1FFFFF00, s1;
	p0 =	sne.s32 s0, $0x10;
	[tilespmem:s16+$0x0] =	vst v63  }
.Ltmp7:
0x209: {  	s1 =	sadd.s32 s5, s1;
	[tilespmem:s16+$0xFFFFFFF0] =	vst v0;
	(pc) =	sbr.rel @p0 .LBB2_6-.Ltmp7, $4  }
0x20a: {  	[hbm4b:s1+s2] =	stream.linear.scatter [tilespmem:s25], [sflag:$0x3], $0x800, $0x38;
	[tilespmem:$0xC800] =	vst v63  }
0x20b: {  	_ =	swait.ge [sflag:s14], $0x800  }
0x20c: {  	[sflag:s14] =	ssyncset.done $0x0  }
0x20d: {  	s31 =	sadd.s32 $0x80, s31;
	s30 =	sadd.s32 $0x200, s30;
	[sflag:s14] =	ssyncadd.s32 $0xFFFFF800  }
0x20e: {  	s28 =	sadd.s32 $0x1, s28;
	s0 =	rddreg [dreg:$0x6]  }
0x20f: {  	p0 =	sne.s32 s28, s0  }
.Ltmp8:
0x210: {  	_ = 	snop;
	(pc) =	sbr.rel @p0 .LBB2_1-.Ltmp8, $1  }
0x211: {  	_ =	sdelay $0x3  }
0x212: {  	_ =	sfence.sel $0x180000  }
0x213: {  	[bflag:$0x0] =	sbarrier.arrive $0xFFFF  }
0x214: {  	_ =	strace $0x9000004D  }
0x215: {  	s0 =	stileid.u32;
	[bflag:$0x2] =	sbarrier.arrive $0xFFFF  }
0x216: {  	p0 =	sne.s32 s0, $0x0;
	s0 =	rddreg [dreg:$0x1]  }
0x217: {  	s0 =	sadd.s32 @!p0 $0x100000, s0  }
0x218: {  	[sflag:s0] =	ssyncadd.tile.s32 @!p0 $0x1;
	_ =	shalt  }
.Lfunc_end2:
_tile_overlayer_lowered:
.L_overlay_start_2:
0x219: {  	(tag) =	ssettag $0x2  }
0x21a: {  	s0 =	rddreg [dreg:$0x0];
	s2 =	stileid.u32  }
0x21b: {  	s1 =	rddreg [dreg:$0x1];
	p0 =	sne.s32 s2, $0x0  }
0x21c: {  	s3 =	rddreg [dreg:$0x2];
	[bflag:$0x3] =	sbarrier.arrive $0xFFFF;
	s2 =	simm.s32 @!p0 $0x1C03  }
0x21d: {  	[timem:s3], [sflag:s2] =	dma.local @!p0 [hbm:s0], s1  }
0x21e: {  	s0 =	simm.s32 @!p0 $0x3  }
0x21f: {  	_ =	swait.ge @!p0 [sflag:s0], s1  }
0x220: {  	s1 =	ssub.s32 @!p0 $0x0, s1;
	[sflag:s0] =	ssyncset.done @!p0 $0x0  }
0x221: {  	[sflag:s0] =	ssyncadd.s32 @!p0 s1  }
0x222: {  	[bflag:$0x3] =	sbarrier.arrive $0xFFFF  }
0x223: {  	_ =	shalt  }

// kernel: kernel.9.cloned.1.call-start
scs
__scs_entry_jumppad:
0x0: {  	(pc) =	sbr.rel $0x88, $3  }
0x1: {  	(tag) =	ssettag $0x0;
	lr =	simm.s32 $0x1  }
0x2: {  	[smem:$0x3F99] =	sst lr;
	_ =	strace $0xD0000000  }
0x3: {  	_ = 	snop  }
0x4: {  	_ = 	snop  }
0x5: {  	_ = 	snop  }
0x6: {  	_ = 	snop  }
0x7: {  	_ = 	snop  }
__scs_overlays_trampoline_lowered:
0x8: {  	[smem:$0x3FA8] =	sst s0  }
0x9: {  	[smem:$0x3FA9] =	sst s1  }
0xa: {  	[smem:$0x3FAA] =	sst s2  }
0xb: {  	[smem:$0x3FAB] =	sst s3  }
0xc: {  	[smem:$0x3FAC] =	sst s4  }
0xd: {  	[smem:$0x3FAD] =	sst s5  }
0xe: {  	[smem:$0x3FAE] =	sst s6  }
0xf: {  	[smem:$0x3FAF] =	sst s7  }
0x10: {  	[smem:$0x3FB0] =	sst s8  }
0x11: {  	[smem:$0x3FB1] =	sst s9;
	s0 =	simm.s32 @!p0 $0x0  }
0x12: {  	s1 =	sld [smem:$0x3F97];
	s0 =	simm.s32 @p0 $0x1  }
0x13: {  	[smem:$0x3FB2] =	sst s0;
	s0 =	simm.s32 @!p1 $0x0  }
0x14: {  	s2 =	sld [smem:$0x3F96];
	s0 =	simm.s32 @p1 $0x1  }
0x15: {  	[smem:$0x3FB3] =	sst s0;
	s0 =	simm.s32 @!p2 $0x0  }
0x16: {  	s3 =	sld [smem:$0x3FDB];
	s0 =	simm.s32 @p2 $0x1  }
0x17: {  	s4 =	simm.s32 $0x1BF5;
	[smem:$0x3FB5] =	sst s0  }
0x18: {  	s0 =	sld [smem:$0x3F98];
	_ =	swait.ge [sflag:s4], $0x0  }
0x19: {  	s7 =	sld [smem:$0x3F99]  }
0x1a: {  	s8 =	sadd.s32 $0xFFFFE003, lr  }
0x1b: {  	s9 =	sadd.s32 $0xFFFFFEF7, lr;
	s5 =	simm.s32 $0xFFFFFFFF;
	p2 =	slt.u32 s8, $0xFFFFF086  }
0x1c: {  	p1 =	slt.u32 s9, $0xF7A;
	s5 =	simm.s32 @!p2 $0x0  }
0x1d: {  	s5 =	simm.s32 @p1 $0x1;
	p0 =	seq.s32 s7, s2  }
0x1e: {  	s7 =	smul.u32 @!p0 $0xF7A, s2;
	p2 =	seq.s32 @!p0 s5, $0x0  }
0x1f: {  	s9 =	smul.u32 $0xF7A, s1;
	s8 =	simm.s32 @!p0 $0x1BF5;
	p2 =	por !p2, p0  }
0x20: {  	[sflag:s8] =	ssyncset.s32 @!p0 $0xFFFFF086;
	s6 =	sadd.s32 @!p0 s3, s7;
	s7 =	simm.s32 @!p0 $0x108  }
0x21: {  	s3 =	sadd.s32 s3, s9;
	s6 =	sadd.s32 @!p0 $0x88, s6;
	s7 =	simm.s32 @p2 $0x1082  }
0x22: {  	[simem:s7], [sflag:s8] =	dma.local @!p0 [hbm:s6], $0xF7A  }
0x23: {  	s9 =	sor.u32 $0xD0000000, s2;
	s6 =	simm.s32 $0x108;
	_ =	swait.ge @!p0 [sflag:s8], $0x0  }
0x24: {  	s3 =	sadd.s32 $0x88, s3;
	s6 =	simm.s32 @!p1 $0x1082;
	[sflag:s4] =	ssyncset.s32 $0xFFFFF086  }
0x25: {  	[simem:s6], [sflag:s4] =	dma.local [hbm:s3], $0xF7A  }
0x26: {  	[smem:$0x3F99] =	sst s1;
	(tag) =	ssettag s2;
	_ =	strace s9  }
0x27: {  	s1 =	sld [smem:$0x3FA9]  }
0x28: {  	s2 =	sld [smem:$0x3FAA]  }
0x29: {  	s4 =	sld [smem:$0x3FAC]  }
0x2a: {  	p0 =	seq.s32 s5, $0x0;
	s5 =	sld [smem:$0x3FAD]  }
0x2b: {  	s6 =	sld [smem:$0x3FAE]  }
0x2c: {  	s7 =	sld [smem:$0x3FAF]  }
0x2d: {  	s3 =	simm.s32 $0x108;
	s8 =	sld [smem:$0x3FB0]  }
0x2e: {  	s3 =	simm.s32 @!p0 $0x1082;
	s9 =	sld [smem:$0x3FB1]  }
0x2f: {  	lr =	sadd.s32 s0, s3;
	s0 =	sld [smem:$0x3FA8]  }
0x30: {  	s3 =	sld [smem:$0x3FAB]  }
0x31: {  	[smem:$0x3FB4] =	sst s10  }
0x32: {  	s10 =	sld [smem:$0x3FB2];
	_ =	sdelay $0x3  }
0x33: {  	p0 =	seq.s32 s10, $0x1;
	s10 =	sld [smem:$0x3FB4];
	_ =	sdelay $0x3  }
0x34: {  	[smem:$0x3FB4] =	sst s10  }
0x35: {  	s10 =	sld [smem:$0x3FB3];
	_ =	sdelay $0x3  }
0x36: {  	p1 =	seq.s32 s10, $0x1;
	s10 =	sld [smem:$0x3FB4];
	_ =	sdelay $0x3  }
0x37: {  	[smem:$0x3FB4] =	sst s10  }
0x38: {  	s10 =	sld [smem:$0x3FB5]  }
0x39: {  	_ = 	snop;
	(pc) =	sbr.ind lr, $3  }
0x3a: {  	_ = 	snop  }
0x3b: {  	_ = 	snop  }
0x3c: {  	p2 =	seq.s32 s10, $0x1;
	s10 =	sld [smem:$0x3FB4]  }
0x3d: {  	_ =	shalt  }
0x3e: {  	_ =	shalt  }
0x3f: {  	_ =	shalt  }
0x40: {  	_ =	shalt  }
0x41: {  	_ =	shalt  }
0x42: {  	_ =	shalt  }
0x43: {  	_ =	shalt  }
0x44: {  	_ =	shalt  }
0x45: {  	_ =	shalt  }
0x46: {  	_ =	shalt  }
0x47: {  	_ =	shalt  }
0x48: {  	_ =	shalt  }
0x49: {  	_ =	shalt  }
0x4a: {  	_ =	shalt  }
0x4b: {  	_ =	shalt  }
0x4c: {  	_ =	shalt  }
0x4d: {  	_ =	shalt  }
0x4e: {  	_ =	shalt  }
0x4f: {  	_ =	shalt  }
0x50: {  	_ =	shalt  }
0x51: {  	_ =	shalt  }
0x52: {  	_ =	shalt  }
0x53: {  	_ =	shalt  }
0x54: {  	_ =	shalt  }
0x55: {  	_ =	shalt  }
0x56: {  	_ =	shalt  }
0x57: {  	_ =	shalt  }
0x58: {  	_ =	shalt  }
0x59: {  	_ =	shalt  }
0x5a: {  	_ =	shalt  }
0x5b: {  	_ =	shalt  }
0x5c: {  	_ =	shalt  }
0x5d: {  	_ =	shalt  }
0x5e: {  	_ =	shalt  }
0x5f: {  	_ =	shalt  }
0x60: {  	_ =	shalt  }
0x61: {  	_ =	shalt  }
0x62: {  	_ =	shalt  }
0x63: {  	_ =	shalt  }
0x64: {  	_ =	shalt  }
0x65: {  	_ =	shalt  }
0x66: {  	_ =	shalt  }
0x67: {  	_ =	shalt  }
0x68: {  	_ =	shalt  }
0x69: {  	_ =	shalt  }
0x6a: {  	_ =	shalt  }
0x6b: {  	_ =	shalt  }
0x6c: {  	_ =	shalt  }
0x6d: {  	_ =	shalt  }
0x6e: {  	_ =	shalt  }
0x6f: {  	_ =	shalt  }
0x70: {  	_ =	shalt  }
0x71: {  	_ =	shalt  }
0x72: {  	_ =	shalt  }
0x73: {  	_ =	shalt  }
0x74: {  	_ =	shalt  }
0x75: {  	_ =	shalt  }
0x76: {  	_ =	shalt  }
0x77: {  	_ =	shalt  }
0x78: {  	_ =	shalt  }
0x79: {  	_ =	shalt  }
0x7a: {  	_ =	shalt  }
0x7b: {  	_ =	shalt  }
0x7c: {  	_ =	shalt  }
0x7d: {  	_ =	shalt  }
0x7e: {  	_ =	shalt  }
0x7f: {  	_ =	shalt  }
0x80: {  	_ =	shalt  }
0x81: {  	_ =	shalt  }
0x82: {  	_ =	shalt  }
0x83: {  	_ =	shalt  }
0x84: {  	_ =	shalt  }
0x85: {  	_ =	shalt  }
0x86: {  	_ =	shalt  }
0x87: {  	_ =	shalt  }
.Lfunc_end0:
.L_simem_size_0:
called_computation_lowered:
.L_overlay_start_0:
0x88: {  	s2 =	sld [smem:$0x3FD9]  }
0x89: {  	s3 =	sld [smem:$0x3FFE];
	_ =	sdelay $0x1  }
0x8a: {  	s1 =	srdreg.scid  }
0x8b: {  	s0 =	sand.u32 $0x1, s1  }
0x8c: {  	s17 =	sshll.u32 s0, $0xA;
	s2 =	sadd.s32 s3, s2  }
0x8d: {  	s2 =	sadd.s32 s2, s17  }
0x8e: {  	[smem:$0x3FC0] =	sst s2  }
0x8f: {  	_ = 	snop  }
0x90: {  	s2 =	sld [smem:$0x3FC9]  }
0x91: {  	s18 =	sld [smem:$0x3FC8];
	(tm) =	ssettm $0x1  }
0x92: {  	s4 =	sld [smem:$0x3FFB];
	_ =	sdelay $0x3  }
0x93: {  	_ =	strace s4  }
0x94: {  	s4 =	sld [smem:$0x3FFC];
	_ =	sdelay $0x3  }
0x95: {  	_ =	strace s4  }
0x96: {  	s4 =	sld [smem:$0x3FFD];
	_ =	sdelay $0x3  }
0x97: {  	_ =	strace s4  }
0x98: {  	_ =	strace $0x8FFFFFFF  }
0x99: {  	s19 =	sld [smem:$0x3FDB];
	_ =	sdelay $0x1  }
0x9a: {  	s5 =	simm.s32 $_scs_section_size  }
0x9b: {  	s6 =	simm.s32 $_size__tile_overlayer_lowered;
	s7 =	simm.s32 $_tile_overlayer_lowered  }
0x9c: {  	s22 =	simm.s32 $0x1BFF;
	s21 =	sshll.u32 s7, $0x1;
	s4 =	sadd.s32 s5, s19  }
0x9d: {  	s8 =	simm.s32 $0x0;
	s20 =	sshll.u32 s6, $0x1;
	s6 =	sadd.s32 s21, s4  }
0x9e: {  	[timem:s8], [sflag:s22] =	dma.local [hbm:s6], s20  }
0x9f: {  	_ =	swait.ge [sflag:s22], s20  }
0xa0: {  	s5 =	ssub.s32 $0x0, s20;
	[sflag:s22] =	ssyncset.done $0x0  }
0xa1: {  	[sflag:s22] =	ssyncadd.s32 s5;
	_ =	sdelay $0x1  }
0xa2: {  	s23 =	simm.s32 $0x1B8B  }
0xa3: {  	_ =	swait.ge [sflag:s23], $0x1  }
0xa4: {  	[sflag:s23] =	ssyncset.done $0x0  }
0xa5: {  	s25 =	simm.s32 $0x1B8E;
	s24 =	sld [smem:$0x3FFE];
	[sflag:s23] =	ssyncadd.s32 $0xFFFFFFFF  }
0xa6: {  	s26 =	simm.s32 $execute0_lowered;
	[smem:$0x3FD2] =	sst s25  }
0xa7: {  	s6 =	sshll.u32 s26, $0x1;
	_ =	strace $0x80000046;
	[dreg:$0x1] =	wrdreg $0xFFFFFFFF  }
0xa8: {  	s28 =	simm.s32 $_size_execute0_lowered;
	s4 =	sadd.s32 s4, s6;
	[dreg:$0x0] =	wrdreg $0x0  }
0xa9: {  	s6 =	sshll.u32 s28, $0x1;
	[dreg:$0x2] =	wrdreg s4  }
0xaa: {  	[dreg:$0x3] =	wrdreg s6  }
0xab: {  	[dreg:$0x4] =	wrdreg $0xC0  }
0xac: {  	_ =	task [dreg:s8], $0x5FFFF  }
0xad: {  	[dreg:$0x1] =	wrdreg $0xFFFFFFFF  }
0xae: {  	[dreg:$0x0] =	wrdreg $0x60  }
0xaf: {  	[dreg:$0x2] =	wrdreg s2  }
0xb0: {  	[dreg:$0x3] =	wrdreg s18  }
0xb1: {  	[dreg:$0x4] =	wrdreg s24  }
0xb2: {  	[dreg:$0x5] =	wrdreg $0x9  }
0xb3: {  	_ =	task.clear_ibuf [dreg:s8], $0x6FFFF;
	_ =	strace $0x90000046  }
0xb4: {  	s29 =	simm.s32 $0x9;
	_ =	strace $0x80000048  }
0xb5: {  	_ =	swait.ge [sflag:s29], $0x1  }
0xb6: {  	[sflag:s29] =	ssyncadd.s32 $0xFFFFFFFF  }
0xb7: {  	_ =	strace $0x90000048  }
0xb8: {  	_ =	sfence  }
0xb9: {  	s30 =	sld [smem:$0x0];
	_ =	sdelay $0x2  }
0xba: {  	s31 =	sshll.u32 s1, $0xD;
	s1 =	sshrl.u32 s1, $0x2  }
0xbb: {  	s3 =	sand.u32 $0x4000, s31;
	s1 =	sadd.s32 s1, s30  }
0xbc: {  	s0 =	sor.u32 s3, s0;
	s1 =	sshll.u32 s1, $0x11  }
0xbd: {  	s0 =	sor.u32 s1, s0  }
0xbe: {  	s0 =	sadd.s32 $0x8F2B, s0  }
0xbf: {  	[sflag:s0] =	ssyncadd.remote.s32 $0x1  }
0xc0: {  	_ =	sfence.sel $0xFFFF  }
0xc1: {  	[dreg:$0x0] =	wrdreg $0xFFFFFFFF;
	(pc) =	sbr.abs _section_cstart, $3  }
0xc2: {  	[dreg:$0x1] =	wrdreg $0xFFFFFFFF  }
0xc3: {  	_ =	task.clear_ibuf [dreg:s8], $0x2FFFF;
	_ =	strace $0x9FFFFFFF  }
0xc4: {  	(tm) =	ssettm $0x7FFFFFFF  }
0xc5: {  	_ =	shalt  }
tec
execute0_lowered:
.L_overlay_start_1:
0x0: {  	(tag) =	ssettag $0x1  }
0x1: {  	s3 =	rddreg [dreg:$0x0];
	s1 =	srdreg.scid  }
0x2: {  	s4 =	rddreg [dreg:$0x1];
	s0 =	stileid.u32;
	s5 =	sand.u32 $0x1, s1  }
0x3: {  	s6 =	rddreg [dreg:$0x2];
	s7 =	sshll.u32 s0, $0x8;
	s8 =	sshll.u32 s5, $0x7  }
0x4: {  	s2 =	simm.s32 $0x0;
	s1 =	rddreg [dreg:$0x3];
	s7 =	sor.u32 s8, s7  }
0x5: {  	[smem:$0x7FF] =	sst s2;
	s9 =	sshrl.u32 s7, $0x3  }
0x6: {  	_ =	strace $0x80000047;
	s8 =	sadd.s32 s3, s9;
	s3 =	simm.s32 $0x2  }
0x7: {  	[tilespmem:s2], [sflag:$0x2] =	stream.linear.gather [hbm4b:s8+s2], $0x80, $0x38;
	[tilespmem:$0x1A80] =	vst v63  }
0x8: {  	_ =	swait.ge [sflag:s3], $0x80  }
0x9: {  	[sflag:s3] =	ssyncset.done $0x0  }
0xa: {  	s10 =	sadd.s32 s4, s9;
	s4 =	simm.s32 $0x80;
	[sflag:s3] =	ssyncadd.s32 $0xFFFFFF80  }
0xb: {  	[tilespmem:s4], [sflag:$0x2] =	stream.linear.gather [hbm4b:s10+s2], $0x80, $0x38;
	[tilespmem:$0x1A80] =	vst v63  }
0xc: {  	_ =	swait.ge [sflag:s3], $0x80  }
0xd: {  	[sflag:s3] =	ssyncset.done $0x0  }
0xe: {  	[sflag:s3] =	ssyncadd.s32 $0xFFFFFF80  }
0xf: {  	v0 =	vld [tilespmem:$0xF0]  }
0x10: {  	v1 =	vld [tilespmem:$0xB0]  }
0x11: {  	v2 =	vld [tilespmem:$0x70]  }
0x12: {  	v3 =	vld [tilespmem:$0xB0]  }
0x13: {  	v4 =	vld [tilespmem:$0xE0]  }
0x14: {  	v7 =	vld [tilespmem:$0x0]  }
0x15: {  	v12 =	vld [tilespmem:$0x40]  }
0x16: {  	v5 =	vand.u32 $0xFFFFE000, v0;
	v6 =	vshll.u32 v0, $0x3;
	v0 =	vshrl.u32 v0, $0xA  }
0x17: {  	v8 =	vshll.u32 v1, $0x3;
	v9 =	vand.u32 $0xFFFFE000, v2;
	v10 =	vshll.u32 v2, $0x3  }
0x18: {  	v11 =	vand.u32 $0xFFFFE000, v1;
	v2 =	vshrl.u32 v2, $0xA;
	v1 =	vshrl.u32 v1, $0xA  }
0x19: {  	v13 =	vld [tilespmem:$0x20];
	v15 =	vshll.u32 v7, $0x3;
	v16 =	vshrl.u32 v3, $0xA;
	v18 =	vshll.u32 v3, $0x3  }
0x1a: {  	v19 =	vand.u32 $0xFFFFE000, v4;
	v20 =	vand.u32 $0xFFFFE000, v7;
	v21 =	vand.u32 $0xFFFFE000, v12  }
0x1b: {  	v22 =	vand.u32 $0xFFFFE000, v3;
	v7 =	vshrl.u32 v7, $0xA;
	v6 =	vand.u32 $0x1FF8, v6  }
0x1c: {  	v17 =	vld [tilespmem:$0x10];
	v0 =	vand.u32 $0x7, v0;
	v8 =	vand.u32 $0x1FF8, v8;
	v10 =	vand.u32 $0x1FF8, v10  }
0x1d: {  	v1 =	vand.u32 $0x7, v1;
	v14 =	vand.u32 $0x7, v2;
	v3 =	vand.u32 $0x1FF8, v15  }
0x1e: {  	v15 =	vshll.u32 v13, $0x3;
	v5 =	vor.u32 v5, v6;
	v2 =	vor.u32 v11, v8  }
0x1f: {  	v8 =	vshll.u32 v4, $0x3;
	v4 =	vshrl.u32 v4, $0xA;
	v3 =	vor.u32 v20, v3  }
0x20: {  	v15 =	vand.u32 $0x1FF8, v15;
	v8 =	vand.u32 $0x1FF8, v8;
	v5 =	vor.u32 v0, v5  }
0x21: {  	v6 =	vld [tilespmem:$0x50];
	v24 =	vor.u32 v1, v2;
	v25 =	vand.u32 $0x7, v4;
	v0 =	vshll.u32 v17, $0x3  }
0x22: {  	v11 =	vld [tilespmem:$0x30];
	v1 =	vshrl.u32 v17, $0xA;
	v2 =	vand.u32 $0xFFFFE000, v17;
	v17 =	vshrl.u32 v12, $0xA  }
0x23: {  	v0 =	vand.u32 $0x1FF8, v0;
	v1 =	vand.u32 $0x7, v1;
	v8 =	vor.u32 v19, v8  }
0x24: {  	[tilespmem:$0x270] =	vst v5;
	v5 =	vand.u32 $0x1FF8, v18;
	v2 =	vor.u32 v2, v0;
	v0 =	vand.u32 $0x7, v17  }
0x25: {  	v5 =	vor.u32 v22, v5;
	v17 =	vor.u32 v1, v2;
	v1 =	vshrl.u32 v13, $0xA  }
0x26: {  	v2 =	vand.u32 $0x7, v7;
	v7 =	vshll.u32 v12, $0x3;
	v20 =	vshrl.u32 v6, $0xA  }
0x27: {  	v23 =	vand.u32 $0xFFFFE000, v11;
	v4 =	vand.u32 $0xFFFFE000, v6;
	v6 =	vshll.u32 v6, $0x3  }
0x28: {  	v26 =	vshll.u32 v11, $0x3;
	v12 =	vor.u32 v2, v3;
	v2 =	vand.u32 $0x7, v1  }
0x29: {  	v27 =	vld [tilespmem:$0xA0];
	v1 =	vshrl.u32 v11, $0xA;
	v3 =	vand.u32 $0x1FF8, v7;
	v11 =	vand.u32 $0x1FF8, v26  }
0x2a: {  	s5 =	ssub.s32 $0x2, s5;
	v1 =	vand.u32 $0x7, v1;
	v3 =	vor.u32 v21, v3;
	v6 =	vand.u32 $0x1FF8, v6  }
0x2b: {  	s31 =	sshrl.u32 s5, $0x1;
	v7 =	vld [tilespmem:$0x90];
	v21 =	vor.u32 v25, v8;
	v8 =	vand.u32 $0xFFFFE000, v13;
	v13 =	vand.u32 $0x7, v16  }
0x2c: {  	s13 =	ssub.s32 s5, s31;
	v11 =	vor.u32 v23, v11;
	v4 =	vor.u32 v4, v6;
	v6 =	vand.u32 $0x7, v20;
	v20 =	vld [tilespmem:$0x60]  }
0x2d: {  	s19 =	smax.u32 s13, $0x1;
	[tilespmem:$0x1B0] =	vst v24;
	v16 =	vor.u32 v9, v10;
	v1 =	vor.u32 v1, v11;
	v11 =	vor.u32 v6, v4;
	v4 =	vld [tilespmem:$0x80]  }
0x2e: {  	s16 =	simm.s32 $0x180;
	s18 =	simm.s32 $0x200;
	p0 =	sne.s32 s19, $0x1;
	[tilespmem:$0x110] =	vst v17;
	v9 =	vand.u32 $0xFFFFE000, v27;
	v5 =	vor.u32 v13, v5;
	v10 =	vor.u32 v8, v15  }
.Ltmp0:
0x2f: {  	s7 =	sshll.u32 s7, $0x1;
	s9 =	sadd.s32 $0x222600, s6;
	[tilespmem:$0x100] =	vst v12;
	v15 =	vor.u32 v14, v16;
	v13 =	vshll.u32 v27, $0x3;
	v6 =	vshrl.u32 v27, $0xA;
	(pc) =	sbr.rel @!p0 .LBB2_2-.Ltmp0, $4  }
0x30: {  	s14 =	simm.s32 $0x1280;
	s11 =	sadd.s32 s7, s6;
	s13 =	simm.s32 $0xA80;
	v12 =	vld [tilespmem:$0xF0];
	[tilespmem:$0x230] =	vst v5;
	v14 =	vshrl.u32 v7, $0xA;
	v16 =	vand.u32 $0xFFFFE000, v7;
	v19 =	vshll.u32 v7, $0x3  }
0x31: {  	s12 =	sadd.s32 $0x2600, s6;
	s7 =	sadd.s32 $0x442600, s11;
	[tilespmem:$0x150] =	vst v11;
	v11 =	vld [tilespmem:$0xD0];
	v8 =	vshll.u32 v20, $0x3;
	v22 =	vshrl.u32 v20, $0xA;
	v18 =	vand.u32 $0xFFFFE000, v20  }
0x32: {  	s15 =	simm.s32 $0x100;
	s17 =	simm.s32 $0x1;
	s5 =	sadd.s32 $0x444600, s11;
	[tilespmem:$0x170] =	vst v15;
	v17 =	vand.u32 $0x1FF8, v8;
	v5 =	vshll.u32 v4, $0x3;
	v8 =	vld [tilespmem:$0xE0];
	v15 =	vshrl.u32 v4, $0xA  }
0x33: {  	s6 =	sadd.s32 $0x446600, s11;
	s11 =	simm.s32 $0x280;
	s19 =	sadd.s32 $0xFFFFFFFF, s19;
	[tilespmem:$0x260] =	vst v21;
	v20 =	vand.u32 $0x7, v22;
	v7 =	vand.u32 $0x1FF8, v5;
	v5 =	vand.u32 $0x7, v15;
	v15 =	vld [tilespmem:$0xC0]  }
.LBB2_1:
0x34: {  	p0 =	sne.s32 s19, $0x1;
	s19 =	sadd.s32 $0xFFFFFFFF, s19;
	v17 =	vor.u32 v18, v17;
	v18 =	vand.u32 $0x1FF8, v19;
	v13 =	vand.u32 $0x1FF8, v13  }
0x35: {  	v4 =	vand.u32 $0xFFFFE000, v4;
	v17 =	vor.u32 v20, v17;
	v16 =	vor.u32 v16, v18  }
0x36: {  	v14 =	vand.u32 $0x7, v14;
	v6 =	vand.u32 $0x7, v6;
	[tilespmem:$0x160] =	vst v17;
	v17 =	vshrl.u32 v12, $0xA  }
0x37: {  	v9 =	vor.u32 v9, v13;
	v13 =	vand.u32 $0xFFFFE000, v12;
	v14 =	vor.u32 v14, v16  }
0x38: {  	v2 =	vor.u32 v2, v10;
	v0 =	vor.u32 v0, v3;
	v3 =	vand.u32 $0x7, v17  }
0x39: {  	v12 =	vshll.u32 v12, $0x3;
	v10 =	vshll.u32 v15, $0x3;
	[tilespmem:$0x130] =	vst v1;
	v1 =	vand.u32 $0xFFFFE000, v15;
	v16 =	vld [tilespmem:$0xC0]  }
0x3a: {  	[tilespmem:$0x140] =	vst v0;
	v0 =	vand.u32 $0x1FF8, v10;
	v10 =	vshrl.u32 v15, $0xA;
	v15 =	vshrl.u32 v8, $0xA;
	v17 =	vld [tilespmem:$0xA0]  }
0x3b: {  	[tilespmem:$0x120] =	vst v2;
	v0 =	vor.u32 v1, v0;
	v1 =	vshrl.u32 v11, $0xA;
	v2 =	vand.u32 $0x7, v15;
	v15 =	vld [tilespmem:$0x90]  }
0x3c: {  	v19 =	vand.u32 $0xFFFFE000, v8;
	v18 =	vshll.u32 v11, $0x3;
	v8 =	vshll.u32 v8, $0x3;
	v20 =	vld [tilespmem:$0x80]  }
0x3d: {  	v10 =	vand.u32 $0x7, v10;
	v11 =	vand.u32 $0xFFFFE000, v11;
	v8 =	vand.u32 $0x1FF8, v8  }
0x3e: {  	v12 =	vand.u32 $0x1FF8, v12;
	v18 =	vand.u32 $0x1FF8, v18;
	v21 =	vshrl.u32 v16, $0xA  }
0x3f: {  	v11 =	vor.u32 v11, v18;
	v1 =	vand.u32 $0x7, v1;
	v18 =	vand.u32 $0xFFFFE000, v16  }
0x40: {  	v6 =	vor.u32 v6, v9;
	v9 =	vor.u32 v13, v12;
	v1 =	vor.u32 v1, v11  }
0x41: {  	v4 =	vor.u32 v4, v7;
	v7 =	vand.u32 $0x7, v21;
	[tilespmem:$0x1A0] =	vst v6;
	v6 =	vor.u32 v19, v8  }
0x42: {  	v4 =	vor.u32 v5, v4;
	v5 =	vshll.u32 v20, $0x3;
	v8 =	vshrl.u32 v17, $0xA;
	[tilespmem:$0x190] =	vst v14  }
0x43: {  	v5 =	vand.u32 $0x1FF8, v5;
	[tilespmem:$0x1D0] =	vst v1;
	v1 =	vor.u32 v2, v6;
	v2 =	vand.u32 $0xFFFFE000, v20  }
0x44: {  	[tilespmem:$0x180] =	vst v4;
	v2 =	vor.u32 v2, v5;
	v4 =	vshrl.u32 v20, $0xA;
	v5 =	vand.u32 $0x7, v8;
	v6 =	vld [tilespmem:$0xD0]  }
0x45: {  	v11 =	vshll.u32 v16, $0x3;
	v8 =	vshrl.u32 v15, $0xA;
	v4 =	vand.u32 $0x7, v4  }
0x46: {  	v12 =	vshll.u32 v17, $0x3;
	v2 =	vor.u32 v4, v2;
	v4 =	vand.u32 $0xFFFFE000, v17  }
0x47: {  	v11 =	vand.u32 $0x1FF8, v11;
	v12 =	vand.u32 $0x1FF8, v12;
	[tilespmem:$0x200] =	vst v2;
	v2 =	vshll.u32 v15, $0x3  }
0x48: {  	v11 =	vor.u32 v18, v11;
	v4 =	vor.u32 v4, v12;
	v2 =	vand.u32 $0x1FF8, v2  }
0x49: {  	v8 =	vand.u32 $0x7, v8;
	v12 =	vand.u32 $0xFFFFE000, v15;
	v13 =	vshrl.u32 v6, $0xA  }
0x4a: {  	v3 =	vor.u32 v3, v9;
	v4 =	vor.u32 v5, v4;
	v2 =	vor.u32 v12, v2  }
0x4b: {  	v0 =	vor.u32 v10, v0;
	[tilespmem:$0x1E0] =	vst v1;
	v1 =	vor.u32 v8, v2;
	v2 =	vshll.u32 v6, $0x3  }
0x4c: {  	v5 =	vand.u32 $0x7, v13;
	[tilespmem:$0x220] =	vst v4;
	v4 =	vand.u32 $0xFFFFE000, v6;
	v2 =	vand.u32 $0x1FF8, v2  }
0x4d: {  	[tilespmem:$0x1C0] =	vst v0;
	v0 =	vor.u32 v7, v11;
	v2 =	vor.u32 v4, v2  }
0x4e: {  	[tilespmem:$0x240] =	vst v0;
	v0 =	vor.u32 v5, v2  }
0x4f: {  	[tilespmem:$0x210] =	vst v1  }
0x50: {  	[tilespmem:$0x250] =	vst v0  }
0x51: {  	[tilespmem:$0x1F0] =	vst v3  }
0x52: {  	[tilespmem:s11], [sflag:$0x1] =	stream.indirect.gather [hbm4b:s12+s4], $0x10, s15, s4, $0xb8;
	[tilespmem:$0x1A80] =	vst v63  }
0x53: {  	_ = 	snop  }
0x54: {  	[tilespmem:s13], [sflag:$0x1] =	stream.indirect.gather [hbm4b:s12+s4], $0x10, s16, s4, $0xb8;
	[tilespmem:$0x1A80] =	vst v63  }
0x55: {  	_ = 	snop  }
0x56: {  	[tilespmem:s14], [sflag:$0x1] =	stream.indirect.gather [hbm4b:s9+s4], $0x10, s18, s4, $0xb8;
	[tilespmem:$0x1A80] =	vst v63  }
0x57: {  	_ =	swait.ge [sflag:s17], $0x800  }
0x58: {  	[sflag:s17] =	ssyncset.done $0x0  }
0x59: {  	[sflag:s17] =	ssyncadd.s32 $0xFFFFF800  }
0x5a: {  	_ =	swait.ge [sflag:s17], $0x800  }
0x5b: {  	[sflag:s17] =	ssyncset.done $0x0  }
0x5c: {  	[sflag:s17] =	ssyncadd.s32 $0xFFFFF800  }
0x5d: {  	_ =	swait.ge [sflag:s17], $0x800  }
0x5e: {  	[sflag:s17] =	ssyncset.done $0x0  }
0x5f: {  	[sflag:s17] =	ssyncadd.s32 $0xFFFFF800  }
0x60: {  	[hbm4b:s7+s2] =	stream.linear.scatter [tilespmem:s11], [sflag:$0x2], $0x800, $0x38;
	[tilespmem:$0x1A80] =	vst v63  }
0x61: {  	_ =	swait.ge [sflag:s3], $0x800  }
0x62: {  	[sflag:s3] =	ssyncset.done $0x0  }
0x63: {  	[sflag:s3] =	ssyncadd.s32 $0xFFFFF800  }
0x64: {  	[hbm4b:s5+s2] =	stream.linear.scatter [tilespmem:s13], [sflag:$0x2], $0x800, $0x38;
	[tilespmem:$0x1A80] =	vst v63  }
0x65: {  	_ =	swait.ge [sflag:s3], $0x800  }
0x66: {  	[sflag:s3] =	ssyncset.done $0x0  }
0x67: {  	[sflag:s3] =	ssyncadd.s32 $0xFFFFF800  }
0x68: {  	[hbm4b:s6+s2] =	stream.linear.scatter [tilespmem:s14], [sflag:$0x2], $0x800, $0x38;
	[tilespmem:$0x1A80] =	vst v63  }
0x69: {  	_ =	swait.ge [sflag:s3], $0x800  }
0x6a: {  	[sflag:s3] =	ssyncset.done $0x0  }
0x6b: {  	[sflag:s3] =	ssyncadd.s32 $0xFFFFF800  }
0x6c: {  	[tilespmem:s2], [sflag:$0x2] =	stream.linear.gather [hbm4b:s8+s2], $0x80, $0x38;
	[tilespmem:$0x1A80] =	vst v63  }
0x6d: {  	_ =	swait.ge [sflag:s3], $0x80  }
0x6e: {  	[sflag:s3] =	ssyncset.done $0x0  }
0x6f: {  	[sflag:s3] =	ssyncadd.s32 $0xFFFFFF80  }
0x70: {  	[tilespmem:s4], [sflag:$0x2] =	stream.linear.gather [hbm4b:s10+s2], $0x80, $0x38;
	[tilespmem:$0x1A80] =	vst v63  }
0x71: {  	_ =	swait.ge [sflag:s3], $0x80  }
0x72: {  	[sflag:s3] =	ssyncset.done $0x0  }
0x73: {  	[sflag:s3] =	ssyncadd.s32 $0xFFFFFF80  }
0x74: {  	v0 =	vld [tilespmem:$0xF0]  }
0x75: {  	v1 =	vld [tilespmem:$0xB0]  }
0x76: {  	v2 =	vld [tilespmem:$0x70]  }
0x77: {  	v3 =	vld [tilespmem:$0xB0]  }
0x78: {  	v4 =	vld [tilespmem:$0xE0]  }
0x79: {  	v5 =	vld [tilespmem:$0x0];
	v6 =	vand.u32 $0xFFFFE000, v0;
	v7 =	vshll.u32 v0, $0x3;
	v0 =	vshrl.u32 v0, $0xA  }
0x7a: {  	v8 =	vld [tilespmem:$0x50];
	v9 =	vshll.u32 v1, $0x3;
	v7 =	vand.u32 $0x1FF8, v7;
	v0 =	vand.u32 $0x7, v0  }
0x7b: {  	v13 =	vand.u32 $0xFFFFE000, v1;
	v10 =	vld [tilespmem:$0x40];
	v11 =	vand.u32 $0xFFFFE000, v2;
	v12 =	vshll.u32 v2, $0x3  }
0x7c: {  	v1 =	vshrl.u32 v1, $0xA;
	v2 =	vshrl.u32 v2, $0xA;
	v9 =	vand.u32 $0x1FF8, v9;
	v14 =	vld [tilespmem:$0x30]  }
0x7d: {  	v1 =	vand.u32 $0x7, v1;
	v6 =	vor.u32 v6, v7;
	v12 =	vand.u32 $0x1FF8, v12;
	v15 =	vld [tilespmem:$0x20]  }
0x7e: {  	v16 =	vand.u32 $0x7, v2;
	v2 =	vor.u32 v13, v9;
	v9 =	vshll.u32 v4, $0x3;
	v7 =	vld [tilespmem:$0x10]  }
0x7f: {  	v17 =	vshrl.u32 v3, $0xA;
	v13 =	vshll.u32 v5, $0x3;
	v9 =	vand.u32 $0x1FF8, v9  }
0x80: {  	v18 =	vshll.u32 v3, $0x3;
	v19 =	vand.u32 $0xFFFFE000, v4;
	v4 =	vshrl.u32 v4, $0xA  }
0x81: {  	v22 =	vand.u32 $0xFFFFE000, v3;
	v20 =	vand.u32 $0xFFFFE000, v5;
	v21 =	vand.u32 $0xFFFFE000, v10  }
0x82: {  	v0 =	vor.u32 v0, v6;
	v3 =	vand.u32 $0x1FF8, v13;
	v13 =	vshll.u32 v15, $0x3  }
0x83: {  	v5 =	vshrl.u32 v5, $0xA;
	v6 =	vshrl.u32 v8, $0xA;
	v3 =	vor.u32 v20, v3  }
0x84: {  	v1 =	vor.u32 v1, v2;
	v23 =	vand.u32 $0x7, v4;
	v20 =	vand.u32 $0xFFFFE000, v14;
	[tilespmem:$0x270] =	vst v0  }
0x85: {  	v24 =	vand.u32 $0xFFFFE000, v8;
	v2 =	vshrl.u32 v7, $0xA;
	v0 =	vshll.u32 v7, $0x3;
	[tilespmem:$0x1B0] =	vst v1  }
0x86: {  	v13 =	vand.u32 $0x1FF8, v13;
	v0 =	vand.u32 $0x1FF8, v0;
	v1 =	vshll.u32 v8, $0x3  }
0x87: {  	v4 =	vand.u32 $0xFFFFE000, v7;
	v2 =	vand.u32 $0x7, v2;
	v7 =	vshrl.u32 v10, $0xA  }
0x88: {  	v8 =	vshll.u32 v14, $0x3;
	v4 =	vor.u32 v4, v0;
	v0 =	vand.u32 $0x7, v7  }
0x89: {  	v7 =	vshll.u32 v10, $0x3;
	v4 =	vor.u32 v2, v4;
	v2 =	vshrl.u32 v15, $0xA;
	v25 =	vld [tilespmem:$0xA0]  }
0x8a: {  	v5 =	vand.u32 $0x7, v5;
	v10 =	vshrl.u32 v14, $0xA;
	v2 =	vand.u32 $0x7, v2;
	v26 =	vld [tilespmem:$0x90]  }
0x8b: {  	v3 =	vor.u32 v5, v3;
	v5 =	vand.u32 $0x1FF8, v8;
	v7 =	vand.u32 $0x1FF8, v7;
	[tilespmem:$0x110] =	vst v4;
	v4 =	vld [tilespmem:$0x80]  }
0x8c: {  	v1 =	vand.u32 $0x1FF8, v1;
	v8 =	vand.u32 $0x7, v10;
	[tilespmem:$0x100] =	vst v3;
	v3 =	vor.u32 v21, v7;
	v7 =	vld [tilespmem:$0x60]  }
0x8d: {  	v6 =	vand.u32 $0x7, v6;
	v5 =	vor.u32 v20, v5;
	v10 =	vor.u32 v24, v1  }
0x8e: {  	v1 =	vor.u32 v8, v5;
	v5 =	vor.u32 v6, v10;
	v8 =	vor.u32 v19, v9  }
0x8f: {  	v9 =	vand.u32 $0x1FF8, v18;
	v20 =	vor.u32 v23, v8;
	v6 =	vshrl.u32 v25, $0xA  }
0x90: {  	v10 =	vand.u32 $0x7, v17;
	v8 =	vand.u32 $0xFFFFE000, v15;
	[tilespmem:$0x150] =	vst v5;
	v5 =	vor.u32 v22, v9  }
0x91: {  	v11 =	vor.u32 v11, v12;
	v9 =	vand.u32 $0xFFFFE000, v25;
	v5 =	vor.u32 v10, v5  }
.Ltmp1:
0x92: {  	v10 =	vor.u32 v8, v13;
	v8 =	vor.u32 v16, v11;
	v13 =	vshll.u32 v25, $0x3;
	[tilespmem:$0x230] =	vst v5;
	(pc) =	sbr.rel @p0 .LBB2_1-.Ltmp1, $4  }
0x93: {  	v14 =	vshrl.u32 v26, $0xA;
	v15 =	vshrl.u32 v7, $0xA;
	v5 =	vshll.u32 v7, $0x3;
	v12 =	vld [tilespmem:$0xF0]  }
0x94: {  	v16 =	vand.u32 $0xFFFFE000, v26;
	v17 =	vand.u32 $0x1FF8, v5;
	v5 =	vshll.u32 v4, $0x3;
	[tilespmem:$0x170] =	vst v8;
	v8 =	vld [tilespmem:$0xE0]  }
0x95: {  	v19 =	vshll.u32 v26, $0x3;
	v21 =	vshrl.u32 v4, $0xA;
	v18 =	vand.u32 $0xFFFFE000, v7;
	v11 =	vld [tilespmem:$0xD0];
	[tilespmem:$0x260] =	vst v20  }
0x96: {  	v7 =	vand.u32 $0x1FF8, v5;
	v5 =	vand.u32 $0x7, v21;
	v20 =	vand.u32 $0x7, v15;
	v15 =	vld [tilespmem:$0xC0]  }
.LBB2_2:
0x97: {  	v17 =	vor.u32 v18, v17;
	v58 =	vand.u32 $0x1FF8, v19  }
0x98: {  	v13 =	vand.u32 $0x1FF8, v13;
	v4 =	vand.u32 $0xFFFFE000, v4;
	v14 =	vand.u32 $0x7, v14  }
0x99: {  	v6 =	vand.u32 $0x7, v6;
	v2 =	vor.u32 v2, v10;
	v0 =	vor.u32 v0, v3  }
0x9a: {  	v17 =	vor.u32 v20, v17;
	v16 =	vor.u32 v16, v58;
	v18 =	vshrl.u32 v12, $0xA  }
0x9b: {  	v9 =	vor.u32 v9, v13;
	v13 =	vand.u32 $0xFFFFE000, v12;
	v61 =	vshll.u32 v12, $0x3  }
0x9c: {  	v4 =	vor.u32 v4, v7;
	v14 =	vor.u32 v14, v16;
	v6 =	vor.u32 v6, v9  }
0x9d: {  	v24 =	vld [tilespmem:$0xC0];
	v12 =	vand.u32 $0x1FF8, v61;
	v4 =	vor.u32 v5, v4;
	v61 =	vand.u32 $0x7, v18  }
0x9e: {  	v21 =	vld [tilespmem:$0xA0];
	v63 =	vshrl.u32 v8, $0xA;
	v25 =	vshrl.u32 v11, $0xA;
	v26 =	vshll.u32 v11, $0x3  }
0x9f: {  	v29 =	vld [tilespmem:$0x80];
	v27 =	vand.u32 $0xFFFFE000, v11;
	v28 =	vand.u32 $0xFFFFE000, v8;
	v30 =	vshll.u32 v8, $0x3  }
0xa0: {  	v31 =	vld [tilespmem:$0x90];
	v59 =	vand.u32 $0xFFFFE000, v15;
	v60 =	vshll.u32 v15, $0x3;
	v62 =	vshrl.u32 v15, $0xA  }
0xa1: {  	v16 =	vand.u32 $0x7, v63;
	v20 =	vand.u32 $0x1FF8, v26;
	v8 =	vand.u32 $0x1FF8, v30  }
0xa2: {  	v40 =	vld [tilespmem:$0xD0];
	v10 =	vand.u32 $0x1FF8, v60;
	v11 =	vor.u32 v27, v20;
	v15 =	vand.u32 $0x7, v62  }
0xa3: {  	[tilespmem:$0x130] =	vst v1;
	v32 =	vshrl.u32 v24, $0xA;
	v33 =	vand.u32 $0xFFFFE000, v24;
	v34 =	vor.u32 v28, v8  }
0xa4: {  	[tilespmem:$0x140] =	vst v0;
	v36 =	vshll.u32 v29, $0x3;
	v37 =	vshrl.u32 v21, $0xA;
	v38 =	vand.u32 $0xFFFFE000, v29  }
0xa5: {  	[tilespmem:$0x120] =	vst v2;
	v9 =	vshrl.u32 v29, $0xA;
	v42 =	vshrl.u32 v31, $0xA;
	v43 =	vshll.u32 v24, $0x3  }
0xa6: {  	[tilespmem:$0x160] =	vst v17;
	v44 =	vand.u32 $0xFFFFE000, v21;
	v45 =	vshll.u32 v21, $0x3;
	v46 =	vshll.u32 v31, $0x3  }
0xa7: {  	[tilespmem:$0x1A0] =	vst v6;
	v52 =	vand.u32 $0xFFFFE000, v31;
	v54 =	vshrl.u32 v40, $0xA;
	v57 =	vshll.u32 v40, $0x3  }
0xa8: {  	[tilespmem:$0x190] =	vst v14;
	v58 =	vand.u32 $0xFFFFE000, v40;
	v62 =	vor.u32 v13, v12;
	v3 =	vor.u32 v59, v10  }
0xa9: {  	[tilespmem:$0x180] =	vst v4;
	v10 =	vand.u32 $0x7, v25;
	v35 =	vand.u32 $0x7, v32;
	v1 =	vor.u32 v16, v34  }
0xaa: {  	v0 =	vand.u32 $0x1FF8, v36;
	v39 =	vand.u32 $0x7, v37;
	v63 =	vor.u32 v61, v62;
	[tilespmem:$0x1E0] =	vst v1  }
0xab: {  	v41 =	vand.u32 $0x7, v9;
	v47 =	vand.u32 $0x1FF8, v45;
	v10 =	vor.u32 v10, v11;
	[tilespmem:$0x1F0] =	vst v63  }
0xac: {  	v48 =	vand.u32 $0x1FF8, v43;
	v0 =	vor.u32 v38, v0;
	v56 =	vor.u32 v15, v3;
	[tilespmem:$0x1D0] =	vst v10  }
0xad: {  	v49 =	vand.u32 $0x1FF8, v46;
	v51 =	vor.u32 v33, v48;
	v0 =	vor.u32 v41, v0;
	[tilespmem:$0x1C0] =	vst v56  }
0xae: {  	v53 =	vand.u32 $0x7, v42;
	v50 =	vor.u32 v44, v47;
	v59 =	vor.u32 v35, v51;
	[tilespmem:$0x200] =	vst v0  }
0xaf: {  	v55 =	vor.u32 v52, v49;
	v3 =	vand.u32 $0x1FF8, v57;
	v0 =	vor.u32 v39, v50;
	[tilespmem:$0x240] =	vst v59  }
0xb0: {  	v60 =	vand.u32 $0x7, v54;
	v1 =	vor.u32 v53, v55;
	[tilespmem:$0x220] =	vst v0;
	v0 =	vor.u32 v58, v3  }
0xb1: {  	[tilespmem:$0x210] =	vst v1;
	v0 =	vor.u32 v60, v0  }
0xb2: {  	[tilespmem:$0x250] =	vst v0  }
0xb3: {  	[tilespmem:s11], [sflag:$0x1] =	stream.indirect.gather [hbm4b:s12+s4], $0x10, s15, s4, $0xb8;
	[tilespmem:$0x1A80] =	vst v63  }
0xb4: {  	_ = 	snop  }
0xb5: {  	[tilespmem:s13], [sflag:$0x1] =	stream.indirect.gather [hbm4b:s12+s4], $0x10, s16, s4, $0xb8;
	[tilespmem:$0x1A80] =	vst v63  }
0xb6: {  	_ = 	snop  }
0xb7: {  	[tilespmem:s14], [sflag:$0x1] =	stream.indirect.gather [hbm4b:s9+s4], $0x10, s18, s4, $0xb8;
	[tilespmem:$0x1A80] =	vst v63  }
0xb8: {  	_ =	swait.ge [sflag:s17], $0x800  }
0xb9: {  	[sflag:s17] =	ssyncset.done $0x0  }
0xba: {  	[sflag:s17] =	ssyncadd.s32 $0xFFFFF800  }
0xbb: {  	_ =	swait.ge [sflag:s17], $0x800  }
0xbc: {  	[sflag:s17] =	ssyncset.done $0x0  }
0xbd: {  	[sflag:s17] =	ssyncadd.s32 $0xFFFFF800  }
0xbe: {  	_ =	swait.ge [sflag:s17], $0x800  }
0xbf: {  	[sflag:s17] =	ssyncset.done $0x0  }
0xc0: {  	[sflag:s17] =	ssyncadd.s32 $0xFFFFF800  }
0xc1: {  	[hbm4b:s7+s2] =	stream.linear.scatter [tilespmem:s11], [sflag:$0x2], $0x800, $0x38;
	[tilespmem:$0x1A80] =	vst v63  }
0xc2: {  	_ =	swait.ge [sflag:s3], $0x800  }
0xc3: {  	[sflag:s3] =	ssyncset.done $0x0  }
0xc4: {  	[sflag:s3] =	ssyncadd.s32 $0xFFFFF800  }
0xc5: {  	[hbm4b:s5+s2] =	stream.linear.scatter [tilespmem:s13], [sflag:$0x2], $0x800, $0x38;
	[tilespmem:$0x1A80] =	vst v63  }
0xc6: {  	_ =	swait.ge [sflag:s3], $0x800  }
0xc7: {  	[sflag:s3] =	ssyncset.done $0x0  }
0xc8: {  	[sflag:s3] =	ssyncadd.s32 $0xFFFFF800  }
0xc9: {  	[hbm4b:s6+s2] =	stream.linear.scatter [tilespmem:s14], [sflag:$0x2], $0x800, $0x38;
	[tilespmem:$0x1A80] =	vst v63  }
0xca: {  	_ =	swait.ge [sflag:s3], $0x800  }
0xcb: {  	[sflag:s3] =	ssyncset.done $0x0  }
0xcc: {  	[sflag:s3] =	ssyncadd.s32 $0xFFFFF800  }
0xcd: {  	_ =	sfence.sel $0x180000  }
0xce: {  	[bflag:$0x0] =	sbarrier.arrive $0xFFFF  }
0xcf: {  	p0 =	sne.s32 s0, $0x0;
	_ =	strace $0x90000047  }
0xd0: {  	s0 =	sadd.s32 @!p0 $0x100000, s1;
	[bflag:$0x2] =	sbarrier.arrive $0xFFFF  }
0xd1: {  	[sflag:s0] =	ssyncadd.tile.s32 @!p0 $0x1;
	_ =	shalt  }
.Lfunc_end2:
_tile_overlayer_lowered:
.L_overlay_start_2:
0xd2: {  	(tag) =	ssettag $0x2  }
0xd3: {  	s0 =	rddreg [dreg:$0x0];
	s2 =	stileid.u32  }
0xd4: {  	s1 =	rddreg [dreg:$0x1];
	p0 =	sne.s32 s2, $0x0  }
0xd5: {  	s3 =	rddreg [dreg:$0x2];
	[bflag:$0x3] =	sbarrier.arrive $0xFFFF;
	s2 =	simm.s32 @!p0 $0x1C02  }
0xd6: {  	[timem:s3], [sflag:s2] =	dma.local @!p0 [hbm:s0], s1  }
0xd7: {  	s0 =	simm.s32 @!p0 $0x2  }
0xd8: {  	_ =	swait.ge @!p0 [sflag:s0], s1  }
0xd9: {  	s1 =	ssub.s32 @!p0 $0x0, s1;
	[sflag:s0] =	ssyncset.done @!p0 $0x0  }
0xda: {  	[sflag:s0] =	ssyncadd.s32 @!p0 s1  }
0xdb: {  	[bflag:$0x3] =	sbarrier.arrive $0xFFFF  }
0xdc: {  	_ =	shalt  }

</sc_bundles>
